<compile_context>
chip_gen: v7x
topology: tpu7x:2x2x1
jax: 0.10.2.dev20260603
libtpu: 0.0.44.dev20260713+nightly
codegen_flags: <defaults>
</compile_context>

<pallas_src>
import functools

import jax
import jax.numpy as jnp
from jax import lax
from jax.experimental import pallas as pl
from jax.experimental.pallas import tpu as pltpu
from jax.experimental.pallas import tpu_sc as plsc

SEQ, BATCH, DIM = 8192, 4, 2048
NC, NS = 2, 16
NW = NC * NS
ROWS_PER_W = SEQ // NW
R = 2
CHUNKS = ROWS_PER_W // R
NBUF_IN = 4
NBUF_OUT = 2
OUTER = CHUNKS // NBUF_IN


def _sc_body(x_hbm, w_hbm, out_hbm, ybuf, wbuf, obuf,
             isem0, isem1, isem2, isem3, osem0, osem1):
    cid = lax.axis_index("c")
    sid = lax.axis_index("s")
    base = (cid * NS + sid) * ROWS_PER_W
    isems = (isem0, isem1, isem2, isem3)
    osems = (osem0, osem1)

    def start_in(chunk, si):
        row0 = base + chunk * R
        pltpu.async_copy(x_hbm.at[pl.ds(row0, R)], ybuf.at[si], isems[si])
        pltpu.async_copy(w_hbm.at[pl.ds(row0, R)], wbuf.at[si], isems[si])

    def wait_in(si):
        pltpu.make_async_copy(x_hbm.at[pl.ds(base, R)], ybuf.at[si], isems[si]).wait()
        pltpu.make_async_copy(w_hbm.at[pl.ds(base, R)], wbuf.at[si], isems[si]).wait()

    def start_out(chunk, so):
        row0 = base + chunk * R
        pltpu.async_copy(obuf.at[so], out_hbm.at[pl.ds(row0, R)], osems[so])

    def wait_out(so):
        pltpu.make_async_copy(obuf.at[so], out_hbm.at[pl.ds(base, R)], osems[so]).wait()

    def compute(si, so):
        @plsc.parallel_loop(0, DIM // 16, 1, unroll=16)
        def jbody(j, _si=si, _so=so):
            off = j * 16
            for r in range(R):
                wv = wbuf[_si, r, pl.ds(off, 16)]
                for b in range(BATCH):
                    obuf[_so, r, b, pl.ds(off, 16)] = (
                        ybuf[_si, r, b, pl.ds(off, 16)] + wv
                    )

    for k in range(NBUF_IN):
        start_in(k, k)

    def outer(g, carry):
        for k in range(NBUF_IN):
            c = g * NBUF_IN + k
            si = k
            so = k % NBUF_OUT
            if k < NBUF_OUT:
                @pl.when(g >= 1)
                def _():
                    wait_out(so)
            else:
                wait_out(so)
            wait_in(si)
            compute(si, so)
            start_out(c, so)

            @pl.when(g < OUTER - 1)
            def _():
                start_in(c + NBUF_IN, si)
        return carry

    lax.fori_loop(0, OUTER, outer, 0)

    wait_out(0)
    wait_out(1)


@functools.partial(
    pl.kernel,
    mesh=plsc.VectorSubcoreMesh(core_axis_name="c", subcore_axis_name="s"),
    out_type=jax.ShapeDtypeStruct((SEQ, BATCH, DIM), jnp.float32),
    scratch_types=[
        pltpu.VMEM((NBUF_IN, R, BATCH, DIM), jnp.float32),
        pltpu.VMEM((NBUF_IN, R, DIM), jnp.float32),
        pltpu.VMEM((NBUF_OUT, R, BATCH, DIM), jnp.float32),
        pltpu.SemaphoreType.DMA,
        pltpu.SemaphoreType.DMA,
        pltpu.SemaphoreType.DMA,
        pltpu.SemaphoreType.DMA,
        pltpu.SemaphoreType.DMA,
        pltpu.SemaphoreType.DMA,
    ],
)
def _sc_add(x_hbm, w_hbm, out_hbm, ybuf, wbuf, obuf,
            isem0, isem1, isem2, isem3, osem0, osem1):
    _sc_body(x_hbm, w_hbm, out_hbm, ybuf, wbuf, obuf,
             isem0, isem1, isem2, isem3, osem0, osem1)


def kernel(x, weight):
    return _sc_add(x, weight[:SEQ])

# --- scband reference (transcript-rebuilt; emitter-appended) ---
"""Pipeline reference for scband-trainable-position-embedding-7215545057529 (READ-ONLY COPY).

The authoritative reference and input builder live on the scoring server;
editing this copy changes nothing except your own understanding.
"""

import jax, jax.numpy as jnp
import numpy as np

NUM_EMBEDDINGS = 8192
EMBEDDING_DIM = 2048
SEQ_LEN = 8192
BATCH = 4


def setup_inputs(seed: int = 0) -> dict:
    key = jax.random.key(seed)
    k1, k2 = jax.random.split(key)
    x = jax.random.normal(k1, (SEQ_LEN, BATCH, EMBEDDING_DIM), dtype=jnp.float32)
    # xavier_normal_ for weight [num_embeddings, embedding_dim]
    std = float(np.sqrt(2.0 / (NUM_EMBEDDINGS + EMBEDDING_DIM)))
    weight = jax.random.normal(k2, (NUM_EMBEDDINGS, EMBEDDING_DIM), dtype=jnp.float32) * std
    return {"x": x, "weight": weight}


def reference(x, weight):
    # MODE_ADD: x is [seq_len, batch, dim]
    xt = jnp.transpose(x, (1, 0, 2))  # [batch, seq_len, dim]
    seq_len = xt.shape[1]
    embeddings = weight[:seq_len, :].reshape(1, seq_len, EMBEDDING_DIM)
    out = xt + embeddings
    return jnp.transpose(out, (1, 0, 2))  # back to [seq_len, batch, dim]

if __name__ == "__main__":
    import jax
    _d = setup_inputs()
    print(jax.jit(kernel)(*tuple(_d.values())))

</pallas_src>

<mosaic_0001>
#map = affine_map<(d0, d1) -> (0, 0, 0)>
#map1 = affine_map<(d0, d1) -> (0, 0)>
module attributes {stable_mosaic.version = 14 : i64} {
  func.func @_sc_add(%arg0: i32, %arg1: i32, %arg2: memref<8192x4x2048xf32, #tpu.memory_space<hbm>>, %arg3: memref<8192x2048xf32, #tpu.memory_space<hbm>>, %arg4: memref<8192x4x2048xf32, #tpu.memory_space<hbm>>, %arg5: memref<4x2x4x2048xf32, #tpu.memory_space<vmem>>, %arg6: memref<4x2x2048xf32, #tpu.memory_space<vmem>>, %arg7: memref<2x2x4x2048xf32, #tpu.memory_space<vmem>>, %arg8: memref<!tpu.dma_semaphore, #tpu.memory_space<semaphore_mem>>, %arg9: memref<!tpu.dma_semaphore, #tpu.memory_space<semaphore_mem>>, %arg10: memref<!tpu.dma_semaphore, #tpu.memory_space<semaphore_mem>>, %arg11: memref<!tpu.dma_semaphore, #tpu.memory_space<semaphore_mem>>, %arg12: memref<!tpu.dma_semaphore, #tpu.memory_space<semaphore_mem>>, %arg13: memref<!tpu.dma_semaphore, #tpu.memory_space<semaphore_mem>>) attributes {dimension_semantics = [#tpu.dimension_semantics<core_parallel>, #tpu.dimension_semantics<subcore_parallel>], iteration_bounds = array<i64: 2, 16>, scalar_prefetch = 0 : i64, scratch_operands = 9 : i64, tpu.core_type = #tpu.core_type<sc_vector_subcore>, window_params = [{transform_indices = #map}, {transform_indices = #map1}, {transform_indices = #map}]} {
    %mul3A = arith.constant 16 : i32
    %mul3A_0 = arith.muli %arg0, %mul3A : i32
    %add3A = arith.addi %mul3A_0, %arg1 : i32
    %mul3A_1 = arith.constant 256 : i32
    %mul3A_2 = arith.muli %add3A, %mul3A_1 : i32
    %add3A_3 = arith.constant 0 : i32
    %add3A_4 = arith.addi %mul3A_2, %add3A_3 : i32
    %dma_start3A = arith.constant 0 : i32
    %dma_start3A_5 = arith.constant 0 : i32
    %dma_start3A_6 = arith.constant 0 : i32
    %dma_start3A_7 = arith.constant 0 : i32
    %dma_start3A_8 = tpu.memref_slice %arg5[%dma_start3A, %dma_start3A_5, %dma_start3A_6, %dma_start3A_7] : memref<4x2x4x2048xf32, #tpu.memory_space<vmem>> -> memref<1x2x4x2048xf32, #tpu.memory_space<vmem>>
    %dma_start3A_9 = tpu.memref_squeeze %dma_start3A_8 : memref<1x2x4x2048xf32, #tpu.memory_space<vmem>> -> memref<2x4x2048xf32, #tpu.memory_space<vmem>>
    %dma_start3A_10 = arith.constant 0 : i32
    %dma_start3A_11 = arith.constant 0 : i32
    %dma_start3A_12 = tpu.memref_slice %arg2[%add3A_4, %dma_start3A_10, %dma_start3A_11] : memref<8192x4x2048xf32, #tpu.memory_space<hbm>> -> memref<2x4x2048xf32, #tpu.memory_space<hbm>>
    %dma_start3A_13 = arith.constant 0 : i32
    %dma_start3A_14 = arith.constant 0 : i32
    %dma_start3A_15 = arith.constant 0 : i32
    %dma_start3A_16 = tpu.memref_slice %arg5[%dma_start3A, %dma_start3A_13, %dma_start3A_14, %dma_start3A_15] : memref<4x2x4x2048xf32, #tpu.memory_space<vmem>> -> memref<1x2x4x2048xf32, #tpu.memory_space<vmem>>
    %dma_start3A_17 = tpu.memref_squeeze %dma_start3A_16 : memref<1x2x4x2048xf32, #tpu.memory_space<vmem>> -> memref<2x4x2048xf32, #tpu.memory_space<vmem>>
    %dma_start3A_18 = arith.constant 0 : i32
    %dma_start3A_19 = arith.constant 0 : i32
    %dma_start3A_20 = tpu.memref_slice %arg2[%add3A_4, %dma_start3A_18, %dma_start3A_19] : memref<8192x4x2048xf32, #tpu.memory_space<hbm>> -> memref<2x4x2048xf32, #tpu.memory_space<hbm>>
    tpu.enqueue_dma source(%dma_start3A_20 : memref<2x4x2048xf32, #tpu.memory_space<hbm>>) target(%dma_start3A_17 : memref<2x4x2048xf32, #tpu.memory_space<vmem>>) target_semaphore(%arg8 : memref<!tpu.dma_semaphore, #tpu.memory_space<semaphore_mem>>)
    %dma_start3A_21 = arith.constant 0 : i32
    %dma_start3A_22 = arith.constant 0 : i32
    %dma_start3A_23 = arith.constant 0 : i32
    %dma_start3A_24 = tpu.memref_slice %arg6[%dma_start3A_21, %dma_start3A_22, %dma_start3A_23] : memref<4x2x2048xf32, #tpu.memory_space<vmem>> -> memref<1x2x2048xf32, #tpu.memory_space<vmem>>
    %dma_start3A_25 = tpu.memref_squeeze %dma_start3A_24 : memref<1x2x2048xf32, #tpu.memory_space<vmem>> -> memref<2x2048xf32, #tpu.memory_space<vmem>>
    %dma_start3A_26 = arith.constant 0 : i32
    %dma_start3A_27 = tpu.memref_slice %arg3[%add3A_4, %dma_start3A_26] : memref<8192x2048xf32, #tpu.memory_space<hbm>> -> memref<2x2048xf32, #tpu.memory_space<hbm>>
    %dma_start3A_28 = arith.constant 0 : i32
    %dma_start3A_29 = arith.constant 0 : i32
    %dma_start3A_30 = tpu.memref_slice %arg6[%dma_start3A_21, %dma_start3A_28, %dma_start3A_29] : memref<4x2x2048xf32, #tpu.memory_space<vmem>> -> memref<1x2x2048xf32, #tpu.memory_space<vmem>>
    %dma_start3A_31 = tpu.memref_squeeze %dma_start3A_30 : memref<1x2x2048xf32, #tpu.memory_space<vmem>> -> memref<2x2048xf32, #tpu.memory_space<vmem>>
    %dma_start3A_32 = arith.constant 0 : i32
    %dma_start3A_33 = tpu.memref_slice %arg3[%add3A_4, %dma_start3A_32] : memref<8192x2048xf32, #tpu.memory_space<hbm>> -> memref<2x2048xf32, #tpu.memory_space<hbm>>
    tpu.enqueue_dma source(%dma_start3A_33 : memref<2x2048xf32, #tpu.memory_space<hbm>>) target(%dma_start3A_31 : memref<2x2048xf32, #tpu.memory_space<vmem>>) target_semaphore(%arg8 : memref<!tpu.dma_semaphore, #tpu.memory_space<semaphore_mem>>)
    %add3A_34 = arith.constant 2 : i32
    %add3A_35 = arith.addi %mul3A_2, %add3A_34 : i32
    %dma_start3A_36 = arith.constant 1 : i32
    %dma_start3A_37 = arith.constant 0 : i32
    %dma_start3A_38 = arith.constant 0 : i32
    %dma_start3A_39 = arith.constant 0 : i32
    %dma_start3A_40 = tpu.memref_slice %arg5[%dma_start3A_36, %dma_start3A_37, %dma_start3A_38, %dma_start3A_39] : memref<4x2x4x2048xf32, #tpu.memory_space<vmem>> -> memref<1x2x4x2048xf32, #tpu.memory_space<vmem>>
    %dma_start3A_41 = tpu.memref_squeeze %dma_start3A_40 : memref<1x2x4x2048xf32, #tpu.memory_space<vmem>> -> memref<2x4x2048xf32, #tpu.memory_space<vmem>>
    %dma_start3A_42 = arith.constant 0 : i32
    %dma_start3A_43 = arith.constant 0 : i32
    %dma_start3A_44 = tpu.memref_slice %arg2[%add3A_35, %dma_start3A_42, %dma_start3A_43] : memref<8192x4x2048xf32, #tpu.memory_space<hbm>> -> memref<2x4x2048xf32, #tpu.memory_space<hbm>>
    %dma_start3A_45 = arith.constant 0 : i32
    %dma_start3A_46 = arith.constant 0 : i32
    %dma_start3A_47 = arith.constant 0 : i32
    %dma_start3A_48 = tpu.memref_slice %arg5[%dma_start3A_36, %dma_start3A_45, %dma_start3A_46, %dma_start3A_47] : memref<4x2x4x2048xf32, #tpu.memory_space<vmem>> -> memref<1x2x4x2048xf32, #tpu.memory_space<vmem>>
    %dma_start3A_49 = tpu.memref_squeeze %dma_start3A_48 : memref<1x2x4x2048xf32, #tpu.memory_space<vmem>> -> memref<2x4x2048xf32, #tpu.memory_space<vmem>>
    %dma_start3A_50 = arith.constant 0 : i32
    %dma_start3A_51 = arith.constant 0 : i32
    %dma_start3A_52 = tpu.memref_slice %arg2[%add3A_35, %dma_start3A_50, %dma_start3A_51] : memref<8192x4x2048xf32, #tpu.memory_space<hbm>> -> memref<2x4x2048xf32, #tpu.memory_space<hbm>>
    tpu.enqueue_dma source(%dma_start3A_52 : memref<2x4x2048xf32, #tpu.memory_space<hbm>>) target(%dma_start3A_49 : memref<2x4x2048xf32, #tpu.memory_space<vmem>>) target_semaphore(%arg9 : memref<!tpu.dma_semaphore, #tpu.memory_space<semaphore_mem>>)
    %dma_start3A_53 = arith.constant 1 : i32
    %dma_start3A_54 = arith.constant 0 : i32
    %dma_start3A_55 = arith.constant 0 : i32
    %dma_start3A_56 = tpu.memref_slice %arg6[%dma_start3A_53, %dma_start3A_54, %dma_start3A_55] : memref<4x2x2048xf32, #tpu.memory_space<vmem>> -> memref<1x2x2048xf32, #tpu.memory_space<vmem>>
    %dma_start3A_57 = tpu.memref_squeeze %dma_start3A_56 : memref<1x2x2048xf32, #tpu.memory_space<vmem>> -> memref<2x2048xf32, #tpu.memory_space<vmem>>
    %dma_start3A_58 = arith.constant 0 : i32
    %dma_start3A_59 = tpu.memref_slice %arg3[%add3A_35, %dma_start3A_58] : memref<8192x2048xf32, #tpu.memory_space<hbm>> -> memref<2x2048xf32, #tpu.memory_space<hbm>>
    %dma_start3A_60 = arith.constant 0 : i32
    %dma_start3A_61 = arith.constant 0 : i32
    %dma_start3A_62 = tpu.memref_slice %arg6[%dma_start3A_53, %dma_start3A_60, %dma_start3A_61] : memref<4x2x2048xf32, #tpu.memory_space<vmem>> -> memref<1x2x2048xf32, #tpu.memory_space<vmem>>
    %dma_start3A_63 = tpu.memref_squeeze %dma_start3A_62 : memref<1x2x2048xf32, #tpu.memory_space<vmem>> -> memref<2x2048xf32, #tpu.memory_space<vmem>>
    %dma_start3A_64 = arith.constant 0 : i32
    %dma_start3A_65 = tpu.memref_slice %arg3[%add3A_35, %dma_start3A_64] : memref<8192x2048xf32, #tpu.memory_space<hbm>> -> memref<2x2048xf32, #tpu.memory_space<hbm>>
    tpu.enqueue_dma source(%dma_start3A_65 : memref<2x2048xf32, #tpu.memory_space<hbm>>) target(%dma_start3A_63 : memref<2x2048xf32, #tpu.memory_space<vmem>>) target_semaphore(%arg9 : memref<!tpu.dma_semaphore, #tpu.memory_space<semaphore_mem>>)
    %add3A_66 = arith.constant 4 : i32
    %add3A_67 = arith.addi %mul3A_2, %add3A_66 : i32
    %dma_start3A_68 = arith.constant 2 : i32
    %dma_start3A_69 = arith.constant 0 : i32
    %dma_start3A_70 = arith.constant 0 : i32
    %dma_start3A_71 = arith.constant 0 : i32
    %dma_start3A_72 = tpu.memref_slice %arg5[%dma_start3A_68, %dma_start3A_69, %dma_start3A_70, %dma_start3A_71] : memref<4x2x4x2048xf32, #tpu.memory_space<vmem>> -> memref<1x2x4x2048xf32, #tpu.memory_space<vmem>>
    %dma_start3A_73 = tpu.memref_squeeze %dma_start3A_72 : memref<1x2x4x2048xf32, #tpu.memory_space<vmem>> -> memref<2x4x2048xf32, #tpu.memory_space<vmem>>
    %dma_start3A_74 = arith.constant 0 : i32
    %dma_start3A_75 = arith.constant 0 : i32
    %dma_start3A_76 = tpu.memref_slice %arg2[%add3A_67, %dma_start3A_74, %dma_start3A_75] : memref<8192x4x2048xf32, #tpu.memory_space<hbm>> -> memref<2x4x2048xf32, #tpu.memory_space<hbm>>
    %dma_start3A_77 = arith.constant 0 : i32
    %dma_start3A_78 = arith.constant 0 : i32
    %dma_start3A_79 = arith.constant 0 : i32
    %dma_start3A_80 = tpu.memref_slice %arg5[%dma_start3A_68, %dma_start3A_77, %dma_start3A_78, %dma_start3A_79] : memref<4x2x4x2048xf32, #tpu.memory_space<vmem>> -> memref<1x2x4x2048xf32, #tpu.memory_space<vmem>>
    %dma_start3A_81 = tpu.memref_squeeze %dma_start3A_80 : memref<1x2x4x2048xf32, #tpu.memory_space<vmem>> -> memref<2x4x2048xf32, #tpu.memory_space<vmem>>
    %dma_start3A_82 = arith.constant 0 : i32
    %dma_start3A_83 = arith.constant 0 : i32
    %dma_start3A_84 = tpu.memref_slice %arg2[%add3A_67, %dma_start3A_82, %dma_start3A_83] : memref<8192x4x2048xf32, #tpu.memory_space<hbm>> -> memref<2x4x2048xf32, #tpu.memory_space<hbm>>
    tpu.enqueue_dma source(%dma_start3A_84 : memref<2x4x2048xf32, #tpu.memory_space<hbm>>) target(%dma_start3A_81 : memref<2x4x2048xf32, #tpu.memory_space<vmem>>) target_semaphore(%arg10 : memref<!tpu.dma_semaphore, #tpu.memory_space<semaphore_mem>>)
    %dma_start3A_85 = arith.constant 2 : i32
    %dma_start3A_86 = arith.constant 0 : i32
    %dma_start3A_87 = arith.constant 0 : i32
    %dma_start3A_88 = tpu.memref_slice %arg6[%dma_start3A_85, %dma_start3A_86, %dma_start3A_87] : memref<4x2x2048xf32, #tpu.memory_space<vmem>> -> memref<1x2x2048xf32, #tpu.memory_space<vmem>>
    %dma_start3A_89 = tpu.memref_squeeze %dma_start3A_88 : memref<1x2x2048xf32, #tpu.memory_space<vmem>> -> memref<2x2048xf32, #tpu.memory_space<vmem>>
    %dma_start3A_90 = arith.constant 0 : i32
    %dma_start3A_91 = tpu.memref_slice %arg3[%add3A_67, %dma_start3A_90] : memref<8192x2048xf32, #tpu.memory_space<hbm>> -> memref<2x2048xf32, #tpu.memory_space<hbm>>
    %dma_start3A_92 = arith.constant 0 : i32
    %dma_start3A_93 = arith.constant 0 : i32
    %dma_start3A_94 = tpu.memref_slice %arg6[%dma_start3A_85, %dma_start3A_92, %dma_start3A_93] : memref<4x2x2048xf32, #tpu.memory_space<vmem>> -> memref<1x2x2048xf32, #tpu.memory_space<vmem>>
    %dma_start3A_95 = tpu.memref_squeeze %dma_start3A_94 : memref<1x2x2048xf32, #tpu.memory_space<vmem>> -> memref<2x2048xf32, #tpu.memory_space<vmem>>
    %dma_start3A_96 = arith.constant 0 : i32
    %dma_start3A_97 = tpu.memref_slice %arg3[%add3A_67, %dma_start3A_96] : memref<8192x2048xf32, #tpu.memory_space<hbm>> -> memref<2x2048xf32, #tpu.memory_space<hbm>>
    tpu.enqueue_dma source(%dma_start3A_97 : memref<2x2048xf32, #tpu.memory_space<hbm>>) target(%dma_start3A_95 : memref<2x2048xf32, #tpu.memory_space<vmem>>) target_semaphore(%arg10 : memref<!tpu.dma_semaphore, #tpu.memory_space<semaphore_mem>>)
    %add3A_98 = arith.constant 6 : i32
    %add3A_99 = arith.addi %mul3A_2, %add3A_98 : i32
    %dma_start3A_100 = arith.constant 3 : i32
    %dma_start3A_101 = arith.constant 0 : i32
    %dma_start3A_102 = arith.constant 0 : i32
    %dma_start3A_103 = arith.constant 0 : i32
    %dma_start3A_104 = tpu.memref_slice %arg5[%dma_start3A_100, %dma_start3A_101, %dma_start3A_102, %dma_start3A_103] : memref<4x2x4x2048xf32, #tpu.memory_space<vmem>> -> memref<1x2x4x2048xf32, #tpu.memory_space<vmem>>
    %dma_start3A_105 = tpu.memref_squeeze %dma_start3A_104 : memref<1x2x4x2048xf32, #tpu.memory_space<vmem>> -> memref<2x4x2048xf32, #tpu.memory_space<vmem>>
    %dma_start3A_106 = arith.constant 0 : i32
    %dma_start3A_107 = arith.constant 0 : i32
    %dma_start3A_108 = tpu.memref_slice %arg2[%add3A_99, %dma_start3A_106, %dma_start3A_107] : memref<8192x4x2048xf32, #tpu.memory_space<hbm>> -> memref<2x4x2048xf32, #tpu.memory_space<hbm>>
    %dma_start3A_109 = arith.constant 0 : i32
    %dma_start3A_110 = arith.constant 0 : i32
    %dma_start3A_111 = arith.constant 0 : i32
    %dma_start3A_112 = tpu.memref_slice %arg5[%dma_start3A_100, %dma_start3A_109, %dma_start3A_110, %dma_start3A_111] : memref<4x2x4x2048xf32, #tpu.memory_space<vmem>> -> memref<1x2x4x2048xf32, #tpu.memory_space<vmem>>
    %dma_start3A_113 = tpu.memref_squeeze %dma_start3A_112 : memref<1x2x4x2048xf32, #tpu.memory_space<vmem>> -> memref<2x4x2048xf32, #tpu.memory_space<vmem>>
    %dma_start3A_114 = arith.constant 0 : i32
    %dma_start3A_115 = arith.constant 0 : i32
    %dma_start3A_116 = tpu.memref_slice %arg2[%add3A_99, %dma_start3A_114, %dma_start3A_115] : memref<8192x4x2048xf32, #tpu.memory_space<hbm>> -> memref<2x4x2048xf32, #tpu.memory_space<hbm>>
    tpu.enqueue_dma source(%dma_start3A_116 : memref<2x4x2048xf32, #tpu.memory_space<hbm>>) target(%dma_start3A_113 : memref<2x4x2048xf32, #tpu.memory_space<vmem>>) target_semaphore(%arg11 : memref<!tpu.dma_semaphore, #tpu.memory_space<semaphore_mem>>)
    %dma_start3A_117 = arith.constant 3 : i32
    %dma_start3A_118 = arith.constant 0 : i32
    %dma_start3A_119 = arith.constant 0 : i32
    %dma_start3A_120 = tpu.memref_slice %arg6[%dma_start3A_117, %dma_start3A_118, %dma_start3A_119] : memref<4x2x2048xf32, #tpu.memory_space<vmem>> -> memref<1x2x2048xf32, #tpu.memory_space<vmem>>
    %dma_start3A_121 = tpu.memref_squeeze %dma_start3A_120 : memref<1x2x2048xf32, #tpu.memory_space<vmem>> -> memref<2x2048xf32, #tpu.memory_space<vmem>>
    %dma_start3A_122 = arith.constant 0 : i32
    %dma_start3A_123 = tpu.memref_slice %arg3[%add3A_99, %dma_start3A_122] : memref<8192x2048xf32, #tpu.memory_space<hbm>> -> memref<2x2048xf32, #tpu.memory_space<hbm>>
    %dma_start3A_124 = arith.constant 0 : i32
    %dma_start3A_125 = arith.constant 0 : i32
    %dma_start3A_126 = tpu.memref_slice %arg6[%dma_start3A_117, %dma_start3A_124, %dma_start3A_125] : memref<4x2x2048xf32, #tpu.memory_space<vmem>> -> memref<1x2x2048xf32, #tpu.memory_space<vmem>>
    %dma_start3A_127 = tpu.memref_squeeze %dma_start3A_126 : memref<1x2x2048xf32, #tpu.memory_space<vmem>> -> memref<2x2048xf32, #tpu.memory_space<vmem>>
    %dma_start3A_128 = arith.constant 0 : i32
    %dma_start3A_129 = tpu.memref_slice %arg3[%add3A_99, %dma_start3A_128] : memref<8192x2048xf32, #tpu.memory_space<hbm>> -> memref<2x2048xf32, #tpu.memory_space<hbm>>
    tpu.enqueue_dma source(%dma_start3A_129 : memref<2x2048xf32, #tpu.memory_space<hbm>>) target(%dma_start3A_127 : memref<2x2048xf32, #tpu.memory_space<vmem>>) target_semaphore(%arg11 : memref<!tpu.dma_semaphore, #tpu.memory_space<semaphore_mem>>)
    %scan3A = arith.constant 0 : i32
    %scan3A_130 = arith.constant 0 : i32
    %scan3A_131 = arith.constant 32 : i32
    %scan3A_132 = arith.addi %scan3A_130, %scan3A_131 : i32
    %scan3A_133 = arith.constant 1 : i32
    scf.for %scan3A_168 = %scan3A_130 to %scan3A_132 step %scan3A_133  : i32 {
      %mul3A_169 = arith.constant 4 : i32
      %mul3A_170 = arith.muli %scan3A_168, %mul3A_169 : i32
      %add3A_171 = arith.constant 0 : i32
      %add3A_172 = arith.addi %mul3A_170, %add3A_171 : i32
      %ge3A = arith.constant 1 : i32
      %ge3A_173 = arith.cmpi sge, %scan3A_168, %ge3A : i32
      %convert_element_type3A = arith.extui %ge3A_173 : i1 to i32
      %cond3A = arith.constant 0 : i32
      %cond3A_174 = arith.cmpi ne, %convert_element_type3A, %cond3A : i32
      scf.if %cond3A_174 {
        %dma_wait3A_456 = arith.constant 0 : i32
        %dma_wait3A_457 = arith.constant 0 : i32
        %dma_wait3A_458 = arith.constant 0 : i32
        %dma_wait3A_459 = arith.constant 0 : i32
        %dma_wait3A_460 = tpu.memref_slice %arg7[%dma_wait3A_456, %dma_wait3A_457, %dma_wait3A_458, %dma_wait3A_459] : memref<2x2x4x2048xf32, #tpu.memory_space<vmem>> -> memref<1x2x4x2048xf32, #tpu.memory_space<vmem>>
        %dma_wait3A_461 = tpu.memref_squeeze %dma_wait3A_460 : memref<1x2x4x2048xf32, #tpu.memory_space<vmem>> -> memref<2x4x2048xf32, #tpu.memory_space<vmem>>
        %dma_wait3A_462 = arith.constant 0 : i32
        %dma_wait3A_463 = arith.constant 0 : i32
        %dma_wait3A_464 = tpu.memref_slice %arg4[%mul3A_2, %dma_wait3A_462, %dma_wait3A_463] : memref<8192x4x2048xf32, #tpu.memory_space<hbm>> -> memref<2x4x2048xf32, #tpu.memory_space<hbm>>
        %dma_wait3A_465 = arith.constant 0 : i32
        %dma_wait3A_466 = arith.constant 0 : i32
        %dma_wait3A_467 = tpu.memref_slice %arg4[%mul3A_2, %dma_wait3A_465, %dma_wait3A_466] : memref<8192x4x2048xf32, #tpu.memory_space<hbm>> -> memref<2x4x2048xf32, #tpu.memory_space<hbm>>
        %dma_wait3A_468 = arith.constant 0 : i32
        %dma_wait3A_469 = arith.constant 0 : i32
        %dma_wait3A_470 = arith.constant 0 : i32
        %dma_wait3A_471 = tpu.memref_slice %arg7[%dma_wait3A_456, %dma_wait3A_468, %dma_wait3A_469, %dma_wait3A_470] : memref<2x2x4x2048xf32, #tpu.memory_space<vmem>> -> memref<1x2x4x2048xf32, #tpu.memory_space<vmem>>
        %dma_wait3A_472 = tpu.memref_squeeze %dma_wait3A_471 : memref<1x2x4x2048xf32, #tpu.memory_space<vmem>> -> memref<2x4x2048xf32, #tpu.memory_space<vmem>>
        tpu.wait_dma2 semaphore(%arg12 : memref<!tpu.dma_semaphore, #tpu.memory_space<semaphore_mem>>) src(%dma_wait3A_472 : memref<2x4x2048xf32, #tpu.memory_space<vmem>>) dst(%dma_wait3A_467 : memref<2x4x2048xf32, #tpu.memory_space<hbm>>)
      } else {
      }
      %dma_wait3A_175 = arith.constant 0 : i32
      %dma_wait3A_176 = arith.constant 0 : i32
      %dma_wait3A_177 = arith.constant 0 : i32
      %dma_wait3A_178 = arith.constant 0 : i32
      %dma_wait3A_179 = tpu.memref_slice %arg5[%dma_wait3A_175, %dma_wait3A_176, %dma_wait3A_177, %dma_wait3A_178] : memref<4x2x4x2048xf32, #tpu.memory_space<vmem>> -> memref<1x2x4x2048xf32, #tpu.memory_space<vmem>>
      %dma_wait3A_180 = tpu.memref_squeeze %dma_wait3A_179 : memref<1x2x4x2048xf32, #tpu.memory_space<vmem>> -> memref<2x4x2048xf32, #tpu.memory_space<vmem>>
      %dma_wait3A_181 = arith.constant 0 : i32
      %dma_wait3A_182 = arith.constant 0 : i32
      %dma_wait3A_183 = tpu.memref_slice %arg2[%mul3A_2, %dma_wait3A_181, %dma_wait3A_182] : memref<8192x4x2048xf32, #tpu.memory_space<hbm>> -> memref<2x4x2048xf32, #tpu.memory_space<hbm>>
      %dma_wait3A_184 = arith.constant 0 : i32
      %dma_wait3A_185 = arith.constant 0 : i32
      %dma_wait3A_186 = arith.constant 0 : i32
      %dma_wait3A_187 = tpu.memref_slice %arg5[%dma_wait3A_175, %dma_wait3A_184, %dma_wait3A_185, %dma_wait3A_186] : memref<4x2x4x2048xf32, #tpu.memory_space<vmem>> -> memref<1x2x4x2048xf32, #tpu.memory_space<vmem>>
      %dma_wait3A_188 = tpu.memref_squeeze %dma_wait3A_187 : memref<1x2x4x2048xf32, #tpu.memory_space<vmem>> -> memref<2x4x2048xf32, #tpu.memory_space<vmem>>
      %dma_wait3A_189 = arith.constant 0 : i32
      %dma_wait3A_190 = arith.constant 0 : i32
      %dma_wait3A_191 = tpu.memref_slice %arg2[%mul3A_2, %dma_wait3A_189, %dma_wait3A_190] : memref<8192x4x2048xf32, #tpu.memory_space<hbm>> -> memref<2x4x2048xf32, #tpu.memory_space<hbm>>
      tpu.wait_dma2 semaphore(%arg8 : memref<!tpu.dma_semaphore, #tpu.memory_space<semaphore_mem>>) src(%dma_wait3A_191 : memref<2x4x2048xf32, #tpu.memory_space<hbm>>) dst(%dma_wait3A_188 : memref<2x4x2048xf32, #tpu.memory_space<vmem>>)
      %dma_wait3A_192 = arith.constant 0 : i32
      %dma_wait3A_193 = arith.constant 0 : i32
      %dma_wait3A_194 = arith.constant 0 : i32
      %dma_wait3A_195 = tpu.memref_slice %arg6[%dma_wait3A_192, %dma_wait3A_193, %dma_wait3A_194] : memref<4x2x2048xf32, #tpu.memory_space<vmem>> -> memref<1x2x2048xf32, #tpu.memory_space<vmem>>
      %dma_wait3A_196 = tpu.memref_squeeze %dma_wait3A_195 : memref<1x2x2048xf32, #tpu.memory_space<vmem>> -> memref<2x2048xf32, #tpu.memory_space<vmem>>
      %dma_wait3A_197 = arith.constant 0 : i32
      %dma_wait3A_198 = tpu.memref_slice %arg3[%mul3A_2, %dma_wait3A_197] : memref<8192x2048xf32, #tpu.memory_space<hbm>> -> memref<2x2048xf32, #tpu.memory_space<hbm>>
      %dma_wait3A_199 = arith.constant 0 : i32
      %dma_wait3A_200 = arith.constant 0 : i32
      %dma_wait3A_201 = tpu.memref_slice %arg6[%dma_wait3A_192, %dma_wait3A_199, %dma_wait3A_200] : memref<4x2x2048xf32, #tpu.memory_space<vmem>> -> memref<1x2x2048xf32, #tpu.memory_space<vmem>>
      %dma_wait3A_202 = tpu.memref_squeeze %dma_wait3A_201 : memref<1x2x2048xf32, #tpu.memory_space<vmem>> -> memref<2x2048xf32, #tpu.memory_space<vmem>>
      %dma_wait3A_203 = arith.constant 0 : i32
      %dma_wait3A_204 = tpu.memref_slice %arg3[%mul3A_2, %dma_wait3A_203] : memref<8192x2048xf32, #tpu.memory_space<hbm>> -> memref<2x2048xf32, #tpu.memory_space<hbm>>
      tpu.wait_dma2 semaphore(%arg8 : memref<!tpu.dma_semaphore, #tpu.memory_space<semaphore_mem>>) src(%dma_wait3A_204 : memref<2x2048xf32, #tpu.memory_space<hbm>>) dst(%dma_wait3A_202 : memref<2x2048xf32, #tpu.memory_space<vmem>>)
      %parallel_loop3A = arith.constant 0 : i32
      %parallel_loop3A_205 = arith.constant 128 : i32
      %parallel_loop3A_206 = arith.constant 1 : i32
      scf.for %parallel_loop3A_456 = %parallel_loop3A to %parallel_loop3A_205 step %parallel_loop3A_206  : i32 {
        %parallel_loop3A_457 = arith.constant 16 : i32
        %parallel_loop3A_458 = arith.muli %parallel_loop3A_456, %parallel_loop3A_457 : i32
        %parallel_loop3A_459 = arith.constant 0 : i32
        %parallel_loop3A_460 = arith.constant 0 : i32
        %parallel_loop3A_461 = arith.index_cast %parallel_loop3A_459 : i32 to index
        %parallel_loop3A_462 = arith.index_cast %parallel_loop3A_460 : i32 to index
        %parallel_loop3A_463 = arith.index_cast %parallel_loop3A_458 : i32 to index
        %parallel_loop3A_464 = tpu.vector_load %arg6[%parallel_loop3A_461, %parallel_loop3A_462, %parallel_loop3A_463] {strides = array<i32>} : memref<4x2x2048xf32, #tpu.memory_space<vmem>>, vector<1x1x16xf32>,
        %parallel_loop3A_465 = vector.shape_cast %parallel_loop3A_464 : vector<1x1x16xf32> to vector<16xf32>
        %parallel_loop3A_466 = arith.constant 0 : i32
        %parallel_loop3A_467 = arith.constant 0 : i32
        %parallel_loop3A_468 = arith.constant 0 : i32
        %parallel_loop3A_469 = arith.index_cast %parallel_loop3A_466 : i32 to index
        %parallel_loop3A_470 = arith.index_cast %parallel_loop3A_467 : i32 to index
        %parallel_loop3A_471 = arith.index_cast %parallel_loop3A_468 : i32 to index
        %parallel_loop3A_472 = arith.index_cast %parallel_loop3A_458 : i32 to index
        %parallel_loop3A_473 = tpu.vector_load %arg5[%parallel_loop3A_469, %parallel_loop3A_470, %parallel_loop3A_471, %parallel_loop3A_472] {strides = array<i32>} : memref<4x2x4x2048xf32, #tpu.memory_space<vmem>>, vector<1x1x1x16xf32>,
        %parallel_loop3A_474 = vector.shape_cast %parallel_loop3A_473 : vector<1x1x1x16xf32> to vector<16xf32>
        %parallel_loop3A_475 = arith.addf %parallel_loop3A_474, %parallel_loop3A_465 : vector<16xf32>
        %parallel_loop3A_476 = arith.constant 0 : i32
        %parallel_loop3A_477 = arith.constant 0 : i32
        %parallel_loop3A_478 = arith.constant 0 : i32
        %parallel_loop3A_479 = arith.index_cast %parallel_loop3A_476 : i32 to index
        %parallel_loop3A_480 = arith.index_cast %parallel_loop3A_477 : i32 to index
        %parallel_loop3A_481 = arith.index_cast %parallel_loop3A_478 : i32 to index
        %parallel_loop3A_482 = arith.index_cast %parallel_loop3A_458 : i32 to index
        %parallel_loop3A_483 = tpu.vector_load %arg7[%parallel_loop3A_479, %parallel_loop3A_480, %parallel_loop3A_481, %parallel_loop3A_482] {strides = array<i32>} : memref<2x2x4x2048xf32, #tpu.memory_space<vmem>>, vector<1x1x1x16xf32>,
        %parallel_loop3A_484 = vector.shape_cast %parallel_loop3A_483 : vector<1x1x1x16xf32> to vector<16xf32>
        %parallel_loop3A_485 = vector.shape_cast %parallel_loop3A_475 : vector<16xf32> to vector<1x1x1x16xf32>
        tpu.vector_store %arg7[%parallel_loop3A_479, %parallel_loop3A_480, %parallel_loop3A_481, %parallel_loop3A_482], %parallel_loop3A_485 {strides = array<i32>} : memref<2x2x4x2048xf32, #tpu.memory_space<vmem>>, vector<1x1x1x16xf32>,
        %parallel_loop3A_486 = arith.constant 0 : i32
        %parallel_loop3A_487 = arith.constant 0 : i32
        %parallel_loop3A_488 = arith.constant 1 : i32
        %parallel_loop3A_489 = arith.index_cast %parallel_loop3A_486 : i32 to index
        %parallel_loop3A_490 = arith.index_cast %parallel_loop3A_487 : i32 to index
        %parallel_loop3A_491 = arith.index_cast %parallel_loop3A_488 : i32 to index
        %parallel_loop3A_492 = arith.index_cast %parallel_loop3A_458 : i32 to index
        %parallel_loop3A_493 = tpu.vector_load %arg5[%parallel_loop3A_489, %parallel_loop3A_490, %parallel_loop3A_491, %parallel_loop3A_492] {strides = array<i32>} : memref<4x2x4x2048xf32, #tpu.memory_space<vmem>>, vector<1x1x1x16xf32>,
        %parallel_loop3A_494 = vector.shape_cast %parallel_loop3A_493 : vector<1x1x1x16xf32> to vector<16xf32>
        %parallel_loop3A_495 = arith.addf %parallel_loop3A_494, %parallel_loop3A_465 : vector<16xf32>
        %parallel_loop3A_496 = arith.constant 0 : i32
        %parallel_loop3A_497 = arith.constant 0 : i32
        %parallel_loop3A_498 = arith.constant 1 : i32
        %parallel_loop3A_499 = arith.index_cast %parallel_loop3A_496 : i32 to index
        %parallel_loop3A_500 = arith.index_cast %parallel_loop3A_497 : i32 to index
        %parallel_loop3A_501 = arith.index_cast %parallel_loop3A_498 : i32 to index
        %parallel_loop3A_502 = arith.index_cast %parallel_loop3A_458 : i32 to index
        %parallel_loop3A_503 = tpu.vector_load %arg7[%parallel_loop3A_499, %parallel_loop3A_500, %parallel_loop3A_501, %parallel_loop3A_502] {strides = array<i32>} : memref<2x2x4x2048xf32, #tpu.memory_space<vmem>>, vector<1x1x1x16xf32>,
        %parallel_loop3A_504 = vector.shape_cast %parallel_loop3A_503 : vector<1x1x1x16xf32> to vector<16xf32>
        %parallel_loop3A_505 = vector.shape_cast %parallel_loop3A_495 : vector<16xf32> to vector<1x1x1x16xf32>
        tpu.vector_store %arg7[%parallel_loop3A_499, %parallel_loop3A_500, %parallel_loop3A_501, %parallel_loop3A_502], %parallel_loop3A_505 {strides = array<i32>} : memref<2x2x4x2048xf32, #tpu.memory_space<vmem>>, vector<1x1x1x16xf32>,
        %parallel_loop3A_506 = arith.constant 0 : i32
        %parallel_loop3A_507 = arith.constant 0 : i32
        %parallel_loop3A_508 = arith.constant 2 : i32
        %parallel_loop3A_509 = arith.index_cast %parallel_loop3A_506 : i32 to index
        %parallel_loop3A_510 = arith.index_cast %parallel_loop3A_507 : i32 to index
        %parallel_loop3A_511 = arith.index_cast %parallel_loop3A_508 : i32 to index
        %parallel_loop3A_512 = arith.index_cast %parallel_loop3A_458 : i32 to index
        %parallel_loop3A_513 = tpu.vector_load %arg5[%parallel_loop3A_509, %parallel_loop3A_510, %parallel_loop3A_511, %parallel_loop3A_512] {strides = array<i32>} : memref<4x2x4x2048xf32, #tpu.memory_space<vmem>>, vector<1x1x1x16xf32>,
        %parallel_loop3A_514 = vector.shape_cast %parallel_loop3A_513 : vector<1x1x1x16xf32> to vector<16xf32>
        %parallel_loop3A_515 = arith.addf %parallel_loop3A_514, %parallel_loop3A_465 : vector<16xf32>
        %parallel_loop3A_516 = arith.constant 0 : i32
        %parallel_loop3A_517 = arith.constant 0 : i32
        %parallel_loop3A_518 = arith.constant 2 : i32
        %parallel_loop3A_519 = arith.index_cast %parallel_loop3A_516 : i32 to index
        %parallel_loop3A_520 = arith.index_cast %parallel_loop3A_517 : i32 to index
        %parallel_loop3A_521 = arith.index_cast %parallel_loop3A_518 : i32 to index
        %parallel_loop3A_522 = arith.index_cast %parallel_loop3A_458 : i32 to index
        %parallel_loop3A_523 = tpu.vector_load %arg7[%parallel_loop3A_519, %parallel_loop3A_520, %parallel_loop3A_521, %parallel_loop3A_522] {strides = array<i32>} : memref<2x2x4x2048xf32, #tpu.memory_space<vmem>>, vector<1x1x1x16xf32>,
        %parallel_loop3A_524 = vector.shape_cast %parallel_loop3A_523 : vector<1x1x1x16xf32> to vector<16xf32>
        %parallel_loop3A_525 = vector.shape_cast %parallel_loop3A_515 : vector<16xf32> to vector<1x1x1x16xf32>
        tpu.vector_store %arg7[%parallel_loop3A_519, %parallel_loop3A_520, %parallel_loop3A_521, %parallel_loop3A_522], %parallel_loop3A_525 {strides = array<i32>} : memref<2x2x4x2048xf32, #tpu.memory_space<vmem>>, vector<1x1x1x16xf32>,
        %parallel_loop3A_526 = arith.constant 0 : i32
        %parallel_loop3A_527 = arith.constant 0 : i32
        %parallel_loop3A_528 = arith.constant 3 : i32
        %parallel_loop3A_529 = arith.index_cast %parallel_loop3A_526 : i32 to index
        %parallel_loop3A_530 = arith.index_cast %parallel_loop3A_527 : i32 to index
        %parallel_loop3A_531 = arith.index_cast %parallel_loop3A_528 : i32 to index
        %parallel_loop3A_532 = arith.index_cast %parallel_loop3A_458 : i32 to index
        %parallel_loop3A_533 = tpu.vector_load %arg5[%parallel_loop3A_529, %parallel_loop3A_530, %parallel_loop3A_531, %parallel_loop3A_532] {strides = array<i32>} : memref<4x2x4x2048xf32, #tpu.memory_space<vmem>>, vector<1x1x1x16xf32>,
        %parallel_loop3A_534 = vector.shape_cast %parallel_loop3A_533 : vector<1x1x1x16xf32> to vector<16xf32>
        %parallel_loop3A_535 = arith.addf %parallel_loop3A_534, %parallel_loop3A_465 : vector<16xf32>
        %parallel_loop3A_536 = arith.constant 0 : i32
        %parallel_loop3A_537 = arith.constant 0 : i32
        %parallel_loop3A_538 = arith.constant 3 : i32
        %parallel_loop3A_539 = arith.index_cast %parallel_loop3A_536 : i32 to index
        %parallel_loop3A_540 = arith.index_cast %parallel_loop3A_537 : i32 to index
        %parallel_loop3A_541 = arith.index_cast %parallel_loop3A_538 : i32 to index
        %parallel_loop3A_542 = arith.index_cast %parallel_loop3A_458 : i32 to index
        %parallel_loop3A_543 = tpu.vector_load %arg7[%parallel_loop3A_539, %parallel_loop3A_540, %parallel_loop3A_541, %parallel_loop3A_542] {strides = array<i32>} : memref<2x2x4x2048xf32, #tpu.memory_space<vmem>>, vector<1x1x1x16xf32>,
        %parallel_loop3A_544 = vector.shape_cast %parallel_loop3A_543 : vector<1x1x1x16xf32> to vector<16xf32>
        %parallel_loop3A_545 = vector.shape_cast %parallel_loop3A_535 : vector<16xf32> to vector<1x1x1x16xf32>
        tpu.vector_store %arg7[%parallel_loop3A_539, %parallel_loop3A_540, %parallel_loop3A_541, %parallel_loop3A_542], %parallel_loop3A_545 {strides = array<i32>} : memref<2x2x4x2048xf32, #tpu.memory_space<vmem>>, vector<1x1x1x16xf32>,
        %parallel_loop3A_546 = arith.constant 0 : i32
        %parallel_loop3A_547 = arith.constant 1 : i32
        %parallel_loop3A_548 = arith.index_cast %parallel_loop3A_546 : i32 to index
        %parallel_loop3A_549 = arith.index_cast %parallel_loop3A_547 : i32 to index
        %parallel_loop3A_550 = arith.index_cast %parallel_loop3A_458 : i32 to index
        %parallel_loop3A_551 = tpu.vector_load %arg6[%parallel_loop3A_548, %parallel_loop3A_549, %parallel_loop3A_550] {strides = array<i32>} : memref<4x2x2048xf32, #tpu.memory_space<vmem>>, vector<1x1x16xf32>,
        %parallel_loop3A_552 = vector.shape_cast %parallel_loop3A_551 : vector<1x1x16xf32> to vector<16xf32>
        %parallel_loop3A_553 = arith.constant 0 : i32
        %parallel_loop3A_554 = arith.constant 1 : i32
        %parallel_loop3A_555 = arith.constant 0 : i32
        %parallel_loop3A_556 = arith.index_cast %parallel_loop3A_553 : i32 to index
        %parallel_loop3A_557 = arith.index_cast %parallel_loop3A_554 : i32 to index
        %parallel_loop3A_558 = arith.index_cast %parallel_loop3A_555 : i32 to index
        %parallel_loop3A_559 = arith.index_cast %parallel_loop3A_458 : i32 to index
        %parallel_loop3A_560 = tpu.vector_load %arg5[%parallel_loop3A_556, %parallel_loop3A_557, %parallel_loop3A_558, %parallel_loop3A_559] {strides = array<i32>} : memref<4x2x4x2048xf32, #tpu.memory_space<vmem>>, vector<1x1x1x16xf32>,
        %parallel_loop3A_561 = vector.shape_cast %parallel_loop3A_560 : vector<1x1x1x16xf32> to vector<16xf32>
        %parallel_loop3A_562 = arith.addf %parallel_loop3A_561, %parallel_loop3A_552 : vector<16xf32>
        %parallel_loop3A_563 = arith.constant 0 : i32
        %parallel_loop3A_564 = arith.constant 1 : i32
        %parallel_loop3A_565 = arith.constant 0 : i32
        %parallel_loop3A_566 = arith.index_cast %parallel_loop3A_563 : i32 to index
        %parallel_loop3A_567 = arith.index_cast %parallel_loop3A_564 : i32 to index
        %parallel_loop3A_568 = arith.index_cast %parallel_loop3A_565 : i32 to index
        %parallel_loop3A_569 = arith.index_cast %parallel_loop3A_458 : i32 to index
        %parallel_loop3A_570 = tpu.vector_load %arg7[%parallel_loop3A_566, %parallel_loop3A_567, %parallel_loop3A_568, %parallel_loop3A_569] {strides = array<i32>} : memref<2x2x4x2048xf32, #tpu.memory_space<vmem>>, vector<1x1x1x16xf32>,
        %parallel_loop3A_571 = vector.shape_cast %parallel_loop3A_570 : vector<1x1x1x16xf32> to vector<16xf32>
        %parallel_loop3A_572 = vector.shape_cast %parallel_loop3A_562 : vector<16xf32> to vector<1x1x1x16xf32>
        tpu.vector_store %arg7[%parallel_loop3A_566, %parallel_loop3A_567, %parallel_loop3A_568, %parallel_loop3A_569], %parallel_loop3A_572 {strides = array<i32>} : memref<2x2x4x2048xf32, #tpu.memory_space<vmem>>, vector<1x1x1x16xf32>,
        %parallel_loop3A_573 = arith.constant 0 : i32
        %parallel_loop3A_574 = arith.constant 1 : i32
        %parallel_loop3A_575 = arith.constant 1 : i32
        %parallel_loop3A_576 = arith.index_cast %parallel_loop3A_573 : i32 to index
        %parallel_loop3A_577 = arith.index_cast %parallel_loop3A_574 : i32 to index
        %parallel_loop3A_578 = arith.index_cast %parallel_loop3A_575 : i32 to index
        %parallel_loop3A_579 = arith.index_cast %parallel_loop3A_458 : i32 to index
        %parallel_loop3A_580 = tpu.vector_load %arg5[%parallel_loop3A_576, %parallel_loop3A_577, %parallel_loop3A_578, %parallel_loop3A_579] {strides = array<i32>} : memref<4x2x4x2048xf32, #tpu.memory_space<vmem>>, vector<1x1x1x16xf32>,
        %parallel_loop3A_581 = vector.shape_cast %parallel_loop3A_580 : vector<1x1x1x16xf32> to vector<16xf32>
        %parallel_loop3A_582 = arith.addf %parallel_loop3A_581, %parallel_loop3A_552 : vector<16xf32>
        %parallel_loop3A_583 = arith.constant 0 : i32
        %parallel_loop3A_584 = arith.constant 1 : i32
        %parallel_loop3A_585 = arith.constant 1 : i32
        %parallel_loop3A_586 = arith.index_cast %parallel_loop3A_583 : i32 to index
        %parallel_loop3A_587 = arith.index_cast %parallel_loop3A_584 : i32 to index
        %parallel_loop3A_588 = arith.index_cast %parallel_loop3A_585 : i32 to index
        %parallel_loop3A_589 = arith.index_cast %parallel_loop3A_458 : i32 to index
        %parallel_loop3A_590 = tpu.vector_load %arg7[%parallel_loop3A_586, %parallel_loop3A_587, %parallel_loop3A_588, %parallel_loop3A_589] {strides = array<i32>} : memref<2x2x4x2048xf32, #tpu.memory_space<vmem>>, vector<1x1x1x16xf32>,
        %parallel_loop3A_591 = vector.shape_cast %parallel_loop3A_590 : vector<1x1x1x16xf32> to vector<16xf32>
        %parallel_loop3A_592 = vector.shape_cast %parallel_loop3A_582 : vector<16xf32> to vector<1x1x1x16xf32>
        tpu.vector_store %arg7[%parallel_loop3A_586, %parallel_loop3A_587, %parallel_loop3A_588, %parallel_loop3A_589], %parallel_loop3A_592 {strides = array<i32>} : memref<2x2x4x2048xf32, #tpu.memory_space<vmem>>, vector<1x1x1x16xf32>,
        %parallel_loop3A_593 = arith.constant 0 : i32
        %parallel_loop3A_594 = arith.constant 1 : i32
        %parallel_loop3A_595 = arith.constant 2 : i32
        %parallel_loop3A_596 = arith.index_cast %parallel_loop3A_593 : i32 to index
        %parallel_loop3A_597 = arith.index_cast %parallel_loop3A_594 : i32 to index
        %parallel_loop3A_598 = arith.index_cast %parallel_loop3A_595 : i32 to index
        %parallel_loop3A_599 = arith.index_cast %parallel_loop3A_458 : i32 to index
        %parallel_loop3A_600 = tpu.vector_load %arg5[%parallel_loop3A_596, %parallel_loop3A_597, %parallel_loop3A_598, %parallel_loop3A_599] {strides = array<i32>} : memref<4x2x4x2048xf32, #tpu.memory_space<vmem>>, vector<1x1x1x16xf32>,
        %parallel_loop3A_601 = vector.shape_cast %parallel_loop3A_600 : vector<1x1x1x16xf32> to vector<16xf32>
        %parallel_loop3A_602 = arith.addf %parallel_loop3A_601, %parallel_loop3A_552 : vector<16xf32>
        %parallel_loop3A_603 = arith.constant 0 : i32
        %parallel_loop3A_604 = arith.constant 1 : i32
        %parallel_loop3A_605 = arith.constant 2 : i32
        %parallel_loop3A_606 = arith.index_cast %parallel_loop3A_603 : i32 to index
        %parallel_loop3A_607 = arith.index_cast %parallel_loop3A_604 : i32 to index
        %parallel_loop3A_608 = arith.index_cast %parallel_loop3A_605 : i32 to index
        %parallel_loop3A_609 = arith.index_cast %parallel_loop3A_458 : i32 to index
        %parallel_loop3A_610 = tpu.vector_load %arg7[%parallel_loop3A_606, %parallel_loop3A_607, %parallel_loop3A_608, %parallel_loop3A_609] {strides = array<i32>} : memref<2x2x4x2048xf32, #tpu.memory_space<vmem>>, vector<1x1x1x16xf32>,
        %parallel_loop3A_611 = vector.shape_cast %parallel_loop3A_610 : vector<1x1x1x16xf32> to vector<16xf32>
        %parallel_loop3A_612 = vector.shape_cast %parallel_loop3A_602 : vector<16xf32> to vector<1x1x1x16xf32>
        tpu.vector_store %arg7[%parallel_loop3A_606, %parallel_loop3A_607, %parallel_loop3A_608, %parallel_loop3A_609], %parallel_loop3A_612 {strides = array<i32>} : memref<2x2x4x2048xf32, #tpu.memory_space<vmem>>, vector<1x1x1x16xf32>,
        %parallel_loop3A_613 = arith.constant 0 : i32
        %parallel_loop3A_614 = arith.constant 1 : i32
        %parallel_loop3A_615 = arith.constant 3 : i32
        %parallel_loop3A_616 = arith.index_cast %parallel_loop3A_613 : i32 to index
        %parallel_loop3A_617 = arith.index_cast %parallel_loop3A_614 : i32 to index
        %parallel_loop3A_618 = arith.index_cast %parallel_loop3A_615 : i32 to index
        %parallel_loop3A_619 = arith.index_cast %parallel_loop3A_458 : i32 to index
        %parallel_loop3A_620 = tpu.vector_load %arg5[%parallel_loop3A_616, %parallel_loop3A_617, %parallel_loop3A_618, %parallel_loop3A_619] {strides = array<i32>} : memref<4x2x4x2048xf32, #tpu.memory_space<vmem>>, vector<1x1x1x16xf32>,
        %parallel_loop3A_621 = vector.shape_cast %parallel_loop3A_620 : vector<1x1x1x16xf32> to vector<16xf32>
        %parallel_loop3A_622 = arith.addf %parallel_loop3A_621, %parallel_loop3A_552 : vector<16xf32>
        %parallel_loop3A_623 = arith.constant 0 : i32
        %parallel_loop3A_624 = arith.constant 1 : i32
        %parallel_loop3A_625 = arith.constant 3 : i32
        %parallel_loop3A_626 = arith.index_cast %parallel_loop3A_623 : i32 to index
        %parallel_loop3A_627 = arith.index_cast %parallel_loop3A_624 : i32 to index
        %parallel_loop3A_628 = arith.index_cast %parallel_loop3A_625 : i32 to index
        %parallel_loop3A_629 = arith.index_cast %parallel_loop3A_458 : i32 to index
        %parallel_loop3A_630 = tpu.vector_load %arg7[%parallel_loop3A_626, %parallel_loop3A_627, %parallel_loop3A_628, %parallel_loop3A_629] {strides = array<i32>} : memref<2x2x4x2048xf32, #tpu.memory_space<vmem>>, vector<1x1x1x16xf32>,
        %parallel_loop3A_631 = vector.shape_cast %parallel_loop3A_630 : vector<1x1x1x16xf32> to vector<16xf32>
        %parallel_loop3A_632 = vector.shape_cast %parallel_loop3A_622 : vector<16xf32> to vector<1x1x1x16xf32>
        tpu.vector_store %arg7[%parallel_loop3A_626, %parallel_loop3A_627, %parallel_loop3A_628, %parallel_loop3A_629], %parallel_loop3A_632 {strides = array<i32>} : memref<2x2x4x2048xf32, #tpu.memory_space<vmem>>, vector<1x1x1x16xf32>,
      } {sc.loop_unroll_factor = 16 : i64, sc.parallel_access}
      %mul3A_207 = arith.constant 2 : i32
      %mul3A_208 = arith.muli %add3A_172, %mul3A_207 : i32
      %add3A_209 = arith.addi %mul3A_2, %mul3A_208 : i32
      %dma_start3A_210 = arith.constant 0 : i32
      %dma_start3A_211 = arith.constant 0 : i32
      %dma_start3A_212 = arith.constant 0 : i32
      %dma_start3A_213 = arith.constant 0 : i32
      %dma_start3A_214 = tpu.memref_slice %arg7[%dma_start3A_210, %dma_start3A_211, %dma_start3A_212, %dma_start3A_213] : memref<2x2x4x2048xf32, #tpu.memory_space<vmem>> -> memref<1x2x4x2048xf32, #tpu.memory_space<vmem>>
      %dma_start3A_215 = tpu.memref_squeeze %dma_start3A_214 : memref<1x2x4x2048xf32, #tpu.memory_space<vmem>> -> memref<2x4x2048xf32, #tpu.memory_space<vmem>>
      %dma_start3A_216 = arith.constant 0 : i32
      %dma_start3A_217 = arith.constant 0 : i32
      %dma_start3A_218 = tpu.memref_slice %arg4[%add3A_209, %dma_start3A_216, %dma_start3A_217] : memref<8192x4x2048xf32, #tpu.memory_space<hbm>> -> memref<2x4x2048xf32, #tpu.memory_space<hbm>>
      %dma_start3A_219 = arith.constant 0 : i32
      %dma_start3A_220 = arith.constant 0 : i32
      %dma_start3A_221 = tpu.memref_slice %arg4[%add3A_209, %dma_start3A_219, %dma_start3A_220] : memref<8192x4x2048xf32, #tpu.memory_space<hbm>> -> memref<2x4x2048xf32, #tpu.memory_space<hbm>>
      %dma_start3A_222 = arith.constant 0 : i32
      %dma_start3A_223 = arith.constant 0 : i32
      %dma_start3A_224 = arith.constant 0 : i32
      %dma_start3A_225 = tpu.memref_slice %arg7[%dma_start3A_210, %dma_start3A_222, %dma_start3A_223, %dma_start3A_224] : memref<2x2x4x2048xf32, #tpu.memory_space<vmem>> -> memref<1x2x4x2048xf32, #tpu.memory_space<vmem>>
      %dma_start3A_226 = tpu.memref_squeeze %dma_start3A_225 : memref<1x2x4x2048xf32, #tpu.memory_space<vmem>> -> memref<2x4x2048xf32, #tpu.memory_space<vmem>>
      tpu.enqueue_dma source(%dma_start3A_226 : memref<2x4x2048xf32, #tpu.memory_space<vmem>>) target(%dma_start3A_221 : memref<2x4x2048xf32, #tpu.memory_space<hbm>>) target_semaphore(%arg12 : memref<!tpu.dma_semaphore, #tpu.memory_space<semaphore_mem>>)
      %lt3A = arith.constant 31 : i32
      %lt3A_227 = arith.cmpi slt, %scan3A_168, %lt3A : i32
      %convert_element_type3A_228 = arith.extui %lt3A_227 : i1 to i32
      %cond3A_229 = arith.constant 0 : i32
      %cond3A_230 = arith.cmpi ne, %convert_element_type3A_228, %cond3A_229 : i32
      scf.if %cond3A_230 {
        %add3A_456 = arith.constant 4 : i32
        %add3A_457 = arith.addi %add3A_172, %add3A_456 : i32
        %mul3A_458 = arith.constant 2 : i32
        %mul3A_459 = arith.muli %add3A_457, %mul3A_458 : i32
        %add3A_460 = arith.addi %mul3A_2, %mul3A_459 : i32
        %dma_start3A_461 = arith.constant 0 : i32
        %dma_start3A_462 = arith.constant 0 : i32
        %dma_start3A_463 = arith.constant 0 : i32
        %dma_start3A_464 = arith.constant 0 : i32
        %dma_start3A_465 = tpu.memref_slice %arg5[%dma_start3A_461, %dma_start3A_462, %dma_start3A_463, %dma_start3A_464] : memref<4x2x4x2048xf32, #tpu.memory_space<vmem>> -> memref<1x2x4x2048xf32, #tpu.memory_space<vmem>>
        %dma_start3A_466 = tpu.memref_squeeze %dma_start3A_465 : memref<1x2x4x2048xf32, #tpu.memory_space<vmem>> -> memref<2x4x2048xf32, #tpu.memory_space<vmem>>
        %dma_start3A_467 = arith.constant 0 : i32
        %dma_start3A_468 = arith.constant 0 : i32
        %dma_start3A_469 = tpu.memref_slice %arg2[%add3A_460, %dma_start3A_467, %dma_start3A_468] : memref<8192x4x2048xf32, #tpu.memory_space<hbm>> -> memref<2x4x2048xf32, #tpu.memory_space<hbm>>
        %dma_start3A_470 = arith.constant 0 : i32
        %dma_start3A_471 = arith.constant 0 : i32
        %dma_start3A_472 = arith.constant 0 : i32
        %dma_start3A_473 = tpu.memref_slice %arg5[%dma_start3A_461, %dma_start3A_470, %dma_start3A_471, %dma_start3A_472] : memref<4x2x4x2048xf32, #tpu.memory_space<vmem>> -> memref<1x2x4x2048xf32, #tpu.memory_space<vmem>>
        %dma_start3A_474 = tpu.memref_squeeze %dma_start3A_473 : memref<1x2x4x2048xf32, #tpu.memory_space<vmem>> -> memref<2x4x2048xf32, #tpu.memory_space<vmem>>
        %dma_start3A_475 = arith.constant 0 : i32
        %dma_start3A_476 = arith.constant 0 : i32
        %dma_start3A_477 = tpu.memref_slice %arg2[%add3A_460, %dma_start3A_475, %dma_start3A_476] : memref<8192x4x2048xf32, #tpu.memory_space<hbm>> -> memref<2x4x2048xf32, #tpu.memory_space<hbm>>
        tpu.enqueue_dma source(%dma_start3A_477 : memref<2x4x2048xf32, #tpu.memory_space<hbm>>) target(%dma_start3A_474 : memref<2x4x2048xf32, #tpu.memory_space<vmem>>) target_semaphore(%arg8 : memref<!tpu.dma_semaphore, #tpu.memory_space<semaphore_mem>>)
        %dma_start3A_478 = arith.constant 0 : i32
        %dma_start3A_479 = arith.constant 0 : i32
        %dma_start3A_480 = arith.constant 0 : i32
        %dma_start3A_481 = tpu.memref_slice %arg6[%dma_start3A_478, %dma_start3A_479, %dma_start3A_480] : memref<4x2x2048xf32, #tpu.memory_space<vmem>> -> memref<1x2x2048xf32, #tpu.memory_space<vmem>>
        %dma_start3A_482 = tpu.memref_squeeze %dma_start3A_481 : memref<1x2x2048xf32, #tpu.memory_space<vmem>> -> memref<2x2048xf32, #tpu.memory_space<vmem>>
        %dma_start3A_483 = arith.constant 0 : i32
        %dma_start3A_484 = tpu.memref_slice %arg3[%add3A_460, %dma_start3A_483] : memref<8192x2048xf32, #tpu.memory_space<hbm>> -> memref<2x2048xf32, #tpu.memory_space<hbm>>
        %dma_start3A_485 = arith.constant 0 : i32
        %dma_start3A_486 = arith.constant 0 : i32
        %dma_start3A_487 = tpu.memref_slice %arg6[%dma_start3A_478, %dma_start3A_485, %dma_start3A_486] : memref<4x2x2048xf32, #tpu.memory_space<vmem>> -> memref<1x2x2048xf32, #tpu.memory_space<vmem>>
        %dma_start3A_488 = tpu.memref_squeeze %dma_start3A_487 : memref<1x2x2048xf32, #tpu.memory_space<vmem>> -> memref<2x2048xf32, #tpu.memory_space<vmem>>
        %dma_start3A_489 = arith.constant 0 : i32
        %dma_start3A_490 = tpu.memref_slice %arg3[%add3A_460, %dma_start3A_489] : memref<8192x2048xf32, #tpu.memory_space<hbm>> -> memref<2x2048xf32, #tpu.memory_space<hbm>>
        tpu.enqueue_dma source(%dma_start3A_490 : memref<2x2048xf32, #tpu.memory_space<hbm>>) target(%dma_start3A_488 : memref<2x2048xf32, #tpu.memory_space<vmem>>) target_semaphore(%arg8 : memref<!tpu.dma_semaphore, #tpu.memory_space<semaphore_mem>>)
      } else {
      }
      %mul3A_231 = arith.constant 4 : i32
      %mul3A_232 = arith.muli %scan3A_168, %mul3A_231 : i32
      %add3A_233 = arith.constant 1 : i32
      %add3A_234 = arith.addi %mul3A_232, %add3A_233 : i32
      %ge3A_235 = arith.constant 1 : i32
      %ge3A_236 = arith.cmpi sge, %scan3A_168, %ge3A_235 : i32
      %convert_element_type3A_237 = arith.extui %ge3A_236 : i1 to i32
      %cond3A_238 = arith.constant 0 : i32
      %cond3A_239 = arith.cmpi ne, %convert_element_type3A_237, %cond3A_238 : i32
      scf.if %cond3A_239 {
        %dma_wait3A_456 = arith.constant 1 : i32
        %dma_wait3A_457 = arith.constant 0 : i32
        %dma_wait3A_458 = arith.constant 0 : i32
        %dma_wait3A_459 = arith.constant 0 : i32
        %dma_wait3A_460 = tpu.memref_slice %arg7[%dma_wait3A_456, %dma_wait3A_457, %dma_wait3A_458, %dma_wait3A_459] : memref<2x2x4x2048xf32, #tpu.memory_space<vmem>> -> memref<1x2x4x2048xf32, #tpu.memory_space<vmem>>
        %dma_wait3A_461 = tpu.memref_squeeze %dma_wait3A_460 : memref<1x2x4x2048xf32, #tpu.memory_space<vmem>> -> memref<2x4x2048xf32, #tpu.memory_space<vmem>>
        %dma_wait3A_462 = arith.constant 0 : i32
        %dma_wait3A_463 = arith.constant 0 : i32
        %dma_wait3A_464 = tpu.memref_slice %arg4[%mul3A_2, %dma_wait3A_462, %dma_wait3A_463] : memref<8192x4x2048xf32, #tpu.memory_space<hbm>> -> memref<2x4x2048xf32, #tpu.memory_space<hbm>>
        %dma_wait3A_465 = arith.constant 0 : i32
        %dma_wait3A_466 = arith.constant 0 : i32
        %dma_wait3A_467 = tpu.memref_slice %arg4[%mul3A_2, %dma_wait3A_465, %dma_wait3A_466] : memref<8192x4x2048xf32, #tpu.memory_space<hbm>> -> memref<2x4x2048xf32, #tpu.memory_space<hbm>>
        %dma_wait3A_468 = arith.constant 0 : i32
        %dma_wait3A_469 = arith.constant 0 : i32
        %dma_wait3A_470 = arith.constant 0 : i32
        %dma_wait3A_471 = tpu.memref_slice %arg7[%dma_wait3A_456, %dma_wait3A_468, %dma_wait3A_469, %dma_wait3A_470] : memref<2x2x4x2048xf32, #tpu.memory_space<vmem>> -> memref<1x2x4x2048xf32, #tpu.memory_space<vmem>>
        %dma_wait3A_472 = tpu.memref_squeeze %dma_wait3A_471 : memref<1x2x4x2048xf32, #tpu.memory_space<vmem>> -> memref<2x4x2048xf32, #tpu.memory_space<vmem>>
        tpu.wait_dma2 semaphore(%arg13 : memref<!tpu.dma_semaphore, #tpu.memory_space<semaphore_mem>>) src(%dma_wait3A_472 : memref<2x4x2048xf32, #tpu.memory_space<vmem>>) dst(%dma_wait3A_467 : memref<2x4x2048xf32, #tpu.memory_space<hbm>>)
      } else {
      }
      %dma_wait3A_240 = arith.constant 1 : i32
      %dma_wait3A_241 = arith.constant 0 : i32
      %dma_wait3A_242 = arith.constant 0 : i32
      %dma_wait3A_243 = arith.constant 0 : i32
      %dma_wait3A_244 = tpu.memref_slice %arg5[%dma_wait3A_240, %dma_wait3A_241, %dma_wait3A_242, %dma_wait3A_243] : memref<4x2x4x2048xf32, #tpu.memory_space<vmem>> -> memref<1x2x4x2048xf32, #tpu.memory_space<vmem>>
      %dma_wait3A_245 = tpu.memref_squeeze %dma_wait3A_244 : memref<1x2x4x2048xf32, #tpu.memory_space<vmem>> -> memref<2x4x2048xf32, #tpu.memory_space<vmem>>
      %dma_wait3A_246 = arith.constant 0 : i32
      %dma_wait3A_247 = arith.constant 0 : i32
      %dma_wait3A_248 = tpu.memref_slice %arg2[%mul3A_2, %dma_wait3A_246, %dma_wait3A_247] : memref<8192x4x2048xf32, #tpu.memory_space<hbm>> -> memref<2x4x2048xf32, #tpu.memory_space<hbm>>
      %dma_wait3A_249 = arith.constant 0 : i32
      %dma_wait3A_250 = arith.constant 0 : i32
      %dma_wait3A_251 = arith.constant 0 : i32
      %dma_wait3A_252 = tpu.memref_slice %arg5[%dma_wait3A_240, %dma_wait3A_249, %dma_wait3A_250, %dma_wait3A_251] : memref<4x2x4x2048xf32, #tpu.memory_space<vmem>> -> memref<1x2x4x2048xf32, #tpu.memory_space<vmem>>
      %dma_wait3A_253 = tpu.memref_squeeze %dma_wait3A_252 : memref<1x2x4x2048xf32, #tpu.memory_space<vmem>> -> memref<2x4x2048xf32, #tpu.memory_space<vmem>>
      %dma_wait3A_254 = arith.constant 0 : i32
      %dma_wait3A_255 = arith.constant 0 : i32
      %dma_wait3A_256 = tpu.memref_slice %arg2[%mul3A_2, %dma_wait3A_254, %dma_wait3A_255] : memref<8192x4x2048xf32, #tpu.memory_space<hbm>> -> memref<2x4x2048xf32, #tpu.memory_space<hbm>>
      tpu.wait_dma2 semaphore(%arg9 : memref<!tpu.dma_semaphore, #tpu.memory_space<semaphore_mem>>) src(%dma_wait3A_256 : memref<2x4x2048xf32, #tpu.memory_space<hbm>>) dst(%dma_wait3A_253 : memref<2x4x2048xf32, #tpu.memory_space<vmem>>)
      %dma_wait3A_257 = arith.constant 1 : i32
      %dma_wait3A_258 = arith.constant 0 : i32
      %dma_wait3A_259 = arith.constant 0 : i32
      %dma_wait3A_260 = tpu.memref_slice %arg6[%dma_wait3A_257, %dma_wait3A_258, %dma_wait3A_259] : memref<4x2x2048xf32, #tpu.memory_space<vmem>> -> memref<1x2x2048xf32, #tpu.memory_space<vmem>>
      %dma_wait3A_261 = tpu.memref_squeeze %dma_wait3A_260 : memref<1x2x2048xf32, #tpu.memory_space<vmem>> -> memref<2x2048xf32, #tpu.memory_space<vmem>>
      %dma_wait3A_262 = arith.constant 0 : i32
      %dma_wait3A_263 = tpu.memref_slice %arg3[%mul3A_2, %dma_wait3A_262] : memref<8192x2048xf32, #tpu.memory_space<hbm>> -> memref<2x2048xf32, #tpu.memory_space<hbm>>
      %dma_wait3A_264 = arith.constant 0 : i32
      %dma_wait3A_265 = arith.constant 0 : i32
      %dma_wait3A_266 = tpu.memref_slice %arg6[%dma_wait3A_257, %dma_wait3A_264, %dma_wait3A_265] : memref<4x2x2048xf32, #tpu.memory_space<vmem>> -> memref<1x2x2048xf32, #tpu.memory_space<vmem>>
      %dma_wait3A_267 = tpu.memref_squeeze %dma_wait3A_266 : memref<1x2x2048xf32, #tpu.memory_space<vmem>> -> memref<2x2048xf32, #tpu.memory_space<vmem>>
      %dma_wait3A_268 = arith.constant 0 : i32
      %dma_wait3A_269 = tpu.memref_slice %arg3[%mul3A_2, %dma_wait3A_268] : memref<8192x2048xf32, #tpu.memory_space<hbm>> -> memref<2x2048xf32, #tpu.memory_space<hbm>>
      tpu.wait_dma2 semaphore(%arg9 : memref<!tpu.dma_semaphore, #tpu.memory_space<semaphore_mem>>) src(%dma_wait3A_269 : memref<2x2048xf32, #tpu.memory_space<hbm>>) dst(%dma_wait3A_267 : memref<2x2048xf32, #tpu.memory_space<vmem>>)
      %parallel_loop3A_270 = arith.constant 0 : i32
      %parallel_loop3A_271 = arith.constant 128 : i32
      %parallel_loop3A_272 = arith.constant 1 : i32
      scf.for %parallel_loop3A_456 = %parallel_loop3A_270 to %parallel_loop3A_271 step %parallel_loop3A_272  : i32 {
        %parallel_loop3A_457 = arith.constant 16 : i32
        %parallel_loop3A_458 = arith.muli %parallel_loop3A_456, %parallel_loop3A_457 : i32
        %parallel_loop3A_459 = arith.constant 1 : i32
        %parallel_loop3A_460 = arith.constant 0 : i32
        %parallel_loop3A_461 = arith.index_cast %parallel_loop3A_459 : i32 to index
        %parallel_loop3A_462 = arith.index_cast %parallel_loop3A_460 : i32 to index
        %parallel_loop3A_463 = arith.index_cast %parallel_loop3A_458 : i32 to index
        %parallel_loop3A_464 = tpu.vector_load %arg6[%parallel_loop3A_461, %parallel_loop3A_462, %parallel_loop3A_463] {strides = array<i32>} : memref<4x2x2048xf32, #tpu.memory_space<vmem>>, vector<1x1x16xf32>,
        %parallel_loop3A_465 = vector.shape_cast %parallel_loop3A_464 : vector<1x1x16xf32> to vector<16xf32>
        %parallel_loop3A_466 = arith.constant 1 : i32
        %parallel_loop3A_467 = arith.constant 0 : i32
        %parallel_loop3A_468 = arith.constant 0 : i32
        %parallel_loop3A_469 = arith.index_cast %parallel_loop3A_466 : i32 to index
        %parallel_loop3A_470 = arith.index_cast %parallel_loop3A_467 : i32 to index
        %parallel_loop3A_471 = arith.index_cast %parallel_loop3A_468 : i32 to index
        %parallel_loop3A_472 = arith.index_cast %parallel_loop3A_458 : i32 to index
        %parallel_loop3A_473 = tpu.vector_load %arg5[%parallel_loop3A_469, %parallel_loop3A_470, %parallel_loop3A_471, %parallel_loop3A_472] {strides = array<i32>} : memref<4x2x4x2048xf32, #tpu.memory_space<vmem>>, vector<1x1x1x16xf32>,
        %parallel_loop3A_474 = vector.shape_cast %parallel_loop3A_473 : vector<1x1x1x16xf32> to vector<16xf32>
        %parallel_loop3A_475 = arith.addf %parallel_loop3A_474, %parallel_loop3A_465 : vector<16xf32>
        %parallel_loop3A_476 = arith.constant 1 : i32
        %parallel_loop3A_477 = arith.constant 0 : i32
        %parallel_loop3A_478 = arith.constant 0 : i32
        %parallel_loop3A_479 = arith.index_cast %parallel_loop3A_476 : i32 to index
        %parallel_loop3A_480 = arith.index_cast %parallel_loop3A_477 : i32 to index
        %parallel_loop3A_481 = arith.index_cast %parallel_loop3A_478 : i32 to index
        %parallel_loop3A_482 = arith.index_cast %parallel_loop3A_458 : i32 to index
        %parallel_loop3A_483 = tpu.vector_load %arg7[%parallel_loop3A_479, %parallel_loop3A_480, %parallel_loop3A_481, %parallel_loop3A_482] {strides = array<i32>} : memref<2x2x4x2048xf32, #tpu.memory_space<vmem>>, vector<1x1x1x16xf32>,
        %parallel_loop3A_484 = vector.shape_cast %parallel_loop3A_483 : vector<1x1x1x16xf32> to vector<16xf32>
        %parallel_loop3A_485 = vector.shape_cast %parallel_loop3A_475 : vector<16xf32> to vector<1x1x1x16xf32>
        tpu.vector_store %arg7[%parallel_loop3A_479, %parallel_loop3A_480, %parallel_loop3A_481, %parallel_loop3A_482], %parallel_loop3A_485 {strides = array<i32>} : memref<2x2x4x2048xf32, #tpu.memory_space<vmem>>, vector<1x1x1x16xf32>,
        %parallel_loop3A_486 = arith.constant 1 : i32
        %parallel_loop3A_487 = arith.constant 0 : i32
        %parallel_loop3A_488 = arith.constant 1 : i32
        %parallel_loop3A_489 = arith.index_cast %parallel_loop3A_486 : i32 to index
        %parallel_loop3A_490 = arith.index_cast %parallel_loop3A_487 : i32 to index
        %parallel_loop3A_491 = arith.index_cast %parallel_loop3A_488 : i32 to index
        %parallel_loop3A_492 = arith.index_cast %parallel_loop3A_458 : i32 to index
        %parallel_loop3A_493 = tpu.vector_load %arg5[%parallel_loop3A_489, %parallel_loop3A_490, %parallel_loop3A_491, %parallel_loop3A_492] {strides = array<i32>} : memref<4x2x4x2048xf32, #tpu.memory_space<vmem>>, vector<1x1x1x16xf32>,
        %parallel_loop3A_494 = vector.shape_cast %parallel_loop3A_493 : vector<1x1x1x16xf32> to vector<16xf32>
        %parallel_loop3A_495 = arith.addf %parallel_loop3A_494, %parallel_loop3A_465 : vector<16xf32>
        %parallel_loop3A_496 = arith.constant 1 : i32
        %parallel_loop3A_497 = arith.constant 0 : i32
        %parallel_loop3A_498 = arith.constant 1 : i32
        %parallel_loop3A_499 = arith.index_cast %parallel_loop3A_496 : i32 to index
        %parallel_loop3A_500 = arith.index_cast %parallel_loop3A_497 : i32 to index
        %parallel_loop3A_501 = arith.index_cast %parallel_loop3A_498 : i32 to index
        %parallel_loop3A_502 = arith.index_cast %parallel_loop3A_458 : i32 to index
        %parallel_loop3A_503 = tpu.vector_load %arg7[%parallel_loop3A_499, %parallel_loop3A_500, %parallel_loop3A_501, %parallel_loop3A_502] {strides = array<i32>} : memref<2x2x4x2048xf32, #tpu.memory_space<vmem>>, vector<1x1x1x16xf32>,
        %parallel_loop3A_504 = vector.shape_cast %parallel_loop3A_503 : vector<1x1x1x16xf32> to vector<16xf32>
        %parallel_loop3A_505 = vector.shape_cast %parallel_loop3A_495 : vector<16xf32> to vector<1x1x1x16xf32>
        tpu.vector_store %arg7[%parallel_loop3A_499, %parallel_loop3A_500, %parallel_loop3A_501, %parallel_loop3A_502], %parallel_loop3A_505 {strides = array<i32>} : memref<2x2x4x2048xf32, #tpu.memory_space<vmem>>, vector<1x1x1x16xf32>,
        %parallel_loop3A_506 = arith.constant 1 : i32
        %parallel_loop3A_507 = arith.constant 0 : i32
        %parallel_loop3A_508 = arith.constant 2 : i32
        %parallel_loop3A_509 = arith.index_cast %parallel_loop3A_506 : i32 to index
        %parallel_loop3A_510 = arith.index_cast %parallel_loop3A_507 : i32 to index
        %parallel_loop3A_511 = arith.index_cast %parallel_loop3A_508 : i32 to index
        %parallel_loop3A_512 = arith.index_cast %parallel_loop3A_458 : i32 to index
        %parallel_loop3A_513 = tpu.vector_load %arg5[%parallel_loop3A_509, %parallel_loop3A_510, %parallel_loop3A_511, %parallel_loop3A_512] {strides = array<i32>} : memref<4x2x4x2048xf32, #tpu.memory_space<vmem>>, vector<1x1x1x16xf32>,
        %parallel_loop3A_514 = vector.shape_cast %parallel_loop3A_513 : vector<1x1x1x16xf32> to vector<16xf32>
        %parallel_loop3A_515 = arith.addf %parallel_loop3A_514, %parallel_loop3A_465 : vector<16xf32>
        %parallel_loop3A_516 = arith.constant 1 : i32
        %parallel_loop3A_517 = arith.constant 0 : i32
        %parallel_loop3A_518 = arith.constant 2 : i32
        %parallel_loop3A_519 = arith.index_cast %parallel_loop3A_516 : i32 to index
        %parallel_loop3A_520 = arith.index_cast %parallel_loop3A_517 : i32 to index
        %parallel_loop3A_521 = arith.index_cast %parallel_loop3A_518 : i32 to index
        %parallel_loop3A_522 = arith.index_cast %parallel_loop3A_458 : i32 to index
        %parallel_loop3A_523 = tpu.vector_load %arg7[%parallel_loop3A_519, %parallel_loop3A_520, %parallel_loop3A_521, %parallel_loop3A_522] {strides = array<i32>} : memref<2x2x4x2048xf32, #tpu.memory_space<vmem>>, vector<1x1x1x16xf32>,
        %parallel_loop3A_524 = vector.shape_cast %parallel_loop3A_523 : vector<1x1x1x16xf32> to vector<16xf32>
        %parallel_loop3A_525 = vector.shape_cast %parallel_loop3A_515 : vector<16xf32> to vector<1x1x1x16xf32>
        tpu.vector_store %arg7[%parallel_loop3A_519, %parallel_loop3A_520, %parallel_loop3A_521, %parallel_loop3A_522], %parallel_loop3A_525 {strides = array<i32>} : memref<2x2x4x2048xf32, #tpu.memory_space<vmem>>, vector<1x1x1x16xf32>,
        %parallel_loop3A_526 = arith.constant 1 : i32
        %parallel_loop3A_527 = arith.constant 0 : i32
        %parallel_loop3A_528 = arith.constant 3 : i32
        %parallel_loop3A_529 = arith.index_cast %parallel_loop3A_526 : i32 to index
        %parallel_loop3A_530 = arith.index_cast %parallel_loop3A_527 : i32 to index
        %parallel_loop3A_531 = arith.index_cast %parallel_loop3A_528 : i32 to index
        %parallel_loop3A_532 = arith.index_cast %parallel_loop3A_458 : i32 to index
        %parallel_loop3A_533 = tpu.vector_load %arg5[%parallel_loop3A_529, %parallel_loop3A_530, %parallel_loop3A_531, %parallel_loop3A_532] {strides = array<i32>} : memref<4x2x4x2048xf32, #tpu.memory_space<vmem>>, vector<1x1x1x16xf32>,
        %parallel_loop3A_534 = vector.shape_cast %parallel_loop3A_533 : vector<1x1x1x16xf32> to vector<16xf32>
        %parallel_loop3A_535 = arith.addf %parallel_loop3A_534, %parallel_loop3A_465 : vector<16xf32>
        %parallel_loop3A_536 = arith.constant 1 : i32
        %parallel_loop3A_537 = arith.constant 0 : i32
        %parallel_loop3A_538 = arith.constant 3 : i32
        %parallel_loop3A_539 = arith.index_cast %parallel_loop3A_536 : i32 to index
        %parallel_loop3A_540 = arith.index_cast %parallel_loop3A_537 : i32 to index
        %parallel_loop3A_541 = arith.index_cast %parallel_loop3A_538 : i32 to index
        %parallel_loop3A_542 = arith.index_cast %parallel_loop3A_458 : i32 to index
        %parallel_loop3A_543 = tpu.vector_load %arg7[%parallel_loop3A_539, %parallel_loop3A_540, %parallel_loop3A_541, %parallel_loop3A_542] {strides = array<i32>} : memref<2x2x4x2048xf32, #tpu.memory_space<vmem>>, vector<1x1x1x16xf32>,
        %parallel_loop3A_544 = vector.shape_cast %parallel_loop3A_543 : vector<1x1x1x16xf32> to vector<16xf32>
        %parallel_loop3A_545 = vector.shape_cast %parallel_loop3A_535 : vector<16xf32> to vector<1x1x1x16xf32>
        tpu.vector_store %arg7[%parallel_loop3A_539, %parallel_loop3A_540, %parallel_loop3A_541, %parallel_loop3A_542], %parallel_loop3A_545 {strides = array<i32>} : memref<2x2x4x2048xf32, #tpu.memory_space<vmem>>, vector<1x1x1x16xf32>,
        %parallel_loop3A_546 = arith.constant 1 : i32
        %parallel_loop3A_547 = arith.constant 1 : i32
        %parallel_loop3A_548 = arith.index_cast %parallel_loop3A_546 : i32 to index
        %parallel_loop3A_549 = arith.index_cast %parallel_loop3A_547 : i32 to index
        %parallel_loop3A_550 = arith.index_cast %parallel_loop3A_458 : i32 to index
        %parallel_loop3A_551 = tpu.vector_load %arg6[%parallel_loop3A_548, %parallel_loop3A_549, %parallel_loop3A_550] {strides = array<i32>} : memref<4x2x2048xf32, #tpu.memory_space<vmem>>, vector<1x1x16xf32>,
        %parallel_loop3A_552 = vector.shape_cast %parallel_loop3A_551 : vector<1x1x16xf32> to vector<16xf32>
        %parallel_loop3A_553 = arith.constant 1 : i32
        %parallel_loop3A_554 = arith.constant 1 : i32
        %parallel_loop3A_555 = arith.constant 0 : i32
        %parallel_loop3A_556 = arith.index_cast %parallel_loop3A_553 : i32 to index
        %parallel_loop3A_557 = arith.index_cast %parallel_loop3A_554 : i32 to index
        %parallel_loop3A_558 = arith.index_cast %parallel_loop3A_555 : i32 to index
        %parallel_loop3A_559 = arith.index_cast %parallel_loop3A_458 : i32 to index
        %parallel_loop3A_560 = tpu.vector_load %arg5[%parallel_loop3A_556, %parallel_loop3A_557, %parallel_loop3A_558, %parallel_loop3A_559] {strides = array<i32>} : memref<4x2x4x2048xf32, #tpu.memory_space<vmem>>, vector<1x1x1x16xf32>,
        %parallel_loop3A_561 = vector.shape_cast %parallel_loop3A_560 : vector<1x1x1x16xf32> to vector<16xf32>
        %parallel_loop3A_562 = arith.addf %parallel_loop3A_561, %parallel_loop3A_552 : vector<16xf32>
        %parallel_loop3A_563 = arith.constant 1 : i32
        %parallel_loop3A_564 = arith.constant 1 : i32
        %parallel_loop3A_565 = arith.constant 0 : i32
        %parallel_loop3A_566 = arith.index_cast %parallel_loop3A_563 : i32 to index
        %parallel_loop3A_567 = arith.index_cast %parallel_loop3A_564 : i32 to index
        %parallel_loop3A_568 = arith.index_cast %parallel_loop3A_565 : i32 to index
        %parallel_loop3A_569 = arith.index_cast %parallel_loop3A_458 : i32 to index
        %parallel_loop3A_570 = tpu.vector_load %arg7[%parallel_loop3A_566, %parallel_loop3A_567, %parallel_loop3A_568, %parallel_loop3A_569] {strides = array<i32>} : memref<2x2x4x2048xf32, #tpu.memory_space<vmem>>, vector<1x1x1x16xf32>,
        %parallel_loop3A_571 = vector.shape_cast %parallel_loop3A_570 : vector<1x1x1x16xf32> to vector<16xf32>
        %parallel_loop3A_572 = vector.shape_cast %parallel_loop3A_562 : vector<16xf32> to vector<1x1x1x16xf32>
        tpu.vector_store %arg7[%parallel_loop3A_566, %parallel_loop3A_567, %parallel_loop3A_568, %parallel_loop3A_569], %parallel_loop3A_572 {strides = array<i32>} : memref<2x2x4x2048xf32, #tpu.memory_space<vmem>>, vector<1x1x1x16xf32>,
        %parallel_loop3A_573 = arith.constant 1 : i32
        %parallel_loop3A_574 = arith.constant 1 : i32
        %parallel_loop3A_575 = arith.constant 1 : i32
        %parallel_loop3A_576 = arith.index_cast %parallel_loop3A_573 : i32 to index
        %parallel_loop3A_577 = arith.index_cast %parallel_loop3A_574 : i32 to index
        %parallel_loop3A_578 = arith.index_cast %parallel_loop3A_575 : i32 to index
        %parallel_loop3A_579 = arith.index_cast %parallel_loop3A_458 : i32 to index
        %parallel_loop3A_580 = tpu.vector_load %arg5[%parallel_loop3A_576, %parallel_loop3A_577, %parallel_loop3A_578, %parallel_loop3A_579] {strides = array<i32>} : memref<4x2x4x2048xf32, #tpu.memory_space<vmem>>, vector<1x1x1x16xf32>,
        %parallel_loop3A_581 = vector.shape_cast %parallel_loop3A_580 : vector<1x1x1x16xf32> to vector<16xf32>
        %parallel_loop3A_582 = arith.addf %parallel_loop3A_581, %parallel_loop3A_552 : vector<16xf32>
        %parallel_loop3A_583 = arith.constant 1 : i32
        %parallel_loop3A_584 = arith.constant 1 : i32
        %parallel_loop3A_585 = arith.constant 1 : i32
        %parallel_loop3A_586 = arith.index_cast %parallel_loop3A_583 : i32 to index
        %parallel_loop3A_587 = arith.index_cast %parallel_loop3A_584 : i32 to index
        %parallel_loop3A_588 = arith.index_cast %parallel_loop3A_585 : i32 to index
        %parallel_loop3A_589 = arith.index_cast %parallel_loop3A_458 : i32 to index
        %parallel_loop3A_590 = tpu.vector_load %arg7[%parallel_loop3A_586, %parallel_loop3A_587, %parallel_loop3A_588, %parallel_loop3A_589] {strides = array<i32>} : memref<2x2x4x2048xf32, #tpu.memory_space<vmem>>, vector<1x1x1x16xf32>,
        %parallel_loop3A_591 = vector.shape_cast %parallel_loop3A_590 : vector<1x1x1x16xf32> to vector<16xf32>
        %parallel_loop3A_592 = vector.shape_cast %parallel_loop3A_582 : vector<16xf32> to vector<1x1x1x16xf32>
        tpu.vector_store %arg7[%parallel_loop3A_586, %parallel_loop3A_587, %parallel_loop3A_588, %parallel_loop3A_589], %parallel_loop3A_592 {strides = array<i32>} : memref<2x2x4x2048xf32, #tpu.memory_space<vmem>>, vector<1x1x1x16xf32>,
        %parallel_loop3A_593 = arith.constant 1 : i32
        %parallel_loop3A_594 = arith.constant 1 : i32
        %parallel_loop3A_595 = arith.constant 2 : i32
        %parallel_loop3A_596 = arith.index_cast %parallel_loop3A_593 : i32 to index
        %parallel_loop3A_597 = arith.index_cast %parallel_loop3A_594 : i32 to index
        %parallel_loop3A_598 = arith.index_cast %parallel_loop3A_595 : i32 to index
        %parallel_loop3A_599 = arith.index_cast %parallel_loop3A_458 : i32 to index
        %parallel_loop3A_600 = tpu.vector_load %arg5[%parallel_loop3A_596, %parallel_loop3A_597, %parallel_loop3A_598, %parallel_loop3A_599] {strides = array<i32>} : memref<4x2x4x2048xf32, #tpu.memory_space<vmem>>, vector<1x1x1x16xf32>,
        %parallel_loop3A_601 = vector.shape_cast %parallel_loop3A_600 : vector<1x1x1x16xf32> to vector<16xf32>
        %parallel_loop3A_602 = arith.addf %parallel_loop3A_601, %parallel_loop3A_552 : vector<16xf32>
        %parallel_loop3A_603 = arith.constant 1 : i32
        %parallel_loop3A_604 = arith.constant 1 : i32
        %parallel_loop3A_605 = arith.constant 2 : i32
        %parallel_loop3A_606 = arith.index_cast %parallel_loop3A_603 : i32 to index
        %parallel_loop3A_607 = arith.index_cast %parallel_loop3A_604 : i32 to index
        %parallel_loop3A_608 = arith.index_cast %parallel_loop3A_605 : i32 to index
        %parallel_loop3A_609 = arith.index_cast %parallel_loop3A_458 : i32 to index
        %parallel_loop3A_610 = tpu.vector_load %arg7[%parallel_loop3A_606, %parallel_loop3A_607, %parallel_loop3A_608, %parallel_loop3A_609] {strides = array<i32>} : memref<2x2x4x2048xf32, #tpu.memory_space<vmem>>, vector<1x1x1x16xf32>,
        %parallel_loop3A_611 = vector.shape_cast %parallel_loop3A_610 : vector<1x1x1x16xf32> to vector<16xf32>
        %parallel_loop3A_612 = vector.shape_cast %parallel_loop3A_602 : vector<16xf32> to vector<1x1x1x16xf32>
        tpu.vector_store %arg7[%parallel_loop3A_606, %parallel_loop3A_607, %parallel_loop3A_608, %parallel_loop3A_609], %parallel_loop3A_612 {strides = array<i32>} : memref<2x2x4x2048xf32, #tpu.memory_space<vmem>>, vector<1x1x1x16xf32>,
        %parallel_loop3A_613 = arith.constant 1 : i32
        %parallel_loop3A_614 = arith.constant 1 : i32
        %parallel_loop3A_615 = arith.constant 3 : i32
        %parallel_loop3A_616 = arith.index_cast %parallel_loop3A_613 : i32 to index
        %parallel_loop3A_617 = arith.index_cast %parallel_loop3A_614 : i32 to index
        %parallel_loop3A_618 = arith.index_cast %parallel_loop3A_615 : i32 to index
        %parallel_loop3A_619 = arith.index_cast %parallel_loop3A_458 : i32 to index
        %parallel_loop3A_620 = tpu.vector_load %arg5[%parallel_loop3A_616, %parallel_loop3A_617, %parallel_loop3A_618, %parallel_loop3A_619] {strides = array<i32>} : memref<4x2x4x2048xf32, #tpu.memory_space<vmem>>, vector<1x1x1x16xf32>,
        %parallel_loop3A_621 = vector.shape_cast %parallel_loop3A_620 : vector<1x1x1x16xf32> to vector<16xf32>
        %parallel_loop3A_622 = arith.addf %parallel_loop3A_621, %parallel_loop3A_552 : vector<16xf32>
        %parallel_loop3A_623 = arith.constant 1 : i32
        %parallel_loop3A_624 = arith.constant 1 : i32
        %parallel_loop3A_625 = arith.constant 3 : i32
        %parallel_loop3A_626 = arith.index_cast %parallel_loop3A_623 : i32 to index
        %parallel_loop3A_627 = arith.index_cast %parallel_loop3A_624 : i32 to index
        %parallel_loop3A_628 = arith.index_cast %parallel_loop3A_625 : i32 to index
        %parallel_loop3A_629 = arith.index_cast %parallel_loop3A_458 : i32 to index
        %parallel_loop3A_630 = tpu.vector_load %arg7[%parallel_loop3A_626, %parallel_loop3A_627, %parallel_loop3A_628, %parallel_loop3A_629] {strides = array<i32>} : memref<2x2x4x2048xf32, #tpu.memory_space<vmem>>, vector<1x1x1x16xf32>,
        %parallel_loop3A_631 = vector.shape_cast %parallel_loop3A_630 : vector<1x1x1x16xf32> to vector<16xf32>
        %parallel_loop3A_632 = vector.shape_cast %parallel_loop3A_622 : vector<16xf32> to vector<1x1x1x16xf32>
        tpu.vector_store %arg7[%parallel_loop3A_626, %parallel_loop3A_627, %parallel_loop3A_628, %parallel_loop3A_629], %parallel_loop3A_632 {strides = array<i32>} : memref<2x2x4x2048xf32, #tpu.memory_space<vmem>>, vector<1x1x1x16xf32>,
      } {sc.loop_unroll_factor = 16 : i64, sc.parallel_access}
      %mul3A_273 = arith.constant 2 : i32
      %mul3A_274 = arith.muli %add3A_234, %mul3A_273 : i32
      %add3A_275 = arith.addi %mul3A_2, %mul3A_274 : i32
      %dma_start3A_276 = arith.constant 1 : i32
      %dma_start3A_277 = arith.constant 0 : i32
      %dma_start3A_278 = arith.constant 0 : i32
      %dma_start3A_279 = arith.constant 0 : i32
      %dma_start3A_280 = tpu.memref_slice %arg7[%dma_start3A_276, %dma_start3A_277, %dma_start3A_278, %dma_start3A_279] : memref<2x2x4x2048xf32, #tpu.memory_space<vmem>> -> memref<1x2x4x2048xf32, #tpu.memory_space<vmem>>
      %dma_start3A_281 = tpu.memref_squeeze %dma_start3A_280 : memref<1x2x4x2048xf32, #tpu.memory_space<vmem>> -> memref<2x4x2048xf32, #tpu.memory_space<vmem>>
      %dma_start3A_282 = arith.constant 0 : i32
      %dma_start3A_283 = arith.constant 0 : i32
      %dma_start3A_284 = tpu.memref_slice %arg4[%add3A_275, %dma_start3A_282, %dma_start3A_283] : memref<8192x4x2048xf32, #tpu.memory_space<hbm>> -> memref<2x4x2048xf32, #tpu.memory_space<hbm>>
      %dma_start3A_285 = arith.constant 0 : i32
      %dma_start3A_286 = arith.constant 0 : i32
      %dma_start3A_287 = tpu.memref_slice %arg4[%add3A_275, %dma_start3A_285, %dma_start3A_286] : memref<8192x4x2048xf32, #tpu.memory_space<hbm>> -> memref<2x4x2048xf32, #tpu.memory_space<hbm>>
      %dma_start3A_288 = arith.constant 0 : i32
      %dma_start3A_289 = arith.constant 0 : i32
      %dma_start3A_290 = arith.constant 0 : i32
      %dma_start3A_291 = tpu.memref_slice %arg7[%dma_start3A_276, %dma_start3A_288, %dma_start3A_289, %dma_start3A_290] : memref<2x2x4x2048xf32, #tpu.memory_space<vmem>> -> memref<1x2x4x2048xf32, #tpu.memory_space<vmem>>
      %dma_start3A_292 = tpu.memref_squeeze %dma_start3A_291 : memref<1x2x4x2048xf32, #tpu.memory_space<vmem>> -> memref<2x4x2048xf32, #tpu.memory_space<vmem>>
      tpu.enqueue_dma source(%dma_start3A_292 : memref<2x4x2048xf32, #tpu.memory_space<vmem>>) target(%dma_start3A_287 : memref<2x4x2048xf32, #tpu.memory_space<hbm>>) target_semaphore(%arg13 : memref<!tpu.dma_semaphore, #tpu.memory_space<semaphore_mem>>)
      %lt3A_293 = arith.constant 31 : i32
      %lt3A_294 = arith.cmpi slt, %scan3A_168, %lt3A_293 : i32
      %convert_element_type3A_295 = arith.extui %lt3A_294 : i1 to i32
      %cond3A_296 = arith.constant 0 : i32
      %cond3A_297 = arith.cmpi ne, %convert_element_type3A_295, %cond3A_296 : i32
      scf.if %cond3A_297 {
        %add3A_456 = arith.constant 4 : i32
        %add3A_457 = arith.addi %add3A_234, %add3A_456 : i32
        %mul3A_458 = arith.constant 2 : i32
        %mul3A_459 = arith.muli %add3A_457, %mul3A_458 : i32
        %add3A_460 = arith.addi %mul3A_2, %mul3A_459 : i32
        %dma_start3A_461 = arith.constant 1 : i32
        %dma_start3A_462 = arith.constant 0 : i32
        %dma_start3A_463 = arith.constant 0 : i32
        %dma_start3A_464 = arith.constant 0 : i32
        %dma_start3A_465 = tpu.memref_slice %arg5[%dma_start3A_461, %dma_start3A_462, %dma_start3A_463, %dma_start3A_464] : memref<4x2x4x2048xf32, #tpu.memory_space<vmem>> -> memref<1x2x4x2048xf32, #tpu.memory_space<vmem>>
        %dma_start3A_466 = tpu.memref_squeeze %dma_start3A_465 : memref<1x2x4x2048xf32, #tpu.memory_space<vmem>> -> memref<2x4x2048xf32, #tpu.memory_space<vmem>>
        %dma_start3A_467 = arith.constant 0 : i32
        %dma_start3A_468 = arith.constant 0 : i32
        %dma_start3A_469 = tpu.memref_slice %arg2[%add3A_460, %dma_start3A_467, %dma_start3A_468] : memref<8192x4x2048xf32, #tpu.memory_space<hbm>> -> memref<2x4x2048xf32, #tpu.memory_space<hbm>>
        %dma_start3A_470 = arith.constant 0 : i32
        %dma_start3A_471 = arith.constant 0 : i32
        %dma_start3A_472 = arith.constant 0 : i32
        %dma_start3A_473 = tpu.memref_slice %arg5[%dma_start3A_461, %dma_start3A_470, %dma_start3A_471, %dma_start3A_472] : memref<4x2x4x2048xf32, #tpu.memory_space<vmem>> -> memref<1x2x4x2048xf32, #tpu.memory_space<vmem>>
        %dma_start3A_474 = tpu.memref_squeeze %dma_start3A_473 : memref<1x2x4x2048xf32, #tpu.memory_space<vmem>> -> memref<2x4x2048xf32, #tpu.memory_space<vmem>>
        %dma_start3A_475 = arith.constant 0 : i32
        %dma_start3A_476 = arith.constant 0 : i32
        %dma_start3A_477 = tpu.memref_slice %arg2[%add3A_460, %dma_start3A_475, %dma_start3A_476] : memref<8192x4x2048xf32, #tpu.memory_space<hbm>> -> memref<2x4x2048xf32, #tpu.memory_space<hbm>>
        tpu.enqueue_dma source(%dma_start3A_477 : memref<2x4x2048xf32, #tpu.memory_space<hbm>>) target(%dma_start3A_474 : memref<2x4x2048xf32, #tpu.memory_space<vmem>>) target_semaphore(%arg9 : memref<!tpu.dma_semaphore, #tpu.memory_space<semaphore_mem>>)
        %dma_start3A_478 = arith.constant 1 : i32
        %dma_start3A_479 = arith.constant 0 : i32
        %dma_start3A_480 = arith.constant 0 : i32
        %dma_start3A_481 = tpu.memref_slice %arg6[%dma_start3A_478, %dma_start3A_479, %dma_start3A_480] : memref<4x2x2048xf32, #tpu.memory_space<vmem>> -> memref<1x2x2048xf32, #tpu.memory_space<vmem>>
        %dma_start3A_482 = tpu.memref_squeeze %dma_start3A_481 : memref<1x2x2048xf32, #tpu.memory_space<vmem>> -> memref<2x2048xf32, #tpu.memory_space<vmem>>
        %dma_start3A_483 = arith.constant 0 : i32
        %dma_start3A_484 = tpu.memref_slice %arg3[%add3A_460, %dma_start3A_483] : memref<8192x2048xf32, #tpu.memory_space<hbm>> -> memref<2x2048xf32, #tpu.memory_space<hbm>>
        %dma_start3A_485 = arith.constant 0 : i32
        %dma_start3A_486 = arith.constant 0 : i32
        %dma_start3A_487 = tpu.memref_slice %arg6[%dma_start3A_478, %dma_start3A_485, %dma_start3A_486] : memref<4x2x2048xf32, #tpu.memory_space<vmem>> -> memref<1x2x2048xf32, #tpu.memory_space<vmem>>
        %dma_start3A_488 = tpu.memref_squeeze %dma_start3A_487 : memref<1x2x2048xf32, #tpu.memory_space<vmem>> -> memref<2x2048xf32, #tpu.memory_space<vmem>>
        %dma_start3A_489 = arith.constant 0 : i32
        %dma_start3A_490 = tpu.memref_slice %arg3[%add3A_460, %dma_start3A_489] : memref<8192x2048xf32, #tpu.memory_space<hbm>> -> memref<2x2048xf32, #tpu.memory_space<hbm>>
        tpu.enqueue_dma source(%dma_start3A_490 : memref<2x2048xf32, #tpu.memory_space<hbm>>) target(%dma_start3A_488 : memref<2x2048xf32, #tpu.memory_space<vmem>>) target_semaphore(%arg9 : memref<!tpu.dma_semaphore, #tpu.memory_space<semaphore_mem>>)
      } else {
      }
      %mul3A_298 = arith.constant 4 : i32
      %mul3A_299 = arith.muli %scan3A_168, %mul3A_298 : i32
      %add3A_300 = arith.constant 2 : i32
      %add3A_301 = arith.addi %mul3A_299, %add3A_300 : i32
      %dma_wait3A_302 = arith.constant 0 : i32
      %dma_wait3A_303 = arith.constant 0 : i32
      %dma_wait3A_304 = arith.constant 0 : i32
      %dma_wait3A_305 = arith.constant 0 : i32
      %dma_wait3A_306 = tpu.memref_slice %arg7[%dma_wait3A_302, %dma_wait3A_303, %dma_wait3A_304, %dma_wait3A_305] : memref<2x2x4x2048xf32, #tpu.memory_space<vmem>> -> memref<1x2x4x2048xf32, #tpu.memory_space<vmem>>
      %dma_wait3A_307 = tpu.memref_squeeze %dma_wait3A_306 : memref<1x2x4x2048xf32, #tpu.memory_space<vmem>> -> memref<2x4x2048xf32, #tpu.memory_space<vmem>>
      %dma_wait3A_308 = arith.constant 0 : i32
      %dma_wait3A_309 = arith.constant 0 : i32
      %dma_wait3A_310 = tpu.memref_slice %arg4[%mul3A_2, %dma_wait3A_308, %dma_wait3A_309] : memref<8192x4x2048xf32, #tpu.memory_space<hbm>> -> memref<2x4x2048xf32, #tpu.memory_space<hbm>>
      %dma_wait3A_311 = arith.constant 0 : i32
      %dma_wait3A_312 = arith.constant 0 : i32
      %dma_wait3A_313 = tpu.memref_slice %arg4[%mul3A_2, %dma_wait3A_311, %dma_wait3A_312] : memref<8192x4x2048xf32, #tpu.memory_space<hbm>> -> memref<2x4x2048xf32, #tpu.memory_space<hbm>>
      %dma_wait3A_314 = arith.constant 0 : i32
      %dma_wait3A_315 = arith.constant 0 : i32
      %dma_wait3A_316 = arith.constant 0 : i32
      %dma_wait3A_317 = tpu.memref_slice %arg7[%dma_wait3A_302, %dma_wait3A_314, %dma_wait3A_315, %dma_wait3A_316] : memref<2x2x4x2048xf32, #tpu.memory_space<vmem>> -> memref<1x2x4x2048xf32, #tpu.memory_space<vmem>>
      %dma_wait3A_318 = tpu.memref_squeeze %dma_wait3A_317 : memref<1x2x4x2048xf32, #tpu.memory_space<vmem>> -> memref<2x4x2048xf32, #tpu.memory_space<vmem>>
      tpu.wait_dma2 semaphore(%arg12 : memref<!tpu.dma_semaphore, #tpu.memory_space<semaphore_mem>>) src(%dma_wait3A_318 : memref<2x4x2048xf32, #tpu.memory_space<vmem>>) dst(%dma_wait3A_313 : memref<2x4x2048xf32, #tpu.memory_space<hbm>>)
      %dma_wait3A_319 = arith.constant 2 : i32
      %dma_wait3A_320 = arith.constant 0 : i32
      %dma_wait3A_321 = arith.constant 0 : i32
      %dma_wait3A_322 = arith.constant 0 : i32
      %dma_wait3A_323 = tpu.memref_slice %arg5[%dma_wait3A_319, %dma_wait3A_320, %dma_wait3A_321, %dma_wait3A_322] : memref<4x2x4x2048xf32, #tpu.memory_space<vmem>> -> memref<1x2x4x2048xf32, #tpu.memory_space<vmem>>
      %dma_wait3A_324 = tpu.memref_squeeze %dma_wait3A_323 : memref<1x2x4x2048xf32, #tpu.memory_space<vmem>> -> memref<2x4x2048xf32, #tpu.memory_space<vmem>>
      %dma_wait3A_325 = arith.constant 0 : i32
      %dma_wait3A_326 = arith.constant 0 : i32
      %dma_wait3A_327 = tpu.memref_slice %arg2[%mul3A_2, %dma_wait3A_325, %dma_wait3A_326] : memref<8192x4x2048xf32, #tpu.memory_space<hbm>> -> memref<2x4x2048xf32, #tpu.memory_space<hbm>>
      %dma_wait3A_328 = arith.constant 0 : i32
      %dma_wait3A_329 = arith.constant 0 : i32
      %dma_wait3A_330 = arith.constant 0 : i32
      %dma_wait3A_331 = tpu.memref_slice %arg5[%dma_wait3A_319, %dma_wait3A_328, %dma_wait3A_329, %dma_wait3A_330] : memref<4x2x4x2048xf32, #tpu.memory_space<vmem>> -> memref<1x2x4x2048xf32, #tpu.memory_space<vmem>>
      %dma_wait3A_332 = tpu.memref_squeeze %dma_wait3A_331 : memref<1x2x4x2048xf32, #tpu.memory_space<vmem>> -> memref<2x4x2048xf32, #tpu.memory_space<vmem>>
      %dma_wait3A_333 = arith.constant 0 : i32
      %dma_wait3A_334 = arith.constant 0 : i32
      %dma_wait3A_335 = tpu.memref_slice %arg2[%mul3A_2, %dma_wait3A_333, %dma_wait3A_334] : memref<8192x4x2048xf32, #tpu.memory_space<hbm>> -> memref<2x4x2048xf32, #tpu.memory_space<hbm>>
      tpu.wait_dma2 semaphore(%arg10 : memref<!tpu.dma_semaphore, #tpu.memory_space<semaphore_mem>>) src(%dma_wait3A_335 : memref<2x4x2048xf32, #tpu.memory_space<hbm>>) dst(%dma_wait3A_332 : memref<2x4x2048xf32, #tpu.memory_space<vmem>>)
      %dma_wait3A_336 = arith.constant 2 : i32
      %dma_wait3A_337 = arith.constant 0 : i32
      %dma_wait3A_338 = arith.constant 0 : i32
      %dma_wait3A_339 = tpu.memref_slice %arg6[%dma_wait3A_336, %dma_wait3A_337, %dma_wait3A_338] : memref<4x2x2048xf32, #tpu.memory_space<vmem>> -> memref<1x2x2048xf32, #tpu.memory_space<vmem>>
      %dma_wait3A_340 = tpu.memref_squeeze %dma_wait3A_339 : memref<1x2x2048xf32, #tpu.memory_space<vmem>> -> memref<2x2048xf32, #tpu.memory_space<vmem>>
      %dma_wait3A_341 = arith.constant 0 : i32
      %dma_wait3A_342 = tpu.memref_slice %arg3[%mul3A_2, %dma_wait3A_341] : memref<8192x2048xf32, #tpu.memory_space<hbm>> -> memref<2x2048xf32, #tpu.memory_space<hbm>>
      %dma_wait3A_343 = arith.constant 0 : i32
      %dma_wait3A_344 = arith.constant 0 : i32
      %dma_wait3A_345 = tpu.memref_slice %arg6[%dma_wait3A_336, %dma_wait3A_343, %dma_wait3A_344] : memref<4x2x2048xf32, #tpu.memory_space<vmem>> -> memref<1x2x2048xf32, #tpu.memory_space<vmem>>
      %dma_wait3A_346 = tpu.memref_squeeze %dma_wait3A_345 : memref<1x2x2048xf32, #tpu.memory_space<vmem>> -> memref<2x2048xf32, #tpu.memory_space<vmem>>
      %dma_wait3A_347 = arith.constant 0 : i32
      %dma_wait3A_348 = tpu.memref_slice %arg3[%mul3A_2, %dma_wait3A_347] : memref<8192x2048xf32, #tpu.memory_space<hbm>> -> memref<2x2048xf32, #tpu.memory_space<hbm>>
      tpu.wait_dma2 semaphore(%arg10 : memref<!tpu.dma_semaphore, #tpu.memory_space<semaphore_mem>>) src(%dma_wait3A_348 : memref<2x2048xf32, #tpu.memory_space<hbm>>) dst(%dma_wait3A_346 : memref<2x2048xf32, #tpu.memory_space<vmem>>)
      %parallel_loop3A_349 = arith.constant 0 : i32
      %parallel_loop3A_350 = arith.constant 128 : i32
      %parallel_loop3A_351 = arith.constant 1 : i32
      scf.for %parallel_loop3A_456 = %parallel_loop3A_349 to %parallel_loop3A_350 step %parallel_loop3A_351  : i32 {
        %parallel_loop3A_457 = arith.constant 16 : i32
        %parallel_loop3A_458 = arith.muli %parallel_loop3A_456, %parallel_loop3A_457 : i32
        %parallel_loop3A_459 = arith.constant 2 : i32
        %parallel_loop3A_460 = arith.constant 0 : i32
        %parallel_loop3A_461 = arith.index_cast %parallel_loop3A_459 : i32 to index
        %parallel_loop3A_462 = arith.index_cast %parallel_loop3A_460 : i32 to index
        %parallel_loop3A_463 = arith.index_cast %parallel_loop3A_458 : i32 to index
        %parallel_loop3A_464 = tpu.vector_load %arg6[%parallel_loop3A_461, %parallel_loop3A_462, %parallel_loop3A_463] {strides = array<i32>} : memref<4x2x2048xf32, #tpu.memory_space<vmem>>, vector<1x1x16xf32>,
        %parallel_loop3A_465 = vector.shape_cast %parallel_loop3A_464 : vector<1x1x16xf32> to vector<16xf32>
        %parallel_loop3A_466 = arith.constant 2 : i32
        %parallel_loop3A_467 = arith.constant 0 : i32
        %parallel_loop3A_468 = arith.constant 0 : i32
        %parallel_loop3A_469 = arith.index_cast %parallel_loop3A_466 : i32 to index
        %parallel_loop3A_470 = arith.index_cast %parallel_loop3A_467 : i32 to index
        %parallel_loop3A_471 = arith.index_cast %parallel_loop3A_468 : i32 to index
        %parallel_loop3A_472 = arith.index_cast %parallel_loop3A_458 : i32 to index
        %parallel_loop3A_473 = tpu.vector_load %arg5[%parallel_loop3A_469, %parallel_loop3A_470, %parallel_loop3A_471, %parallel_loop3A_472] {strides = array<i32>} : memref<4x2x4x2048xf32, #tpu.memory_space<vmem>>, vector<1x1x1x16xf32>,
        %parallel_loop3A_474 = vector.shape_cast %parallel_loop3A_473 : vector<1x1x1x16xf32> to vector<16xf32>
        %parallel_loop3A_475 = arith.addf %parallel_loop3A_474, %parallel_loop3A_465 : vector<16xf32>
        %parallel_loop3A_476 = arith.constant 0 : i32
        %parallel_loop3A_477 = arith.constant 0 : i32
        %parallel_loop3A_478 = arith.constant 0 : i32
        %parallel_loop3A_479 = arith.index_cast %parallel_loop3A_476 : i32 to index
        %parallel_loop3A_480 = arith.index_cast %parallel_loop3A_477 : i32 to index
        %parallel_loop3A_481 = arith.index_cast %parallel_loop3A_478 : i32 to index
        %parallel_loop3A_482 = arith.index_cast %parallel_loop3A_458 : i32 to index
        %parallel_loop3A_483 = tpu.vector_load %arg7[%parallel_loop3A_479, %parallel_loop3A_480, %parallel_loop3A_481, %parallel_loop3A_482] {strides = array<i32>} : memref<2x2x4x2048xf32, #tpu.memory_space<vmem>>, vector<1x1x1x16xf32>,
        %parallel_loop3A_484 = vector.shape_cast %parallel_loop3A_483 : vector<1x1x1x16xf32> to vector<16xf32>
        %parallel_loop3A_485 = vector.shape_cast %parallel_loop3A_475 : vector<16xf32> to vector<1x1x1x16xf32>
        tpu.vector_store %arg7[%parallel_loop3A_479, %parallel_loop3A_480, %parallel_loop3A_481, %parallel_loop3A_482], %parallel_loop3A_485 {strides = array<i32>} : memref<2x2x4x2048xf32, #tpu.memory_space<vmem>>, vector<1x1x1x16xf32>,
        %parallel_loop3A_486 = arith.constant 2 : i32
        %parallel_loop3A_487 = arith.constant 0 : i32
        %parallel_loop3A_488 = arith.constant 1 : i32
        %parallel_loop3A_489 = arith.index_cast %parallel_loop3A_486 : i32 to index
        %parallel_loop3A_490 = arith.index_cast %parallel_loop3A_487 : i32 to index
        %parallel_loop3A_491 = arith.index_cast %parallel_loop3A_488 : i32 to index
        %parallel_loop3A_492 = arith.index_cast %parallel_loop3A_458 : i32 to index
        %parallel_loop3A_493 = tpu.vector_load %arg5[%parallel_loop3A_489, %parallel_loop3A_490, %parallel_loop3A_491, %parallel_loop3A_492] {strides = array<i32>} : memref<4x2x4x2048xf32, #tpu.memory_space<vmem>>, vector<1x1x1x16xf32>,
        %parallel_loop3A_494 = vector.shape_cast %parallel_loop3A_493 : vector<1x1x1x16xf32> to vector<16xf32>
        %parallel_loop3A_495 = arith.addf %parallel_loop3A_494, %parallel_loop3A_465 : vector<16xf32>
        %parallel_loop3A_496 = arith.constant 0 : i32
        %parallel_loop3A_497 = arith.constant 0 : i32
        %parallel_loop3A_498 = arith.constant 1 : i32
        %parallel_loop3A_499 = arith.index_cast %parallel_loop3A_496 : i32 to index
        %parallel_loop3A_500 = arith.index_cast %parallel_loop3A_497 : i32 to index
        %parallel_loop3A_501 = arith.index_cast %parallel_loop3A_498 : i32 to index
        %parallel_loop3A_502 = arith.index_cast %parallel_loop3A_458 : i32 to index
        %parallel_loop3A_503 = tpu.vector_load %arg7[%parallel_loop3A_499, %parallel_loop3A_500, %parallel_loop3A_501, %parallel_loop3A_502] {strides = array<i32>} : memref<2x2x4x2048xf32, #tpu.memory_space<vmem>>, vector<1x1x1x16xf32>,
        %parallel_loop3A_504 = vector.shape_cast %parallel_loop3A_503 : vector<1x1x1x16xf32> to vector<16xf32>
        %parallel_loop3A_505 = vector.shape_cast %parallel_loop3A_495 : vector<16xf32> to vector<1x1x1x16xf32>
        tpu.vector_store %arg7[%parallel_loop3A_499, %parallel_loop3A_500, %parallel_loop3A_501, %parallel_loop3A_502], %parallel_loop3A_505 {strides = array<i32>} : memref<2x2x4x2048xf32, #tpu.memory_space<vmem>>, vector<1x1x1x16xf32>,
        %parallel_loop3A_506 = arith.constant 2 : i32
        %parallel_loop3A_507 = arith.constant 0 : i32
        %parallel_loop3A_508 = arith.constant 2 : i32
        %parallel_loop3A_509 = arith.index_cast %parallel_loop3A_506 : i32 to index
        %parallel_loop3A_510 = arith.index_cast %parallel_loop3A_507 : i32 to index
        %parallel_loop3A_511 = arith.index_cast %parallel_loop3A_508 : i32 to index
        %parallel_loop3A_512 = arith.index_cast %parallel_loop3A_458 : i32 to index
        %parallel_loop3A_513 = tpu.vector_load %arg5[%parallel_loop3A_509, %parallel_loop3A_510, %parallel_loop3A_511, %parallel_loop3A_512] {strides = array<i32>} : memref<4x2x4x2048xf32, #tpu.memory_space<vmem>>, vector<1x1x1x16xf32>,
        %parallel_loop3A_514 = vector.shape_cast %parallel_loop3A_513 : vector<1x1x1x16xf32> to vector<16xf32>
        %parallel_loop3A_515 = arith.addf %parallel_loop3A_514, %parallel_loop3A_465 : vector<16xf32>
        %parallel_loop3A_516 = arith.constant 0 : i32
        %parallel_loop3A_517 = arith.constant 0 : i32
        %parallel_loop3A_518 = arith.constant 2 : i32
        %parallel_loop3A_519 = arith.index_cast %parallel_loop3A_516 : i32 to index
        %parallel_loop3A_520 = arith.index_cast %parallel_loop3A_517 : i32 to index
        %parallel_loop3A_521 = arith.index_cast %parallel_loop3A_518 : i32 to index
        %parallel_loop3A_522 = arith.index_cast %parallel_loop3A_458 : i32 to index
        %parallel_loop3A_523 = tpu.vector_load %arg7[%parallel_loop3A_519, %parallel_loop3A_520, %parallel_loop3A_521, %parallel_loop3A_522] {strides = array<i32>} : memref<2x2x4x2048xf32, #tpu.memory_space<vmem>>, vector<1x1x1x16xf32>,
        %parallel_loop3A_524 = vector.shape_cast %parallel_loop3A_523 : vector<1x1x1x16xf32> to vector<16xf32>
        %parallel_loop3A_525 = vector.shape_cast %parallel_loop3A_515 : vector<16xf32> to vector<1x1x1x16xf32>
        tpu.vector_store %arg7[%parallel_loop3A_519, %parallel_loop3A_520, %parallel_loop3A_521, %parallel_loop3A_522], %parallel_loop3A_525 {strides = array<i32>} : memref<2x2x4x2048xf32, #tpu.memory_space<vmem>>, vector<1x1x1x16xf32>,
        %parallel_loop3A_526 = arith.constant 2 : i32
        %parallel_loop3A_527 = arith.constant 0 : i32
        %parallel_loop3A_528 = arith.constant 3 : i32
        %parallel_loop3A_529 = arith.index_cast %parallel_loop3A_526 : i32 to index
        %parallel_loop3A_530 = arith.index_cast %parallel_loop3A_527 : i32 to index
        %parallel_loop3A_531 = arith.index_cast %parallel_loop3A_528 : i32 to index
        %parallel_loop3A_532 = arith.index_cast %parallel_loop3A_458 : i32 to index
        %parallel_loop3A_533 = tpu.vector_load %arg5[%parallel_loop3A_529, %parallel_loop3A_530, %parallel_loop3A_531, %parallel_loop3A_532] {strides = array<i32>} : memref<4x2x4x2048xf32, #tpu.memory_space<vmem>>, vector<1x1x1x16xf32>,
        %parallel_loop3A_534 = vector.shape_cast %parallel_loop3A_533 : vector<1x1x1x16xf32> to vector<16xf32>
        %parallel_loop3A_535 = arith.addf %parallel_loop3A_534, %parallel_loop3A_465 : vector<16xf32>
        %parallel_loop3A_536 = arith.constant 0 : i32
        %parallel_loop3A_537 = arith.constant 0 : i32
        %parallel_loop3A_538 = arith.constant 3 : i32
        %parallel_loop3A_539 = arith.index_cast %parallel_loop3A_536 : i32 to index
        %parallel_loop3A_540 = arith.index_cast %parallel_loop3A_537 : i32 to index
        %parallel_loop3A_541 = arith.index_cast %parallel_loop3A_538 : i32 to index
        %parallel_loop3A_542 = arith.index_cast %parallel_loop3A_458 : i32 to index
        %parallel_loop3A_543 = tpu.vector_load %arg7[%parallel_loop3A_539, %parallel_loop3A_540, %parallel_loop3A_541, %parallel_loop3A_542] {strides = array<i32>} : memref<2x2x4x2048xf32, #tpu.memory_space<vmem>>, vector<1x1x1x16xf32>,
        %parallel_loop3A_544 = vector.shape_cast %parallel_loop3A_543 : vector<1x1x1x16xf32> to vector<16xf32>
        %parallel_loop3A_545 = vector.shape_cast %parallel_loop3A_535 : vector<16xf32> to vector<1x1x1x16xf32>
        tpu.vector_store %arg7[%parallel_loop3A_539, %parallel_loop3A_540, %parallel_loop3A_541, %parallel_loop3A_542], %parallel_loop3A_545 {strides = array<i32>} : memref<2x2x4x2048xf32, #tpu.memory_space<vmem>>, vector<1x1x1x16xf32>,
        %parallel_loop3A_546 = arith.constant 2 : i32
        %parallel_loop3A_547 = arith.constant 1 : i32
        %parallel_loop3A_548 = arith.index_cast %parallel_loop3A_546 : i32 to index
        %parallel_loop3A_549 = arith.index_cast %parallel_loop3A_547 : i32 to index
        %parallel_loop3A_550 = arith.index_cast %parallel_loop3A_458 : i32 to index
        %parallel_loop3A_551 = tpu.vector_load %arg6[%parallel_loop3A_548, %parallel_loop3A_549, %parallel_loop3A_550] {strides = array<i32>} : memref<4x2x2048xf32, #tpu.memory_space<vmem>>, vector<1x1x16xf32>,
        %parallel_loop3A_552 = vector.shape_cast %parallel_loop3A_551 : vector<1x1x16xf32> to vector<16xf32>
        %parallel_loop3A_553 = arith.constant 2 : i32
        %parallel_loop3A_554 = arith.constant 1 : i32
        %parallel_loop3A_555 = arith.constant 0 : i32
        %parallel_loop3A_556 = arith.index_cast %parallel_loop3A_553 : i32 to index
        %parallel_loop3A_557 = arith.index_cast %parallel_loop3A_554 : i32 to index
        %parallel_loop3A_558 = arith.index_cast %parallel_loop3A_555 : i32 to index
        %parallel_loop3A_559 = arith.index_cast %parallel_loop3A_458 : i32 to index
        %parallel_loop3A_560 = tpu.vector_load %arg5[%parallel_loop3A_556, %parallel_loop3A_557, %parallel_loop3A_558, %parallel_loop3A_559] {strides = array<i32>} : memref<4x2x4x2048xf32, #tpu.memory_space<vmem>>, vector<1x1x1x16xf32>,
        %parallel_loop3A_561 = vector.shape_cast %parallel_loop3A_560 : vector<1x1x1x16xf32> to vector<16xf32>
        %parallel_loop3A_562 = arith.addf %parallel_loop3A_561, %parallel_loop3A_552 : vector<16xf32>
        %parallel_loop3A_563 = arith.constant 0 : i32
        %parallel_loop3A_564 = arith.constant 1 : i32
        %parallel_loop3A_565 = arith.constant 0 : i32
        %parallel_loop3A_566 = arith.index_cast %parallel_loop3A_563 : i32 to index
        %parallel_loop3A_567 = arith.index_cast %parallel_loop3A_564 : i32 to index
        %parallel_loop3A_568 = arith.index_cast %parallel_loop3A_565 : i32 to index
        %parallel_loop3A_569 = arith.index_cast %parallel_loop3A_458 : i32 to index
        %parallel_loop3A_570 = tpu.vector_load %arg7[%parallel_loop3A_566, %parallel_loop3A_567, %parallel_loop3A_568, %parallel_loop3A_569] {strides = array<i32>} : memref<2x2x4x2048xf32, #tpu.memory_space<vmem>>, vector<1x1x1x16xf32>,
        %parallel_loop3A_571 = vector.shape_cast %parallel_loop3A_570 : vector<1x1x1x16xf32> to vector<16xf32>
        %parallel_loop3A_572 = vector.shape_cast %parallel_loop3A_562 : vector<16xf32> to vector<1x1x1x16xf32>
        tpu.vector_store %arg7[%parallel_loop3A_566, %parallel_loop3A_567, %parallel_loop3A_568, %parallel_loop3A_569], %parallel_loop3A_572 {strides = array<i32>} : memref<2x2x4x2048xf32, #tpu.memory_space<vmem>>, vector<1x1x1x16xf32>,
        %parallel_loop3A_573 = arith.constant 2 : i32
        %parallel_loop3A_574 = arith.constant 1 : i32
        %parallel_loop3A_575 = arith.constant 1 : i32
        %parallel_loop3A_576 = arith.index_cast %parallel_loop3A_573 : i32 to index
        %parallel_loop3A_577 = arith.index_cast %parallel_loop3A_574 : i32 to index
        %parallel_loop3A_578 = arith.index_cast %parallel_loop3A_575 : i32 to index
        %parallel_loop3A_579 = arith.index_cast %parallel_loop3A_458 : i32 to index
        %parallel_loop3A_580 = tpu.vector_load %arg5[%parallel_loop3A_576, %parallel_loop3A_577, %parallel_loop3A_578, %parallel_loop3A_579] {strides = array<i32>} : memref<4x2x4x2048xf32, #tpu.memory_space<vmem>>, vector<1x1x1x16xf32>,
        %parallel_loop3A_581 = vector.shape_cast %parallel_loop3A_580 : vector<1x1x1x16xf32> to vector<16xf32>
        %parallel_loop3A_582 = arith.addf %parallel_loop3A_581, %parallel_loop3A_552 : vector<16xf32>
        %parallel_loop3A_583 = arith.constant 0 : i32
        %parallel_loop3A_584 = arith.constant 1 : i32
        %parallel_loop3A_585 = arith.constant 1 : i32
        %parallel_loop3A_586 = arith.index_cast %parallel_loop3A_583 : i32 to index
        %parallel_loop3A_587 = arith.index_cast %parallel_loop3A_584 : i32 to index
        %parallel_loop3A_588 = arith.index_cast %parallel_loop3A_585 : i32 to index
        %parallel_loop3A_589 = arith.index_cast %parallel_loop3A_458 : i32 to index
        %parallel_loop3A_590 = tpu.vector_load %arg7[%parallel_loop3A_586, %parallel_loop3A_587, %parallel_loop3A_588, %parallel_loop3A_589] {strides = array<i32>} : memref<2x2x4x2048xf32, #tpu.memory_space<vmem>>, vector<1x1x1x16xf32>,
        %parallel_loop3A_591 = vector.shape_cast %parallel_loop3A_590 : vector<1x1x1x16xf32> to vector<16xf32>
        %parallel_loop3A_592 = vector.shape_cast %parallel_loop3A_582 : vector<16xf32> to vector<1x1x1x16xf32>
        tpu.vector_store %arg7[%parallel_loop3A_586, %parallel_loop3A_587, %parallel_loop3A_588, %parallel_loop3A_589], %parallel_loop3A_592 {strides = array<i32>} : memref<2x2x4x2048xf32, #tpu.memory_space<vmem>>, vector<1x1x1x16xf32>,
        %parallel_loop3A_593 = arith.constant 2 : i32
        %parallel_loop3A_594 = arith.constant 1 : i32
        %parallel_loop3A_595 = arith.constant 2 : i32
        %parallel_loop3A_596 = arith.index_cast %parallel_loop3A_593 : i32 to index
        %parallel_loop3A_597 = arith.index_cast %parallel_loop3A_594 : i32 to index
        %parallel_loop3A_598 = arith.index_cast %parallel_loop3A_595 : i32 to index
        %parallel_loop3A_599 = arith.index_cast %parallel_loop3A_458 : i32 to index
        %parallel_loop3A_600 = tpu.vector_load %arg5[%parallel_loop3A_596, %parallel_loop3A_597, %parallel_loop3A_598, %parallel_loop3A_599] {strides = array<i32>} : memref<4x2x4x2048xf32, #tpu.memory_space<vmem>>, vector<1x1x1x16xf32>,
        %parallel_loop3A_601 = vector.shape_cast %parallel_loop3A_600 : vector<1x1x1x16xf32> to vector<16xf32>
        %parallel_loop3A_602 = arith.addf %parallel_loop3A_601, %parallel_loop3A_552 : vector<16xf32>
        %parallel_loop3A_603 = arith.constant 0 : i32
        %parallel_loop3A_604 = arith.constant 1 : i32
        %parallel_loop3A_605 = arith.constant 2 : i32
        %parallel_loop3A_606 = arith.index_cast %parallel_loop3A_603 : i32 to index
        %parallel_loop3A_607 = arith.index_cast %parallel_loop3A_604 : i32 to index
        %parallel_loop3A_608 = arith.index_cast %parallel_loop3A_605 : i32 to index
        %parallel_loop3A_609 = arith.index_cast %parallel_loop3A_458 : i32 to index
        %parallel_loop3A_610 = tpu.vector_load %arg7[%parallel_loop3A_606, %parallel_loop3A_607, %parallel_loop3A_608, %parallel_loop3A_609] {strides = array<i32>} : memref<2x2x4x2048xf32, #tpu.memory_space<vmem>>, vector<1x1x1x16xf32>,
        %parallel_loop3A_611 = vector.shape_cast %parallel_loop3A_610 : vector<1x1x1x16xf32> to vector<16xf32>
        %parallel_loop3A_612 = vector.shape_cast %parallel_loop3A_602 : vector<16xf32> to vector<1x1x1x16xf32>
        tpu.vector_store %arg7[%parallel_loop3A_606, %parallel_loop3A_607, %parallel_loop3A_608, %parallel_loop3A_609], %parallel_loop3A_612 {strides = array<i32>} : memref<2x2x4x2048xf32, #tpu.memory_space<vmem>>, vector<1x1x1x16xf32>,
        %parallel_loop3A_613 = arith.constant 2 : i32
        %parallel_loop3A_614 = arith.constant 1 : i32
        %parallel_loop3A_615 = arith.constant 3 : i32
        %parallel_loop3A_616 = arith.index_cast %parallel_loop3A_613 : i32 to index
        %parallel_loop3A_617 = arith.index_cast %parallel_loop3A_614 : i32 to index
        %parallel_loop3A_618 = arith.index_cast %parallel_loop3A_615 : i32 to index
        %parallel_loop3A_619 = arith.index_cast %parallel_loop3A_458 : i32 to index
        %parallel_loop3A_620 = tpu.vector_load %arg5[%parallel_loop3A_616, %parallel_loop3A_617, %parallel_loop3A_618, %parallel_loop3A_619] {strides = array<i32>} : memref<4x2x4x2048xf32, #tpu.memory_space<vmem>>, vector<1x1x1x16xf32>,
        %parallel_loop3A_621 = vector.shape_cast %parallel_loop3A_620 : vector<1x1x1x16xf32> to vector<16xf32>
        %parallel_loop3A_622 = arith.addf %parallel_loop3A_621, %parallel_loop3A_552 : vector<16xf32>
        %parallel_loop3A_623 = arith.constant 0 : i32
        %parallel_loop3A_624 = arith.constant 1 : i32
        %parallel_loop3A_625 = arith.constant 3 : i32
        %parallel_loop3A_626 = arith.index_cast %parallel_loop3A_623 : i32 to index
        %parallel_loop3A_627 = arith.index_cast %parallel_loop3A_624 : i32 to index
        %parallel_loop3A_628 = arith.index_cast %parallel_loop3A_625 : i32 to index
        %parallel_loop3A_629 = arith.index_cast %parallel_loop3A_458 : i32 to index
        %parallel_loop3A_630 = tpu.vector_load %arg7[%parallel_loop3A_626, %parallel_loop3A_627, %parallel_loop3A_628, %parallel_loop3A_629] {strides = array<i32>} : memref<2x2x4x2048xf32, #tpu.memory_space<vmem>>, vector<1x1x1x16xf32>,
        %parallel_loop3A_631 = vector.shape_cast %parallel_loop3A_630 : vector<1x1x1x16xf32> to vector<16xf32>
        %parallel_loop3A_632 = vector.shape_cast %parallel_loop3A_622 : vector<16xf32> to vector<1x1x1x16xf32>
        tpu.vector_store %arg7[%parallel_loop3A_626, %parallel_loop3A_627, %parallel_loop3A_628, %parallel_loop3A_629], %parallel_loop3A_632 {strides = array<i32>} : memref<2x2x4x2048xf32, #tpu.memory_space<vmem>>, vector<1x1x1x16xf32>,
      } {sc.loop_unroll_factor = 16 : i64, sc.parallel_access}
      %mul3A_352 = arith.constant 2 : i32
      %mul3A_353 = arith.muli %add3A_301, %mul3A_352 : i32
      %add3A_354 = arith.addi %mul3A_2, %mul3A_353 : i32
      %dma_start3A_355 = arith.constant 0 : i32
      %dma_start3A_356 = arith.constant 0 : i32
      %dma_start3A_357 = arith.constant 0 : i32
      %dma_start3A_358 = arith.constant 0 : i32
      %dma_start3A_359 = tpu.memref_slice %arg7[%dma_start3A_355, %dma_start3A_356, %dma_start3A_357, %dma_start3A_358] : memref<2x2x4x2048xf32, #tpu.memory_space<vmem>> -> memref<1x2x4x2048xf32, #tpu.memory_space<vmem>>
      %dma_start3A_360 = tpu.memref_squeeze %dma_start3A_359 : memref<1x2x4x2048xf32, #tpu.memory_space<vmem>> -> memref<2x4x2048xf32, #tpu.memory_space<vmem>>
      %dma_start3A_361 = arith.constant 0 : i32
      %dma_start3A_362 = arith.constant 0 : i32
      %dma_start3A_363 = tpu.memref_slice %arg4[%add3A_354, %dma_start3A_361, %dma_start3A_362] : memref<8192x4x2048xf32, #tpu.memory_space<hbm>> -> memref<2x4x2048xf32, #tpu.memory_space<hbm>>
      %dma_start3A_364 = arith.constant 0 : i32
      %dma_start3A_365 = arith.constant 0 : i32
      %dma_start3A_366 = tpu.memref_slice %arg4[%add3A_354, %dma_start3A_364, %dma_start3A_365] : memref<8192x4x2048xf32, #tpu.memory_space<hbm>> -> memref<2x4x2048xf32, #tpu.memory_space<hbm>>
      %dma_start3A_367 = arith.constant 0 : i32
      %dma_start3A_368 = arith.constant 0 : i32
      %dma_start3A_369 = arith.constant 0 : i32
      %dma_start3A_370 = tpu.memref_slice %arg7[%dma_start3A_355, %dma_start3A_367, %dma_start3A_368, %dma_start3A_369] : memref<2x2x4x2048xf32, #tpu.memory_space<vmem>> -> memref<1x2x4x2048xf32, #tpu.memory_space<vmem>>
      %dma_start3A_371 = tpu.memref_squeeze %dma_start3A_370 : memref<1x2x4x2048xf32, #tpu.memory_space<vmem>> -> memref<2x4x2048xf32, #tpu.memory_space<vmem>>
      tpu.enqueue_dma source(%dma_start3A_371 : memref<2x4x2048xf32, #tpu.memory_space<vmem>>) target(%dma_start3A_366 : memref<2x4x2048xf32, #tpu.memory_space<hbm>>) target_semaphore(%arg12 : memref<!tpu.dma_semaphore, #tpu.memory_space<semaphore_mem>>)
      %lt3A_372 = arith.constant 31 : i32
      %lt3A_373 = arith.cmpi slt, %scan3A_168, %lt3A_372 : i32
      %convert_element_type3A_374 = arith.extui %lt3A_373 : i1 to i32
      %cond3A_375 = arith.constant 0 : i32
      %cond3A_376 = arith.cmpi ne, %convert_element_type3A_374, %cond3A_375 : i32
      scf.if %cond3A_376 {
        %add3A_456 = arith.constant 4 : i32
        %add3A_457 = arith.addi %add3A_301, %add3A_456 : i32
        %mul3A_458 = arith.constant 2 : i32
        %mul3A_459 = arith.muli %add3A_457, %mul3A_458 : i32
        %add3A_460 = arith.addi %mul3A_2, %mul3A_459 : i32
        %dma_start3A_461 = arith.constant 2 : i32
        %dma_start3A_462 = arith.constant 0 : i32
        %dma_start3A_463 = arith.constant 0 : i32
        %dma_start3A_464 = arith.constant 0 : i32
        %dma_start3A_465 = tpu.memref_slice %arg5[%dma_start3A_461, %dma_start3A_462, %dma_start3A_463, %dma_start3A_464] : memref<4x2x4x2048xf32, #tpu.memory_space<vmem>> -> memref<1x2x4x2048xf32, #tpu.memory_space<vmem>>
        %dma_start3A_466 = tpu.memref_squeeze %dma_start3A_465 : memref<1x2x4x2048xf32, #tpu.memory_space<vmem>> -> memref<2x4x2048xf32, #tpu.memory_space<vmem>>
        %dma_start3A_467 = arith.constant 0 : i32
        %dma_start3A_468 = arith.constant 0 : i32
        %dma_start3A_469 = tpu.memref_slice %arg2[%add3A_460, %dma_start3A_467, %dma_start3A_468] : memref<8192x4x2048xf32, #tpu.memory_space<hbm>> -> memref<2x4x2048xf32, #tpu.memory_space<hbm>>
        %dma_start3A_470 = arith.constant 0 : i32
        %dma_start3A_471 = arith.constant 0 : i32
        %dma_start3A_472 = arith.constant 0 : i32
        %dma_start3A_473 = tpu.memref_slice %arg5[%dma_start3A_461, %dma_start3A_470, %dma_start3A_471, %dma_start3A_472] : memref<4x2x4x2048xf32, #tpu.memory_space<vmem>> -> memref<1x2x4x2048xf32, #tpu.memory_space<vmem>>
        %dma_start3A_474 = tpu.memref_squeeze %dma_start3A_473 : memref<1x2x4x2048xf32, #tpu.memory_space<vmem>> -> memref<2x4x2048xf32, #tpu.memory_space<vmem>>
        %dma_start3A_475 = arith.constant 0 : i32
        %dma_start3A_476 = arith.constant 0 : i32
        %dma_start3A_477 = tpu.memref_slice %arg2[%add3A_460, %dma_start3A_475, %dma_start3A_476] : memref<8192x4x2048xf32, #tpu.memory_space<hbm>> -> memref<2x4x2048xf32, #tpu.memory_space<hbm>>
        tpu.enqueue_dma source(%dma_start3A_477 : memref<2x4x2048xf32, #tpu.memory_space<hbm>>) target(%dma_start3A_474 : memref<2x4x2048xf32, #tpu.memory_space<vmem>>) target_semaphore(%arg10 : memref<!tpu.dma_semaphore, #tpu.memory_space<semaphore_mem>>)
        %dma_start3A_478 = arith.constant 2 : i32
        %dma_start3A_479 = arith.constant 0 : i32
        %dma_start3A_480 = arith.constant 0 : i32
        %dma_start3A_481 = tpu.memref_slice %arg6[%dma_start3A_478, %dma_start3A_479, %dma_start3A_480] : memref<4x2x2048xf32, #tpu.memory_space<vmem>> -> memref<1x2x2048xf32, #tpu.memory_space<vmem>>
        %dma_start3A_482 = tpu.memref_squeeze %dma_start3A_481 : memref<1x2x2048xf32, #tpu.memory_space<vmem>> -> memref<2x2048xf32, #tpu.memory_space<vmem>>
        %dma_start3A_483 = arith.constant 0 : i32
        %dma_start3A_484 = tpu.memref_slice %arg3[%add3A_460, %dma_start3A_483] : memref<8192x2048xf32, #tpu.memory_space<hbm>> -> memref<2x2048xf32, #tpu.memory_space<hbm>>
        %dma_start3A_485 = arith.constant 0 : i32
        %dma_start3A_486 = arith.constant 0 : i32
        %dma_start3A_487 = tpu.memref_slice %arg6[%dma_start3A_478, %dma_start3A_485, %dma_start3A_486] : memref<4x2x2048xf32, #tpu.memory_space<vmem>> -> memref<1x2x2048xf32, #tpu.memory_space<vmem>>
        %dma_start3A_488 = tpu.memref_squeeze %dma_start3A_487 : memref<1x2x2048xf32, #tpu.memory_space<vmem>> -> memref<2x2048xf32, #tpu.memory_space<vmem>>
        %dma_start3A_489 = arith.constant 0 : i32
        %dma_start3A_490 = tpu.memref_slice %arg3[%add3A_460, %dma_start3A_489] : memref<8192x2048xf32, #tpu.memory_space<hbm>> -> memref<2x2048xf32, #tpu.memory_space<hbm>>
        tpu.enqueue_dma source(%dma_start3A_490 : memref<2x2048xf32, #tpu.memory_space<hbm>>) target(%dma_start3A_488 : memref<2x2048xf32, #tpu.memory_space<vmem>>) target_semaphore(%arg10 : memref<!tpu.dma_semaphore, #tpu.memory_space<semaphore_mem>>)
      } else {
      }
      %mul3A_377 = arith.constant 4 : i32
      %mul3A_378 = arith.muli %scan3A_168, %mul3A_377 : i32
      %add3A_379 = arith.constant 3 : i32
      %add3A_380 = arith.addi %mul3A_378, %add3A_379 : i32
      %dma_wait3A_381 = arith.constant 1 : i32
      %dma_wait3A_382 = arith.constant 0 : i32
      %dma_wait3A_383 = arith.constant 0 : i32
      %dma_wait3A_384 = arith.constant 0 : i32
      %dma_wait3A_385 = tpu.memref_slice %arg7[%dma_wait3A_381, %dma_wait3A_382, %dma_wait3A_383, %dma_wait3A_384] : memref<2x2x4x2048xf32, #tpu.memory_space<vmem>> -> memref<1x2x4x2048xf32, #tpu.memory_space<vmem>>
      %dma_wait3A_386 = tpu.memref_squeeze %dma_wait3A_385 : memref<1x2x4x2048xf32, #tpu.memory_space<vmem>> -> memref<2x4x2048xf32, #tpu.memory_space<vmem>>
      %dma_wait3A_387 = arith.constant 0 : i32
      %dma_wait3A_388 = arith.constant 0 : i32
      %dma_wait3A_389 = tpu.memref_slice %arg4[%mul3A_2, %dma_wait3A_387, %dma_wait3A_388] : memref<8192x4x2048xf32, #tpu.memory_space<hbm>> -> memref<2x4x2048xf32, #tpu.memory_space<hbm>>
      %dma_wait3A_390 = arith.constant 0 : i32
      %dma_wait3A_391 = arith.constant 0 : i32
      %dma_wait3A_392 = tpu.memref_slice %arg4[%mul3A_2, %dma_wait3A_390, %dma_wait3A_391] : memref<8192x4x2048xf32, #tpu.memory_space<hbm>> -> memref<2x4x2048xf32, #tpu.memory_space<hbm>>
      %dma_wait3A_393 = arith.constant 0 : i32
      %dma_wait3A_394 = arith.constant 0 : i32
      %dma_wait3A_395 = arith.constant 0 : i32
      %dma_wait3A_396 = tpu.memref_slice %arg7[%dma_wait3A_381, %dma_wait3A_393, %dma_wait3A_394, %dma_wait3A_395] : memref<2x2x4x2048xf32, #tpu.memory_space<vmem>> -> memref<1x2x4x2048xf32, #tpu.memory_space<vmem>>
      %dma_wait3A_397 = tpu.memref_squeeze %dma_wait3A_396 : memref<1x2x4x2048xf32, #tpu.memory_space<vmem>> -> memref<2x4x2048xf32, #tpu.memory_space<vmem>>
      tpu.wait_dma2 semaphore(%arg13 : memref<!tpu.dma_semaphore, #tpu.memory_space<semaphore_mem>>) src(%dma_wait3A_397 : memref<2x4x2048xf32, #tpu.memory_space<vmem>>) dst(%dma_wait3A_392 : memref<2x4x2048xf32, #tpu.memory_space<hbm>>)
      %dma_wait3A_398 = arith.constant 3 : i32
      %dma_wait3A_399 = arith.constant 0 : i32
      %dma_wait3A_400 = arith.constant 0 : i32
      %dma_wait3A_401 = arith.constant 0 : i32
      %dma_wait3A_402 = tpu.memref_slice %arg5[%dma_wait3A_398, %dma_wait3A_399, %dma_wait3A_400, %dma_wait3A_401] : memref<4x2x4x2048xf32, #tpu.memory_space<vmem>> -> memref<1x2x4x2048xf32, #tpu.memory_space<vmem>>
      %dma_wait3A_403 = tpu.memref_squeeze %dma_wait3A_402 : memref<1x2x4x2048xf32, #tpu.memory_space<vmem>> -> memref<2x4x2048xf32, #tpu.memory_space<vmem>>
      %dma_wait3A_404 = arith.constant 0 : i32
      %dma_wait3A_405 = arith.constant 0 : i32
      %dma_wait3A_406 = tpu.memref_slice %arg2[%mul3A_2, %dma_wait3A_404, %dma_wait3A_405] : memref<8192x4x2048xf32, #tpu.memory_space<hbm>> -> memref<2x4x2048xf32, #tpu.memory_space<hbm>>
      %dma_wait3A_407 = arith.constant 0 : i32
      %dma_wait3A_408 = arith.constant 0 : i32
      %dma_wait3A_409 = arith.constant 0 : i32
      %dma_wait3A_410 = tpu.memref_slice %arg5[%dma_wait3A_398, %dma_wait3A_407, %dma_wait3A_408, %dma_wait3A_409] : memref<4x2x4x2048xf32, #tpu.memory_space<vmem>> -> memref<1x2x4x2048xf32, #tpu.memory_space<vmem>>
      %dma_wait3A_411 = tpu.memref_squeeze %dma_wait3A_410 : memref<1x2x4x2048xf32, #tpu.memory_space<vmem>> -> memref<2x4x2048xf32, #tpu.memory_space<vmem>>
      %dma_wait3A_412 = arith.constant 0 : i32
      %dma_wait3A_413 = arith.constant 0 : i32
      %dma_wait3A_414 = tpu.memref_slice %arg2[%mul3A_2, %dma_wait3A_412, %dma_wait3A_413] : memref<8192x4x2048xf32, #tpu.memory_space<hbm>> -> memref<2x4x2048xf32, #tpu.memory_space<hbm>>
      tpu.wait_dma2 semaphore(%arg11 : memref<!tpu.dma_semaphore, #tpu.memory_space<semaphore_mem>>) src(%dma_wait3A_414 : memref<2x4x2048xf32, #tpu.memory_space<hbm>>) dst(%dma_wait3A_411 : memref<2x4x2048xf32, #tpu.memory_space<vmem>>)
      %dma_wait3A_415 = arith.constant 3 : i32
      %dma_wait3A_416 = arith.constant 0 : i32
      %dma_wait3A_417 = arith.constant 0 : i32
      %dma_wait3A_418 = tpu.memref_slice %arg6[%dma_wait3A_415, %dma_wait3A_416, %dma_wait3A_417] : memref<4x2x2048xf32, #tpu.memory_space<vmem>> -> memref<1x2x2048xf32, #tpu.memory_space<vmem>>
      %dma_wait3A_419 = tpu.memref_squeeze %dma_wait3A_418 : memref<1x2x2048xf32, #tpu.memory_space<vmem>> -> memref<2x2048xf32, #tpu.memory_space<vmem>>
      %dma_wait3A_420 = arith.constant 0 : i32
      %dma_wait3A_421 = tpu.memref_slice %arg3[%mul3A_2, %dma_wait3A_420] : memref<8192x2048xf32, #tpu.memory_space<hbm>> -> memref<2x2048xf32, #tpu.memory_space<hbm>>
      %dma_wait3A_422 = arith.constant 0 : i32
      %dma_wait3A_423 = arith.constant 0 : i32
      %dma_wait3A_424 = tpu.memref_slice %arg6[%dma_wait3A_415, %dma_wait3A_422, %dma_wait3A_423] : memref<4x2x2048xf32, #tpu.memory_space<vmem>> -> memref<1x2x2048xf32, #tpu.memory_space<vmem>>
      %dma_wait3A_425 = tpu.memref_squeeze %dma_wait3A_424 : memref<1x2x2048xf32, #tpu.memory_space<vmem>> -> memref<2x2048xf32, #tpu.memory_space<vmem>>
      %dma_wait3A_426 = arith.constant 0 : i32
      %dma_wait3A_427 = tpu.memref_slice %arg3[%mul3A_2, %dma_wait3A_426] : memref<8192x2048xf32, #tpu.memory_space<hbm>> -> memref<2x2048xf32, #tpu.memory_space<hbm>>
      tpu.wait_dma2 semaphore(%arg11 : memref<!tpu.dma_semaphore, #tpu.memory_space<semaphore_mem>>) src(%dma_wait3A_427 : memref<2x2048xf32, #tpu.memory_space<hbm>>) dst(%dma_wait3A_425 : memref<2x2048xf32, #tpu.memory_space<vmem>>)
      %parallel_loop3A_428 = arith.constant 0 : i32
      %parallel_loop3A_429 = arith.constant 128 : i32
      %parallel_loop3A_430 = arith.constant 1 : i32
      scf.for %parallel_loop3A_456 = %parallel_loop3A_428 to %parallel_loop3A_429 step %parallel_loop3A_430  : i32 {
        %parallel_loop3A_457 = arith.constant 16 : i32
        %parallel_loop3A_458 = arith.muli %parallel_loop3A_456, %parallel_loop3A_457 : i32
        %parallel_loop3A_459 = arith.constant 3 : i32
        %parallel_loop3A_460 = arith.constant 0 : i32
        %parallel_loop3A_461 = arith.index_cast %parallel_loop3A_459 : i32 to index
        %parallel_loop3A_462 = arith.index_cast %parallel_loop3A_460 : i32 to index
        %parallel_loop3A_463 = arith.index_cast %parallel_loop3A_458 : i32 to index
        %parallel_loop3A_464 = tpu.vector_load %arg6[%parallel_loop3A_461, %parallel_loop3A_462, %parallel_loop3A_463] {strides = array<i32>} : memref<4x2x2048xf32, #tpu.memory_space<vmem>>, vector<1x1x16xf32>,
        %parallel_loop3A_465 = vector.shape_cast %parallel_loop3A_464 : vector<1x1x16xf32> to vector<16xf32>
        %parallel_loop3A_466 = arith.constant 3 : i32
        %parallel_loop3A_467 = arith.constant 0 : i32
        %parallel_loop3A_468 = arith.constant 0 : i32
        %parallel_loop3A_469 = arith.index_cast %parallel_loop3A_466 : i32 to index
        %parallel_loop3A_470 = arith.index_cast %parallel_loop3A_467 : i32 to index
        %parallel_loop3A_471 = arith.index_cast %parallel_loop3A_468 : i32 to index
        %parallel_loop3A_472 = arith.index_cast %parallel_loop3A_458 : i32 to index
        %parallel_loop3A_473 = tpu.vector_load %arg5[%parallel_loop3A_469, %parallel_loop3A_470, %parallel_loop3A_471, %parallel_loop3A_472] {strides = array<i32>} : memref<4x2x4x2048xf32, #tpu.memory_space<vmem>>, vector<1x1x1x16xf32>,
        %parallel_loop3A_474 = vector.shape_cast %parallel_loop3A_473 : vector<1x1x1x16xf32> to vector<16xf32>
        %parallel_loop3A_475 = arith.addf %parallel_loop3A_474, %parallel_loop3A_465 : vector<16xf32>
        %parallel_loop3A_476 = arith.constant 1 : i32
        %parallel_loop3A_477 = arith.constant 0 : i32
        %parallel_loop3A_478 = arith.constant 0 : i32
        %parallel_loop3A_479 = arith.index_cast %parallel_loop3A_476 : i32 to index
        %parallel_loop3A_480 = arith.index_cast %parallel_loop3A_477 : i32 to index
        %parallel_loop3A_481 = arith.index_cast %parallel_loop3A_478 : i32 to index
        %parallel_loop3A_482 = arith.index_cast %parallel_loop3A_458 : i32 to index
        %parallel_loop3A_483 = tpu.vector_load %arg7[%parallel_loop3A_479, %parallel_loop3A_480, %parallel_loop3A_481, %parallel_loop3A_482] {strides = array<i32>} : memref<2x2x4x2048xf32, #tpu.memory_space<vmem>>, vector<1x1x1x16xf32>,
        %parallel_loop3A_484 = vector.shape_cast %parallel_loop3A_483 : vector<1x1x1x16xf32> to vector<16xf32>
        %parallel_loop3A_485 = vector.shape_cast %parallel_loop3A_475 : vector<16xf32> to vector<1x1x1x16xf32>
        tpu.vector_store %arg7[%parallel_loop3A_479, %parallel_loop3A_480, %parallel_loop3A_481, %parallel_loop3A_482], %parallel_loop3A_485 {strides = array<i32>} : memref<2x2x4x2048xf32, #tpu.memory_space<vmem>>, vector<1x1x1x16xf32>,
        %parallel_loop3A_486 = arith.constant 3 : i32
        %parallel_loop3A_487 = arith.constant 0 : i32
        %parallel_loop3A_488 = arith.constant 1 : i32
        %parallel_loop3A_489 = arith.index_cast %parallel_loop3A_486 : i32 to index
        %parallel_loop3A_490 = arith.index_cast %parallel_loop3A_487 : i32 to index
        %parallel_loop3A_491 = arith.index_cast %parallel_loop3A_488 : i32 to index
        %parallel_loop3A_492 = arith.index_cast %parallel_loop3A_458 : i32 to index
        %parallel_loop3A_493 = tpu.vector_load %arg5[%parallel_loop3A_489, %parallel_loop3A_490, %parallel_loop3A_491, %parallel_loop3A_492] {strides = array<i32>} : memref<4x2x4x2048xf32, #tpu.memory_space<vmem>>, vector<1x1x1x16xf32>,
        %parallel_loop3A_494 = vector.shape_cast %parallel_loop3A_493 : vector<1x1x1x16xf32> to vector<16xf32>
        %parallel_loop3A_495 = arith.addf %parallel_loop3A_494, %parallel_loop3A_465 : vector<16xf32>
        %parallel_loop3A_496 = arith.constant 1 : i32
        %parallel_loop3A_497 = arith.constant 0 : i32
        %parallel_loop3A_498 = arith.constant 1 : i32
        %parallel_loop3A_499 = arith.index_cast %parallel_loop3A_496 : i32 to index
        %parallel_loop3A_500 = arith.index_cast %parallel_loop3A_497 : i32 to index
        %parallel_loop3A_501 = arith.index_cast %parallel_loop3A_498 : i32 to index
        %parallel_loop3A_502 = arith.index_cast %parallel_loop3A_458 : i32 to index
        %parallel_loop3A_503 = tpu.vector_load %arg7[%parallel_loop3A_499, %parallel_loop3A_500, %parallel_loop3A_501, %parallel_loop3A_502] {strides = array<i32>} : memref<2x2x4x2048xf32, #tpu.memory_space<vmem>>, vector<1x1x1x16xf32>,
        %parallel_loop3A_504 = vector.shape_cast %parallel_loop3A_503 : vector<1x1x1x16xf32> to vector<16xf32>
        %parallel_loop3A_505 = vector.shape_cast %parallel_loop3A_495 : vector<16xf32> to vector<1x1x1x16xf32>
        tpu.vector_store %arg7[%parallel_loop3A_499, %parallel_loop3A_500, %parallel_loop3A_501, %parallel_loop3A_502], %parallel_loop3A_505 {strides = array<i32>} : memref<2x2x4x2048xf32, #tpu.memory_space<vmem>>, vector<1x1x1x16xf32>,
        %parallel_loop3A_506 = arith.constant 3 : i32
        %parallel_loop3A_507 = arith.constant 0 : i32
        %parallel_loop3A_508 = arith.constant 2 : i32
        %parallel_loop3A_509 = arith.index_cast %parallel_loop3A_506 : i32 to index
        %parallel_loop3A_510 = arith.index_cast %parallel_loop3A_507 : i32 to index
        %parallel_loop3A_511 = arith.index_cast %parallel_loop3A_508 : i32 to index
        %parallel_loop3A_512 = arith.index_cast %parallel_loop3A_458 : i32 to index
        %parallel_loop3A_513 = tpu.vector_load %arg5[%parallel_loop3A_509, %parallel_loop3A_510, %parallel_loop3A_511, %parallel_loop3A_512] {strides = array<i32>} : memref<4x2x4x2048xf32, #tpu.memory_space<vmem>>, vector<1x1x1x16xf32>,
        %parallel_loop3A_514 = vector.shape_cast %parallel_loop3A_513 : vector<1x1x1x16xf32> to vector<16xf32>
        %parallel_loop3A_515 = arith.addf %parallel_loop3A_514, %parallel_loop3A_465 : vector<16xf32>
        %parallel_loop3A_516 = arith.constant 1 : i32
        %parallel_loop3A_517 = arith.constant 0 : i32
        %parallel_loop3A_518 = arith.constant 2 : i32
        %parallel_loop3A_519 = arith.index_cast %parallel_loop3A_516 : i32 to index
        %parallel_loop3A_520 = arith.index_cast %parallel_loop3A_517 : i32 to index
        %parallel_loop3A_521 = arith.index_cast %parallel_loop3A_518 : i32 to index
        %parallel_loop3A_522 = arith.index_cast %parallel_loop3A_458 : i32 to index
        %parallel_loop3A_523 = tpu.vector_load %arg7[%parallel_loop3A_519, %parallel_loop3A_520, %parallel_loop3A_521, %parallel_loop3A_522] {strides = array<i32>} : memref<2x2x4x2048xf32, #tpu.memory_space<vmem>>, vector<1x1x1x16xf32>,
        %parallel_loop3A_524 = vector.shape_cast %parallel_loop3A_523 : vector<1x1x1x16xf32> to vector<16xf32>
        %parallel_loop3A_525 = vector.shape_cast %parallel_loop3A_515 : vector<16xf32> to vector<1x1x1x16xf32>
        tpu.vector_store %arg7[%parallel_loop3A_519, %parallel_loop3A_520, %parallel_loop3A_521, %parallel_loop3A_522], %parallel_loop3A_525 {strides = array<i32>} : memref<2x2x4x2048xf32, #tpu.memory_space<vmem>>, vector<1x1x1x16xf32>,
        %parallel_loop3A_526 = arith.constant 3 : i32
        %parallel_loop3A_527 = arith.constant 0 : i32
        %parallel_loop3A_528 = arith.constant 3 : i32
        %parallel_loop3A_529 = arith.index_cast %parallel_loop3A_526 : i32 to index
        %parallel_loop3A_530 = arith.index_cast %parallel_loop3A_527 : i32 to index
        %parallel_loop3A_531 = arith.index_cast %parallel_loop3A_528 : i32 to index
        %parallel_loop3A_532 = arith.index_cast %parallel_loop3A_458 : i32 to index
        %parallel_loop3A_533 = tpu.vector_load %arg5[%parallel_loop3A_529, %parallel_loop3A_530, %parallel_loop3A_531, %parallel_loop3A_532] {strides = array<i32>} : memref<4x2x4x2048xf32, #tpu.memory_space<vmem>>, vector<1x1x1x16xf32>,
        %parallel_loop3A_534 = vector.shape_cast %parallel_loop3A_533 : vector<1x1x1x16xf32> to vector<16xf32>
        %parallel_loop3A_535 = arith.addf %parallel_loop3A_534, %parallel_loop3A_465 : vector<16xf32>
        %parallel_loop3A_536 = arith.constant 1 : i32
        %parallel_loop3A_537 = arith.constant 0 : i32
        %parallel_loop3A_538 = arith.constant 3 : i32
        %parallel_loop3A_539 = arith.index_cast %parallel_loop3A_536 : i32 to index
        %parallel_loop3A_540 = arith.index_cast %parallel_loop3A_537 : i32 to index
        %parallel_loop3A_541 = arith.index_cast %parallel_loop3A_538 : i32 to index
        %parallel_loop3A_542 = arith.index_cast %parallel_loop3A_458 : i32 to index
        %parallel_loop3A_543 = tpu.vector_load %arg7[%parallel_loop3A_539, %parallel_loop3A_540, %parallel_loop3A_541, %parallel_loop3A_542] {strides = array<i32>} : memref<2x2x4x2048xf32, #tpu.memory_space<vmem>>, vector<1x1x1x16xf32>,
        %parallel_loop3A_544 = vector.shape_cast %parallel_loop3A_543 : vector<1x1x1x16xf32> to vector<16xf32>
        %parallel_loop3A_545 = vector.shape_cast %parallel_loop3A_535 : vector<16xf32> to vector<1x1x1x16xf32>
        tpu.vector_store %arg7[%parallel_loop3A_539, %parallel_loop3A_540, %parallel_loop3A_541, %parallel_loop3A_542], %parallel_loop3A_545 {strides = array<i32>} : memref<2x2x4x2048xf32, #tpu.memory_space<vmem>>, vector<1x1x1x16xf32>,
        %parallel_loop3A_546 = arith.constant 3 : i32
        %parallel_loop3A_547 = arith.constant 1 : i32
        %parallel_loop3A_548 = arith.index_cast %parallel_loop3A_546 : i32 to index
        %parallel_loop3A_549 = arith.index_cast %parallel_loop3A_547 : i32 to index
        %parallel_loop3A_550 = arith.index_cast %parallel_loop3A_458 : i32 to index
        %parallel_loop3A_551 = tpu.vector_load %arg6[%parallel_loop3A_548, %parallel_loop3A_549, %parallel_loop3A_550] {strides = array<i32>} : memref<4x2x2048xf32, #tpu.memory_space<vmem>>, vector<1x1x16xf32>,
        %parallel_loop3A_552 = vector.shape_cast %parallel_loop3A_551 : vector<1x1x16xf32> to vector<16xf32>
        %parallel_loop3A_553 = arith.constant 3 : i32
        %parallel_loop3A_554 = arith.constant 1 : i32
        %parallel_loop3A_555 = arith.constant 0 : i32
        %parallel_loop3A_556 = arith.index_cast %parallel_loop3A_553 : i32 to index
        %parallel_loop3A_557 = arith.index_cast %parallel_loop3A_554 : i32 to index
        %parallel_loop3A_558 = arith.index_cast %parallel_loop3A_555 : i32 to index
        %parallel_loop3A_559 = arith.index_cast %parallel_loop3A_458 : i32 to index
        %parallel_loop3A_560 = tpu.vector_load %arg5[%parallel_loop3A_556, %parallel_loop3A_557, %parallel_loop3A_558, %parallel_loop3A_559] {strides = array<i32>} : memref<4x2x4x2048xf32, #tpu.memory_space<vmem>>, vector<1x1x1x16xf32>,
        %parallel_loop3A_561 = vector.shape_cast %parallel_loop3A_560 : vector<1x1x1x16xf32> to vector<16xf32>
        %parallel_loop3A_562 = arith.addf %parallel_loop3A_561, %parallel_loop3A_552 : vector<16xf32>
        %parallel_loop3A_563 = arith.constant 1 : i32
        %parallel_loop3A_564 = arith.constant 1 : i32
        %parallel_loop3A_565 = arith.constant 0 : i32
        %parallel_loop3A_566 = arith.index_cast %parallel_loop3A_563 : i32 to index
        %parallel_loop3A_567 = arith.index_cast %parallel_loop3A_564 : i32 to index
        %parallel_loop3A_568 = arith.index_cast %parallel_loop3A_565 : i32 to index
        %parallel_loop3A_569 = arith.index_cast %parallel_loop3A_458 : i32 to index
        %parallel_loop3A_570 = tpu.vector_load %arg7[%parallel_loop3A_566, %parallel_loop3A_567, %parallel_loop3A_568, %parallel_loop3A_569] {strides = array<i32>} : memref<2x2x4x2048xf32, #tpu.memory_space<vmem>>, vector<1x1x1x16xf32>,
        %parallel_loop3A_571 = vector.shape_cast %parallel_loop3A_570 : vector<1x1x1x16xf32> to vector<16xf32>
        %parallel_loop3A_572 = vector.shape_cast %parallel_loop3A_562 : vector<16xf32> to vector<1x1x1x16xf32>
        tpu.vector_store %arg7[%parallel_loop3A_566, %parallel_loop3A_567, %parallel_loop3A_568, %parallel_loop3A_569], %parallel_loop3A_572 {strides = array<i32>} : memref<2x2x4x2048xf32, #tpu.memory_space<vmem>>, vector<1x1x1x16xf32>,
        %parallel_loop3A_573 = arith.constant 3 : i32
        %parallel_loop3A_574 = arith.constant 1 : i32
        %parallel_loop3A_575 = arith.constant 1 : i32
        %parallel_loop3A_576 = arith.index_cast %parallel_loop3A_573 : i32 to index
        %parallel_loop3A_577 = arith.index_cast %parallel_loop3A_574 : i32 to index
        %parallel_loop3A_578 = arith.index_cast %parallel_loop3A_575 : i32 to index
        %parallel_loop3A_579 = arith.index_cast %parallel_loop3A_458 : i32 to index
        %parallel_loop3A_580 = tpu.vector_load %arg5[%parallel_loop3A_576, %parallel_loop3A_577, %parallel_loop3A_578, %parallel_loop3A_579] {strides = array<i32>} : memref<4x2x4x2048xf32, #tpu.memory_space<vmem>>, vector<1x1x1x16xf32>,
        %parallel_loop3A_581 = vector.shape_cast %parallel_loop3A_580 : vector<1x1x1x16xf32> to vector<16xf32>
        %parallel_loop3A_582 = arith.addf %parallel_loop3A_581, %parallel_loop3A_552 : vector<16xf32>
        %parallel_loop3A_583 = arith.constant 1 : i32
        %parallel_loop3A_584 = arith.constant 1 : i32
        %parallel_loop3A_585 = arith.constant 1 : i32
        %parallel_loop3A_586 = arith.index_cast %parallel_loop3A_583 : i32 to index
        %parallel_loop3A_587 = arith.index_cast %parallel_loop3A_584 : i32 to index
        %parallel_loop3A_588 = arith.index_cast %parallel_loop3A_585 : i32 to index
        %parallel_loop3A_589 = arith.index_cast %parallel_loop3A_458 : i32 to index
        %parallel_loop3A_590 = tpu.vector_load %arg7[%parallel_loop3A_586, %parallel_loop3A_587, %parallel_loop3A_588, %parallel_loop3A_589] {strides = array<i32>} : memref<2x2x4x2048xf32, #tpu.memory_space<vmem>>, vector<1x1x1x16xf32>,
        %parallel_loop3A_591 = vector.shape_cast %parallel_loop3A_590 : vector<1x1x1x16xf32> to vector<16xf32>
        %parallel_loop3A_592 = vector.shape_cast %parallel_loop3A_582 : vector<16xf32> to vector<1x1x1x16xf32>
        tpu.vector_store %arg7[%parallel_loop3A_586, %parallel_loop3A_587, %parallel_loop3A_588, %parallel_loop3A_589], %parallel_loop3A_592 {strides = array<i32>} : memref<2x2x4x2048xf32, #tpu.memory_space<vmem>>, vector<1x1x1x16xf32>,
        %parallel_loop3A_593 = arith.constant 3 : i32
        %parallel_loop3A_594 = arith.constant 1 : i32
        %parallel_loop3A_595 = arith.constant 2 : i32
        %parallel_loop3A_596 = arith.index_cast %parallel_loop3A_593 : i32 to index
        %parallel_loop3A_597 = arith.index_cast %parallel_loop3A_594 : i32 to index
        %parallel_loop3A_598 = arith.index_cast %parallel_loop3A_595 : i32 to index
        %parallel_loop3A_599 = arith.index_cast %parallel_loop3A_458 : i32 to index
        %parallel_loop3A_600 = tpu.vector_load %arg5[%parallel_loop3A_596, %parallel_loop3A_597, %parallel_loop3A_598, %parallel_loop3A_599] {strides = array<i32>} : memref<4x2x4x2048xf32, #tpu.memory_space<vmem>>, vector<1x1x1x16xf32>,
        %parallel_loop3A_601 = vector.shape_cast %parallel_loop3A_600 : vector<1x1x1x16xf32> to vector<16xf32>
        %parallel_loop3A_602 = arith.addf %parallel_loop3A_601, %parallel_loop3A_552 : vector<16xf32>
        %parallel_loop3A_603 = arith.constant 1 : i32
        %parallel_loop3A_604 = arith.constant 1 : i32
        %parallel_loop3A_605 = arith.constant 2 : i32
        %parallel_loop3A_606 = arith.index_cast %parallel_loop3A_603 : i32 to index
        %parallel_loop3A_607 = arith.index_cast %parallel_loop3A_604 : i32 to index
        %parallel_loop3A_608 = arith.index_cast %parallel_loop3A_605 : i32 to index
        %parallel_loop3A_609 = arith.index_cast %parallel_loop3A_458 : i32 to index
        %parallel_loop3A_610 = tpu.vector_load %arg7[%parallel_loop3A_606, %parallel_loop3A_607, %parallel_loop3A_608, %parallel_loop3A_609] {strides = array<i32>} : memref<2x2x4x2048xf32, #tpu.memory_space<vmem>>, vector<1x1x1x16xf32>,
        %parallel_loop3A_611 = vector.shape_cast %parallel_loop3A_610 : vector<1x1x1x16xf32> to vector<16xf32>
        %parallel_loop3A_612 = vector.shape_cast %parallel_loop3A_602 : vector<16xf32> to vector<1x1x1x16xf32>
        tpu.vector_store %arg7[%parallel_loop3A_606, %parallel_loop3A_607, %parallel_loop3A_608, %parallel_loop3A_609], %parallel_loop3A_612 {strides = array<i32>} : memref<2x2x4x2048xf32, #tpu.memory_space<vmem>>, vector<1x1x1x16xf32>,
        %parallel_loop3A_613 = arith.constant 3 : i32
        %parallel_loop3A_614 = arith.constant 1 : i32
        %parallel_loop3A_615 = arith.constant 3 : i32
        %parallel_loop3A_616 = arith.index_cast %parallel_loop3A_613 : i32 to index
        %parallel_loop3A_617 = arith.index_cast %parallel_loop3A_614 : i32 to index
        %parallel_loop3A_618 = arith.index_cast %parallel_loop3A_615 : i32 to index
        %parallel_loop3A_619 = arith.index_cast %parallel_loop3A_458 : i32 to index
        %parallel_loop3A_620 = tpu.vector_load %arg5[%parallel_loop3A_616, %parallel_loop3A_617, %parallel_loop3A_618, %parallel_loop3A_619] {strides = array<i32>} : memref<4x2x4x2048xf32, #tpu.memory_space<vmem>>, vector<1x1x1x16xf32>,
        %parallel_loop3A_621 = vector.shape_cast %parallel_loop3A_620 : vector<1x1x1x16xf32> to vector<16xf32>
        %parallel_loop3A_622 = arith.addf %parallel_loop3A_621, %parallel_loop3A_552 : vector<16xf32>
        %parallel_loop3A_623 = arith.constant 1 : i32
        %parallel_loop3A_624 = arith.constant 1 : i32
        %parallel_loop3A_625 = arith.constant 3 : i32
        %parallel_loop3A_626 = arith.index_cast %parallel_loop3A_623 : i32 to index
        %parallel_loop3A_627 = arith.index_cast %parallel_loop3A_624 : i32 to index
        %parallel_loop3A_628 = arith.index_cast %parallel_loop3A_625 : i32 to index
        %parallel_loop3A_629 = arith.index_cast %parallel_loop3A_458 : i32 to index
        %parallel_loop3A_630 = tpu.vector_load %arg7[%parallel_loop3A_626, %parallel_loop3A_627, %parallel_loop3A_628, %parallel_loop3A_629] {strides = array<i32>} : memref<2x2x4x2048xf32, #tpu.memory_space<vmem>>, vector<1x1x1x16xf32>,
        %parallel_loop3A_631 = vector.shape_cast %parallel_loop3A_630 : vector<1x1x1x16xf32> to vector<16xf32>
        %parallel_loop3A_632 = vector.shape_cast %parallel_loop3A_622 : vector<16xf32> to vector<1x1x1x16xf32>
        tpu.vector_store %arg7[%parallel_loop3A_626, %parallel_loop3A_627, %parallel_loop3A_628, %parallel_loop3A_629], %parallel_loop3A_632 {strides = array<i32>} : memref<2x2x4x2048xf32, #tpu.memory_space<vmem>>, vector<1x1x1x16xf32>,
      } {sc.loop_unroll_factor = 16 : i64, sc.parallel_access}
      %mul3A_431 = arith.constant 2 : i32
      %mul3A_432 = arith.muli %add3A_380, %mul3A_431 : i32
      %add3A_433 = arith.addi %mul3A_2, %mul3A_432 : i32
      %dma_start3A_434 = arith.constant 1 : i32
      %dma_start3A_435 = arith.constant 0 : i32
      %dma_start3A_436 = arith.constant 0 : i32
      %dma_start3A_437 = arith.constant 0 : i32
      %dma_start3A_438 = tpu.memref_slice %arg7[%dma_start3A_434, %dma_start3A_435, %dma_start3A_436, %dma_start3A_437] : memref<2x2x4x2048xf32, #tpu.memory_space<vmem>> -> memref<1x2x4x2048xf32, #tpu.memory_space<vmem>>
      %dma_start3A_439 = tpu.memref_squeeze %dma_start3A_438 : memref<1x2x4x2048xf32, #tpu.memory_space<vmem>> -> memref<2x4x2048xf32, #tpu.memory_space<vmem>>
      %dma_start3A_440 = arith.constant 0 : i32
      %dma_start3A_441 = arith.constant 0 : i32
      %dma_start3A_442 = tpu.memref_slice %arg4[%add3A_433, %dma_start3A_440, %dma_start3A_441] : memref<8192x4x2048xf32, #tpu.memory_space<hbm>> -> memref<2x4x2048xf32, #tpu.memory_space<hbm>>
      %dma_start3A_443 = arith.constant 0 : i32
      %dma_start3A_444 = arith.constant 0 : i32
      %dma_start3A_445 = tpu.memref_slice %arg4[%add3A_433, %dma_start3A_443, %dma_start3A_444] : memref<8192x4x2048xf32, #tpu.memory_space<hbm>> -> memref<2x4x2048xf32, #tpu.memory_space<hbm>>
      %dma_start3A_446 = arith.constant 0 : i32
      %dma_start3A_447 = arith.constant 0 : i32
      %dma_start3A_448 = arith.constant 0 : i32
      %dma_start3A_449 = tpu.memref_slice %arg7[%dma_start3A_434, %dma_start3A_446, %dma_start3A_447, %dma_start3A_448] : memref<2x2x4x2048xf32, #tpu.memory_space<vmem>> -> memref<1x2x4x2048xf32, #tpu.memory_space<vmem>>
      %dma_start3A_450 = tpu.memref_squeeze %dma_start3A_449 : memref<1x2x4x2048xf32, #tpu.memory_space<vmem>> -> memref<2x4x2048xf32, #tpu.memory_space<vmem>>
      tpu.enqueue_dma source(%dma_start3A_450 : memref<2x4x2048xf32, #tpu.memory_space<vmem>>) target(%dma_start3A_445 : memref<2x4x2048xf32, #tpu.memory_space<hbm>>) target_semaphore(%arg13 : memref<!tpu.dma_semaphore, #tpu.memory_space<semaphore_mem>>)
      %lt3A_451 = arith.constant 31 : i32
      %lt3A_452 = arith.cmpi slt, %scan3A_168, %lt3A_451 : i32
      %convert_element_type3A_453 = arith.extui %lt3A_452 : i1 to i32
      %cond3A_454 = arith.constant 0 : i32
      %cond3A_455 = arith.cmpi ne, %convert_element_type3A_453, %cond3A_454 : i32
      scf.if %cond3A_455 {
        %add3A_456 = arith.constant 4 : i32
        %add3A_457 = arith.addi %add3A_380, %add3A_456 : i32
        %mul3A_458 = arith.constant 2 : i32
        %mul3A_459 = arith.muli %add3A_457, %mul3A_458 : i32
        %add3A_460 = arith.addi %mul3A_2, %mul3A_459 : i32
        %dma_start3A_461 = arith.constant 3 : i32
        %dma_start3A_462 = arith.constant 0 : i32
        %dma_start3A_463 = arith.constant 0 : i32
        %dma_start3A_464 = arith.constant 0 : i32
        %dma_start3A_465 = tpu.memref_slice %arg5[%dma_start3A_461, %dma_start3A_462, %dma_start3A_463, %dma_start3A_464] : memref<4x2x4x2048xf32, #tpu.memory_space<vmem>> -> memref<1x2x4x2048xf32, #tpu.memory_space<vmem>>
        %dma_start3A_466 = tpu.memref_squeeze %dma_start3A_465 : memref<1x2x4x2048xf32, #tpu.memory_space<vmem>> -> memref<2x4x2048xf32, #tpu.memory_space<vmem>>
        %dma_start3A_467 = arith.constant 0 : i32
        %dma_start3A_468 = arith.constant 0 : i32
        %dma_start3A_469 = tpu.memref_slice %arg2[%add3A_460, %dma_start3A_467, %dma_start3A_468] : memref<8192x4x2048xf32, #tpu.memory_space<hbm>> -> memref<2x4x2048xf32, #tpu.memory_space<hbm>>
        %dma_start3A_470 = arith.constant 0 : i32
        %dma_start3A_471 = arith.constant 0 : i32
        %dma_start3A_472 = arith.constant 0 : i32
        %dma_start3A_473 = tpu.memref_slice %arg5[%dma_start3A_461, %dma_start3A_470, %dma_start3A_471, %dma_start3A_472] : memref<4x2x4x2048xf32, #tpu.memory_space<vmem>> -> memref<1x2x4x2048xf32, #tpu.memory_space<vmem>>
        %dma_start3A_474 = tpu.memref_squeeze %dma_start3A_473 : memref<1x2x4x2048xf32, #tpu.memory_space<vmem>> -> memref<2x4x2048xf32, #tpu.memory_space<vmem>>
        %dma_start3A_475 = arith.constant 0 : i32
        %dma_start3A_476 = arith.constant 0 : i32
        %dma_start3A_477 = tpu.memref_slice %arg2[%add3A_460, %dma_start3A_475, %dma_start3A_476] : memref<8192x4x2048xf32, #tpu.memory_space<hbm>> -> memref<2x4x2048xf32, #tpu.memory_space<hbm>>
        tpu.enqueue_dma source(%dma_start3A_477 : memref<2x4x2048xf32, #tpu.memory_space<hbm>>) target(%dma_start3A_474 : memref<2x4x2048xf32, #tpu.memory_space<vmem>>) target_semaphore(%arg11 : memref<!tpu.dma_semaphore, #tpu.memory_space<semaphore_mem>>)
        %dma_start3A_478 = arith.constant 3 : i32
        %dma_start3A_479 = arith.constant 0 : i32
        %dma_start3A_480 = arith.constant 0 : i32
        %dma_start3A_481 = tpu.memref_slice %arg6[%dma_start3A_478, %dma_start3A_479, %dma_start3A_480] : memref<4x2x2048xf32, #tpu.memory_space<vmem>> -> memref<1x2x2048xf32, #tpu.memory_space<vmem>>
        %dma_start3A_482 = tpu.memref_squeeze %dma_start3A_481 : memref<1x2x2048xf32, #tpu.memory_space<vmem>> -> memref<2x2048xf32, #tpu.memory_space<vmem>>
        %dma_start3A_483 = arith.constant 0 : i32
        %dma_start3A_484 = tpu.memref_slice %arg3[%add3A_460, %dma_start3A_483] : memref<8192x2048xf32, #tpu.memory_space<hbm>> -> memref<2x2048xf32, #tpu.memory_space<hbm>>
        %dma_start3A_485 = arith.constant 0 : i32
        %dma_start3A_486 = arith.constant 0 : i32
        %dma_start3A_487 = tpu.memref_slice %arg6[%dma_start3A_478, %dma_start3A_485, %dma_start3A_486] : memref<4x2x2048xf32, #tpu.memory_space<vmem>> -> memref<1x2x2048xf32, #tpu.memory_space<vmem>>
        %dma_start3A_488 = tpu.memref_squeeze %dma_start3A_487 : memref<1x2x2048xf32, #tpu.memory_space<vmem>> -> memref<2x2048xf32, #tpu.memory_space<vmem>>
        %dma_start3A_489 = arith.constant 0 : i32
        %dma_start3A_490 = tpu.memref_slice %arg3[%add3A_460, %dma_start3A_489] : memref<8192x2048xf32, #tpu.memory_space<hbm>> -> memref<2x2048xf32, #tpu.memory_space<hbm>>
        tpu.enqueue_dma source(%dma_start3A_490 : memref<2x2048xf32, #tpu.memory_space<hbm>>) target(%dma_start3A_488 : memref<2x2048xf32, #tpu.memory_space<vmem>>) target_semaphore(%arg11 : memref<!tpu.dma_semaphore, #tpu.memory_space<semaphore_mem>>)
      } else {
      }
    }
    %scan3A_134 = arith.constant 32 : i32
    %dma_wait3A = arith.constant 0 : i32
    %dma_wait3A_135 = arith.constant 0 : i32
    %dma_wait3A_136 = arith.constant 0 : i32
    %dma_wait3A_137 = arith.constant 0 : i32
    %dma_wait3A_138 = tpu.memref_slice %arg7[%dma_wait3A, %dma_wait3A_135, %dma_wait3A_136, %dma_wait3A_137] : memref<2x2x4x2048xf32, #tpu.memory_space<vmem>> -> memref<1x2x4x2048xf32, #tpu.memory_space<vmem>>
    %dma_wait3A_139 = tpu.memref_squeeze %dma_wait3A_138 : memref<1x2x4x2048xf32, #tpu.memory_space<vmem>> -> memref<2x4x2048xf32, #tpu.memory_space<vmem>>
    %dma_wait3A_140 = arith.constant 0 : i32
    %dma_wait3A_141 = arith.constant 0 : i32
    %dma_wait3A_142 = tpu.memref_slice %arg4[%mul3A_2, %dma_wait3A_140, %dma_wait3A_141] : memref<8192x4x2048xf32, #tpu.memory_space<hbm>> -> memref<2x4x2048xf32, #tpu.memory_space<hbm>>
    %dma_wait3A_143 = arith.constant 0 : i32
    %dma_wait3A_144 = arith.constant 0 : i32
    %dma_wait3A_145 = tpu.memref_slice %arg4[%mul3A_2, %dma_wait3A_143, %dma_wait3A_144] : memref<8192x4x2048xf32, #tpu.memory_space<hbm>> -> memref<2x4x2048xf32, #tpu.memory_space<hbm>>
    %dma_wait3A_146 = arith.constant 0 : i32
    %dma_wait3A_147 = arith.constant 0 : i32
    %dma_wait3A_148 = arith.constant 0 : i32
    %dma_wait3A_149 = tpu.memref_slice %arg7[%dma_wait3A, %dma_wait3A_146, %dma_wait3A_147, %dma_wait3A_148] : memref<2x2x4x2048xf32, #tpu.memory_space<vmem>> -> memref<1x2x4x2048xf32, #tpu.memory_space<vmem>>
    %dma_wait3A_150 = tpu.memref_squeeze %dma_wait3A_149 : memref<1x2x4x2048xf32, #tpu.memory_space<vmem>> -> memref<2x4x2048xf32, #tpu.memory_space<vmem>>
    tpu.wait_dma2 semaphore(%arg12 : memref<!tpu.dma_semaphore, #tpu.memory_space<semaphore_mem>>) src(%dma_wait3A_150 : memref<2x4x2048xf32, #tpu.memory_space<vmem>>) dst(%dma_wait3A_145 : memref<2x4x2048xf32, #tpu.memory_space<hbm>>)
    %dma_wait3A_151 = arith.constant 1 : i32
    %dma_wait3A_152 = arith.constant 0 : i32
    %dma_wait3A_153 = arith.constant 0 : i32
    %dma_wait3A_154 = arith.constant 0 : i32
    %dma_wait3A_155 = tpu.memref_slice %arg7[%dma_wait3A_151, %dma_wait3A_152, %dma_wait3A_153, %dma_wait3A_154] : memref<2x2x4x2048xf32, #tpu.memory_space<vmem>> -> memref<1x2x4x2048xf32, #tpu.memory_space<vmem>>
    %dma_wait3A_156 = tpu.memref_squeeze %dma_wait3A_155 : memref<1x2x4x2048xf32, #tpu.memory_space<vmem>> -> memref<2x4x2048xf32, #tpu.memory_space<vmem>>
    %dma_wait3A_157 = arith.constant 0 : i32
    %dma_wait3A_158 = arith.constant 0 : i32
    %dma_wait3A_159 = tpu.memref_slice %arg4[%mul3A_2, %dma_wait3A_157, %dma_wait3A_158] : memref<8192x4x2048xf32, #tpu.memory_space<hbm>> -> memref<2x4x2048xf32, #tpu.memory_space<hbm>>
    %dma_wait3A_160 = arith.constant 0 : i32
    %dma_wait3A_161 = arith.constant 0 : i32
    %dma_wait3A_162 = tpu.memref_slice %arg4[%mul3A_2, %dma_wait3A_160, %dma_wait3A_161] : memref<8192x4x2048xf32, #tpu.memory_space<hbm>> -> memref<2x4x2048xf32, #tpu.memory_space<hbm>>
    %dma_wait3A_163 = arith.constant 0 : i32
    %dma_wait3A_164 = arith.constant 0 : i32
    %dma_wait3A_165 = arith.constant 0 : i32
    %dma_wait3A_166 = tpu.memref_slice %arg7[%dma_wait3A_151, %dma_wait3A_163, %dma_wait3A_164, %dma_wait3A_165] : memref<2x2x4x2048xf32, #tpu.memory_space<vmem>> -> memref<1x2x4x2048xf32, #tpu.memory_space<vmem>>
    %dma_wait3A_167 = tpu.memref_squeeze %dma_wait3A_166 : memref<1x2x4x2048xf32, #tpu.memory_space<vmem>> -> memref<2x4x2048xf32, #tpu.memory_space<vmem>>
    tpu.wait_dma2 semaphore(%arg13 : memref<!tpu.dma_semaphore, #tpu.memory_space<semaphore_mem>>) src(%dma_wait3A_167 : memref<2x4x2048xf32, #tpu.memory_space<vmem>>) dst(%dma_wait3A_162 : memref<2x4x2048xf32, #tpu.memory_space<hbm>>)
    return
  }
}

</mosaic_0001>

<sc_bundles>
// kernel: kernel.3.cloned.1.call-start
scs
__scs_entry_jumppad:
0x0: {  	(pc) =	sbr.rel $0x88, $3  }
0x1: {  	(tag) =	ssettag $0x0;
	lr =	simm.s32 $0x1  }
0x2: {  	[smem:$0x3F9F] =	sst lr;
	_ =	strace $0xD0000000  }
0x3: {  	_ = 	snop  }
0x4: {  	_ = 	snop  }
0x5: {  	_ = 	snop  }
0x6: {  	_ = 	snop  }
0x7: {  	_ = 	snop  }
__scs_overlays_trampoline_lowered:
0x8: {  	[smem:$0x3FAE] =	sst s0  }
0x9: {  	[smem:$0x3FAF] =	sst s1  }
0xa: {  	[smem:$0x3FB0] =	sst s2  }
0xb: {  	[smem:$0x3FB1] =	sst s3  }
0xc: {  	[smem:$0x3FB2] =	sst s4  }
0xd: {  	[smem:$0x3FB3] =	sst s5  }
0xe: {  	[smem:$0x3FB4] =	sst s6  }
0xf: {  	[smem:$0x3FB5] =	sst s7  }
0x10: {  	[smem:$0x3FB6] =	sst s8  }
0x11: {  	[smem:$0x3FB7] =	sst s9;
	s0 =	simm.s32 @!p0 $0x0  }
0x12: {  	s1 =	sld [smem:$0x3F9D];
	s0 =	simm.s32 @p0 $0x1  }
0x13: {  	[smem:$0x3FB8] =	sst s0;
	s0 =	simm.s32 @!p1 $0x0  }
0x14: {  	s2 =	sld [smem:$0x3F9C];
	s0 =	simm.s32 @p1 $0x1  }
0x15: {  	[smem:$0x3FB9] =	sst s0;
	s0 =	simm.s32 @!p2 $0x0  }
0x16: {  	s3 =	sld [smem:$0x3FDB];
	s0 =	simm.s32 @p2 $0x1  }
0x17: {  	s4 =	simm.s32 $0x1BF5;
	[smem:$0x3FBB] =	sst s0  }
0x18: {  	s0 =	sld [smem:$0x3F9E];
	_ =	swait.ge [sflag:s4], $0x0  }
0x19: {  	s7 =	sld [smem:$0x3F9F]  }
0x1a: {  	s8 =	sadd.s32 $0xFFFFE003, lr  }
0x1b: {  	s9 =	sadd.s32 $0xFFFFFEF7, lr;
	s5 =	simm.s32 $0xFFFFFFFF;
	p2 =	slt.u32 s8, $0xFFFFF086  }
0x1c: {  	p1 =	slt.u32 s9, $0xF7A;
	s5 =	simm.s32 @!p2 $0x0  }
0x1d: {  	s5 =	simm.s32 @p1 $0x1;
	p0 =	seq.s32 s7, s2  }
0x1e: {  	s7 =	smul.u32 @!p0 $0xF7A, s2;
	p2 =	seq.s32 @!p0 s5, $0x0  }
0x1f: {  	s9 =	smul.u32 $0xF7A, s1;
	s8 =	simm.s32 @!p0 $0x1BF5;
	p2 =	por !p2, p0  }
0x20: {  	[sflag:s8] =	ssyncset.s32 @!p0 $0xFFFFF086;
	s6 =	sadd.s32 @!p0 s3, s7;
	s7 =	simm.s32 @!p0 $0x108  }
0x21: {  	s3 =	sadd.s32 s3, s9;
	s6 =	sadd.s32 @!p0 $0x88, s6;
	s7 =	simm.s32 @p2 $0x1082  }
0x22: {  	[simem:s7], [sflag:s8] =	dma.local @!p0 [hbm:s6], $0xF7A  }
0x23: {  	s9 =	sor.u32 $0xD0000000, s2;
	s6 =	simm.s32 $0x108;
	_ =	swait.ge @!p0 [sflag:s8], $0x0  }
0x24: {  	s3 =	sadd.s32 $0x88, s3;
	s6 =	simm.s32 @!p1 $0x1082;
	[sflag:s4] =	ssyncset.s32 $0xFFFFF086  }
0x25: {  	[simem:s6], [sflag:s4] =	dma.local [hbm:s3], $0xF7A  }
0x26: {  	[smem:$0x3F9F] =	sst s1;
	(tag) =	ssettag s2;
	_ =	strace s9  }
0x27: {  	s1 =	sld [smem:$0x3FAF]  }
0x28: {  	s2 =	sld [smem:$0x3FB0]  }
0x29: {  	s4 =	sld [smem:$0x3FB2]  }
0x2a: {  	p0 =	seq.s32 s5, $0x0;
	s5 =	sld [smem:$0x3FB3]  }
0x2b: {  	s6 =	sld [smem:$0x3FB4]  }
0x2c: {  	s7 =	sld [smem:$0x3FB5]  }
0x2d: {  	s3 =	simm.s32 $0x108;
	s8 =	sld [smem:$0x3FB6]  }
0x2e: {  	s3 =	simm.s32 @!p0 $0x1082;
	s9 =	sld [smem:$0x3FB7]  }
0x2f: {  	lr =	sadd.s32 s0, s3;
	s0 =	sld [smem:$0x3FAE]  }
0x30: {  	s3 =	sld [smem:$0x3FB1]  }
0x31: {  	[smem:$0x3FBA] =	sst s10  }
0x32: {  	s10 =	sld [smem:$0x3FB8];
	_ =	sdelay $0x3  }
0x33: {  	p0 =	seq.s32 s10, $0x1;
	s10 =	sld [smem:$0x3FBA];
	_ =	sdelay $0x3  }
0x34: {  	[smem:$0x3FBA] =	sst s10  }
0x35: {  	s10 =	sld [smem:$0x3FB9];
	_ =	sdelay $0x3  }
0x36: {  	p1 =	seq.s32 s10, $0x1;
	s10 =	sld [smem:$0x3FBA];
	_ =	sdelay $0x3  }
0x37: {  	[smem:$0x3FBA] =	sst s10  }
0x38: {  	s10 =	sld [smem:$0x3FBB]  }
0x39: {  	_ = 	snop;
	(pc) =	sbr.ind lr, $3  }
0x3a: {  	_ = 	snop  }
0x3b: {  	_ = 	snop  }
0x3c: {  	p2 =	seq.s32 s10, $0x1;
	s10 =	sld [smem:$0x3FBA]  }
0x3d: {  	_ =	shalt  }
0x3e: {  	_ =	shalt  }
0x3f: {  	_ =	shalt  }
0x40: {  	_ =	shalt  }
0x41: {  	_ =	shalt  }
0x42: {  	_ =	shalt  }
0x43: {  	_ =	shalt  }
0x44: {  	_ =	shalt  }
0x45: {  	_ =	shalt  }
0x46: {  	_ =	shalt  }
0x47: {  	_ =	shalt  }
0x48: {  	_ =	shalt  }
0x49: {  	_ =	shalt  }
0x4a: {  	_ =	shalt  }
0x4b: {  	_ =	shalt  }
0x4c: {  	_ =	shalt  }
0x4d: {  	_ =	shalt  }
0x4e: {  	_ =	shalt  }
0x4f: {  	_ =	shalt  }
0x50: {  	_ =	shalt  }
0x51: {  	_ =	shalt  }
0x52: {  	_ =	shalt  }
0x53: {  	_ =	shalt  }
0x54: {  	_ =	shalt  }
0x55: {  	_ =	shalt  }
0x56: {  	_ =	shalt  }
0x57: {  	_ =	shalt  }
0x58: {  	_ =	shalt  }
0x59: {  	_ =	shalt  }
0x5a: {  	_ =	shalt  }
0x5b: {  	_ =	shalt  }
0x5c: {  	_ =	shalt  }
0x5d: {  	_ =	shalt  }
0x5e: {  	_ =	shalt  }
0x5f: {  	_ =	shalt  }
0x60: {  	_ =	shalt  }
0x61: {  	_ =	shalt  }
0x62: {  	_ =	shalt  }
0x63: {  	_ =	shalt  }
0x64: {  	_ =	shalt  }
0x65: {  	_ =	shalt  }
0x66: {  	_ =	shalt  }
0x67: {  	_ =	shalt  }
0x68: {  	_ =	shalt  }
0x69: {  	_ =	shalt  }
0x6a: {  	_ =	shalt  }
0x6b: {  	_ =	shalt  }
0x6c: {  	_ =	shalt  }
0x6d: {  	_ =	shalt  }
0x6e: {  	_ =	shalt  }
0x6f: {  	_ =	shalt  }
0x70: {  	_ =	shalt  }
0x71: {  	_ =	shalt  }
0x72: {  	_ =	shalt  }
0x73: {  	_ =	shalt  }
0x74: {  	_ =	shalt  }
0x75: {  	_ =	shalt  }
0x76: {  	_ =	shalt  }
0x77: {  	_ =	shalt  }
0x78: {  	_ =	shalt  }
0x79: {  	_ =	shalt  }
0x7a: {  	_ =	shalt  }
0x7b: {  	_ =	shalt  }
0x7c: {  	_ =	shalt  }
0x7d: {  	_ =	shalt  }
0x7e: {  	_ =	shalt  }
0x7f: {  	_ =	shalt  }
0x80: {  	_ =	shalt  }
0x81: {  	_ =	shalt  }
0x82: {  	_ =	shalt  }
0x83: {  	_ =	shalt  }
0x84: {  	_ =	shalt  }
0x85: {  	_ =	shalt  }
0x86: {  	_ =	shalt  }
0x87: {  	_ =	shalt  }
.Lfunc_end0:
.L_simem_size_0:
called_computation_lowered:
.L_overlay_start_0:
0x88: {  	s2 =	sld [smem:$0x3FD9]  }
0x89: {  	s3 =	sld [smem:$0x3FFE];
	_ =	sdelay $0x1  }
0x8a: {  	s1 =	srdreg.scid  }
0x8b: {  	s0 =	sand.u32 $0x1, s1  }
0x8c: {  	s18 =	sshll.u32 s0, $0xA;
	s2 =	sadd.s32 s3, s2  }
0x8d: {  	s2 =	sadd.s32 s2, s18  }
0x8e: {  	[smem:$0x3FC6] =	sst s2  }
0x8f: {  	_ = 	snop  }
0x90: {  	s2 =	sld [smem:$0x3FC9]  }
0x91: {  	s19 =	sld [smem:$0x3FC8]  }
0x92: {  	s4 =	sld [smem:$0x3FD0];
	(tm) =	ssettm $0x1  }
0x93: {  	s5 =	sld [smem:$0x3FFB];
	_ =	sdelay $0x3  }
0x94: {  	_ =	strace s5  }
0x95: {  	s5 =	sld [smem:$0x3FFC];
	_ =	sdelay $0x3  }
0x96: {  	_ =	strace s5  }
0x97: {  	s5 =	sld [smem:$0x3FFD];
	_ =	sdelay $0x3  }
0x98: {  	_ =	strace s5  }
0x99: {  	_ =	strace $0x8FFFFFFF  }
0x9a: {  	s20 =	sld [smem:$0x3FDB];
	_ =	sdelay $0x1  }
0x9b: {  	s6 =	simm.s32 $_scs_section_size  }
0x9c: {  	s7 =	simm.s32 $_size__tile_overlayer_lowered;
	s8 =	simm.s32 $_tile_overlayer_lowered  }
0x9d: {  	s23 =	simm.s32 $0x1BFF;
	s22 =	sshll.u32 s8, $0x1;
	s5 =	sadd.s32 s6, s20  }
0x9e: {  	s9 =	simm.s32 $0x0;
	s21 =	sshll.u32 s7, $0x1;
	s7 =	sadd.s32 s22, s5  }
0x9f: {  	[timem:s9], [sflag:s23] =	dma.local [hbm:s7], s21  }
0xa0: {  	_ =	swait.ge [sflag:s23], s21  }
0xa1: {  	s6 =	ssub.s32 $0x0, s21;
	[sflag:s23] =	ssyncset.done $0x0  }
0xa2: {  	[sflag:s23] =	ssyncadd.s32 s6;
	_ =	sdelay $0x1  }
0xa3: {  	s24 =	simm.s32 $0x1B8B  }
0xa4: {  	_ =	swait.ge [sflag:s24], $0x1  }
0xa5: {  	[sflag:s24] =	ssyncset.done $0x0  }
0xa6: {  	s25 =	simm.s32 $0x1B8E;
	[sflag:s24] =	ssyncadd.s32 $0xFFFFFFFF  }
0xa7: {  	s26 =	simm.s32 $execute0_lowered;
	[smem:$0x3FD2] =	sst s25  }
0xa8: {  	s6 =	sshll.u32 s26, $0x1;
	_ =	strace $0x80000046;
	[dreg:$0x1] =	wrdreg $0xFFFFFFFF  }
0xa9: {  	s28 =	simm.s32 $_size_execute0_lowered;
	s5 =	sadd.s32 s5, s6;
	[dreg:$0x0] =	wrdreg $0x0  }
0xaa: {  	s6 =	sshll.u32 s28, $0x1;
	[dreg:$0x2] =	wrdreg s5  }
0xab: {  	[dreg:$0x3] =	wrdreg s6  }
0xac: {  	[dreg:$0x4] =	wrdreg $0xC0  }
0xad: {  	_ =	task [dreg:s9], $0x5FFFF  }
0xae: {  	[dreg:$0x1] =	wrdreg $0xFFFFFFFF  }
0xaf: {  	[dreg:$0x0] =	wrdreg $0x60  }
0xb0: {  	[dreg:$0x2] =	wrdreg s2  }
0xb1: {  	[dreg:$0x3] =	wrdreg s19  }
0xb2: {  	[dreg:$0x4] =	wrdreg s4  }
0xb3: {  	[dreg:$0x5] =	wrdreg $0x9  }
0xb4: {  	_ =	task.clear_ibuf [dreg:s9], $0x6FFFF;
	_ =	strace $0x90000046  }
0xb5: {  	s29 =	simm.s32 $0x9;
	_ =	strace $0x80000048  }
0xb6: {  	_ =	swait.ge [sflag:s29], $0x1  }
0xb7: {  	[sflag:s29] =	ssyncadd.s32 $0xFFFFFFFF  }
0xb8: {  	_ =	strace $0x90000048  }
0xb9: {  	_ =	sfence  }
0xba: {  	s30 =	sld [smem:$0x0];
	_ =	sdelay $0x2  }
0xbb: {  	s31 =	sshll.u32 s1, $0xD;
	s1 =	sshrl.u32 s1, $0x2  }
0xbc: {  	s3 =	sand.u32 $0x4000, s31;
	s1 =	sadd.s32 s1, s30  }
0xbd: {  	s0 =	sor.u32 s3, s0;
	s1 =	sshll.u32 s1, $0x11  }
0xbe: {  	s0 =	sor.u32 s1, s0  }
0xbf: {  	s0 =	sadd.s32 $0x8F2B, s0  }
0xc0: {  	[sflag:s0] =	ssyncadd.remote.s32 $0x1  }
0xc1: {  	_ =	sfence.sel $0xFFFF  }
0xc2: {  	[dreg:$0x0] =	wrdreg $0xFFFFFFFF;
	(pc) =	sbr.abs _section_cstart, $3  }
0xc3: {  	[dreg:$0x1] =	wrdreg $0xFFFFFFFF  }
0xc4: {  	_ =	task.clear_ibuf [dreg:s9], $0x2FFFF;
	_ =	strace $0x9FFFFFFF  }
0xc5: {  	(tm) =	ssettm $0x7FFFFFFF  }
tec
execute0_lowered:
.L_overlay_start_1:
0x0: {  	(tag) =	ssettag $0x1  }
0x1: {  	s1 =	rddreg [dreg:$0x0]  }
0x2: {  	s2 =	rddreg [dreg:$0x1]  }
0x3: {  	s9 =	rddreg [dreg:$0x2];
	s0 =	srdreg.scid  }
0x4: {  	s5 =	simm.s32 $0x0;
	s4 =	stileid.u32;
	s28 =	simm.s32 $0x14000  }
0x5: {  	s29 =	simm.s32 $0x2;
	s30 =	simm.s32 $0x18000;
	s31 =	simm.s32 $0x5  }
0x6: {  	s11 =	simm.s32 $0x4;
	s0 =	sand.u32 $0x1, s0;
	s4 =	sshll.u32 s4, $0x8  }
0x7: {  	[smem:$0x7FF] =	sst s5;
	s8 =	sadd.s32 $0x20, s2;
	s13 =	sadd.s32 $0x40, s2  }
0x8: {  	s14 =	sadd.s32 $0x60, s2;
	s3 =	ssub.s32 $0x2, s0;
	s0 =	sshll.u32 s0, $0xC  }
0x9: {  	_ =	strace $0x80000047;
	s7 =	sshrl.u32 s3, $0x1;
	s6 =	sor.u32 s4, s0  }
0xa: {  	s0 =	smov.u32 s2;
	s7 =	ssub.s32 s3, s7;
	s4 =	sshll.u32 s6, $0x8  }
0xb: {  	s18 =	sshll.u32 s6, $0xA;
	s3 =	simm.s32 $0x13000;
	s19 =	sadd.s32 s2, s4  }
0xc: {  	s10 =	sadd.s32 s1, s18;
	s21 =	sadd.s32 s4, s8;
	[dreg:$0x5] =	wrdreg s19  }
0xd: {  	s23 =	sadd.s32 s4, s13;
	s25 =	sadd.s32 s4, s14;
	[dreg:$0x7] =	wrdreg s21  }
0xe: {  	s2 =	smov.u32 s9;
	s18 =	sadd.s32 s9, s18;
	[dreg:$0x9] =	wrdreg s23  }
0xf: {  	s26 =	smax.u32 s7, $0x1;
	s9 =	simm.s32 $0x3;
	[dreg:$0x4] =	wrdreg s10  }
0x10: {  	s7 =	simm.s32 $0x0;
	s20 =	sadd.s32 $0x800, s10;
	[dreg:$0xb] =	wrdreg s25  }
.Ltmp0:
0x11: {  	s22 =	sadd.s32 $0x1000, s10;
	[dreg:$0xc] =	wrdreg s26;
	(pc) =	sbr.rel .LBB2_1-.Ltmp0, $4  }
0x12: {  	s24 =	sadd.s32 $0x1800, s10;
	s19 =	sor.u32 $0x8, s6;
	[dreg:$0x6] =	wrdreg s20  }
0x13: {  	s21 =	sor.u32 $0xC, s6;
	s25 =	simm.s32 $0x400;
	[dreg:$0x8] =	wrdreg s22  }
0x14: {  	s26 =	simm.s32 $0x1;
	s10 =	simm.s32 $0x6;
	[dreg:$0xa] =	wrdreg s24  }
0x15: {  	s20 =	sor.u32 $0xA, s6;
	s22 =	sor.u32 $0xE, s6;
	s24 =	simm.s32 $0x100  }
.LBB2_12:
0x16: {  	_ =	swait.ge [sflag:s31], $0x4000  }
0x17: {  	[sflag:s31] =	ssyncset.done $0x0  }
0x18: {  	[sflag:s31] =	ssyncadd.s32 $0xFFFFC000  }
0x19: {  	_ =	swait.ge [sflag:s10], $0x4000  }
0x1a: {  	s7 =	rddreg [dreg:$0xd]  }
0x1b: {  	s4 =	rddreg [dreg:$0xc];
	s7 =	sadd.s32 $0x1, s7  }
0x1c: {  	p0 =	sne.s32 s7, s4  }
.Ltmp1:
0x1d: {  	_ = 	snop;
	(pc) =	sbr.rel @!p0 .LBB2_13-.Ltmp1, $3  }
0x1e: {  	_ =	sdelay $0x1  }
0x1f: {  	[sflag:s10] =	ssyncset.done $0x0  }
0x20: {  	[sflag:s10] =	ssyncadd.s32 $0xFFFFC000  }
.LBB2_1:
0x21: {  	[dreg:$0xd] =	wrdreg s7  }
0x22: {  	s4 =	rddreg [dreg:$0x4]  }
0x23: {  	[tilespmem:s5], [sflag:$0x1] =	stream.linear.gather [hbm4b:s4+s5], $0x4000, $0x38;
	[tilespmem:$0x1C000] =	vst v63  }
0x24: {  	s17 =	rddreg [dreg:$0x5];
	s23 =	simm.s32 $0x10000  }
0x25: {  	[tilespmem:s23], [sflag:$0x1] =	stream.strided.gather [hbm4b:s17+s24], $0x1000, s25, s24, $0x38;
	[tilespmem:$0x1C000] =	vst v63  }
0x26: {  	s7 =	rddreg [dreg:$0x6];
	s12 =	simm.s32 $0x4000  }
0x27: {  	[tilespmem:s12], [sflag:$0x2] =	stream.linear.gather [hbm4b:s7+s5], $0x4000, $0x38;
	[tilespmem:$0x1C000] =	vst v63  }
0x28: {  	s15 =	rddreg [dreg:$0x7];
	s16 =	simm.s32 $0x11000  }
0x29: {  	[tilespmem:s16], [sflag:$0x2] =	stream.strided.gather [hbm4b:s15+s24], $0x1000, s25, s24, $0x38;
	[tilespmem:$0x1C000] =	vst v63  }
0x2a: {  	s17 =	rddreg [dreg:$0x8];
	s23 =	simm.s32 $0x8000  }
0x2b: {  	[tilespmem:s23], [sflag:$0x3] =	stream.linear.gather [hbm4b:s17+s5], $0x4000, $0x38;
	[tilespmem:$0x1C000] =	vst v63  }
0x2c: {  	s12 =	rddreg [dreg:$0x9];
	s15 =	simm.s32 $0x12000  }
0x2d: {  	[tilespmem:s15], [sflag:$0x3] =	stream.strided.gather [hbm4b:s12+s24], $0x1000, s25, s24, $0x38;
	[tilespmem:$0x1C000] =	vst v63  }
0x2e: {  	s16 =	rddreg [dreg:$0xa];
	s17 =	simm.s32 $0xC000  }
0x2f: {  	[tilespmem:s17], [sflag:$0x4] =	stream.linear.gather [hbm4b:s16+s5], $0x4000, $0x38;
	[tilespmem:$0x1C000] =	vst v63  }
0x30: {  	s23 =	rddreg [dreg:$0xb];
	s15 =	simm.s32 $0x0  }
0x31: {  	[tilespmem:s3], [sflag:$0x4] =	stream.strided.gather [hbm4b:s23+s24], $0x1000, s25, s24, $0x38;
	[tilespmem:$0x1C000] =	vst v63  }
.LBB2_2:
0x32: {  	p0 =	seq.s32 s15, $0x0  }
0x33: {  	s4 =	simm.s32 @!p0 $0x5  }
0x34: {  	_ =	swait.ge @!p0 [sflag:s4], $0x4000  }
0x35: {  	[sflag:s4] =	ssyncset.done @!p0 $0x0  }
0x36: {  	[sflag:s4] =	ssyncadd.s32 @!p0 $0xFFFFC000  }
0x37: {  	_ =	swait.ge [sflag:s26], $0x4000  }
0x38: {  	[sflag:s26] =	ssyncset.done $0x0  }
0x39: {  	[sflag:s26] =	ssyncadd.s32 $0xFFFFC000  }
0x3a: {  	_ =	swait.ge [sflag:s26], $0x1000  }
0x3b: {  	[sflag:s26] =	ssyncset.done $0x0  }
0x3c: {  	s16 =	sshll.u32 s15, $0x3;
	s17 =	simm.s32 $0x0;
	[sflag:s26] =	ssyncadd.s32 $0xFFFFF000  }
.LBB2_3:
0x3d: {  	s4 =	sshll.u32 s17, $0x5;
	s23 =	sshll.u32 s17, $0x6  }
0x3e: {  	s4 =	sand.u32 $0x3FFFFFE0, s4;
	v1 =	vld [tilespmem:s23+$0x0]  }
0x3f: {  	v0 =	vld [tilespmem:s4+$0x10000];
	_ =	sdelay $0x4  }
0x40: {  	v1 =	vadd.f32 v1, v0;
	_ =	sdelay $0x1  }
0x41: {  	s7 =	sor.u32 $0x80, s23;
	v3 =	vld [tilespmem:s23+$0x10];
	[tilespmem:s23+$0x14000] =	vst v1  }
0x42: {  	v1 =	vld [tilespmem:s7+$0x0]  }
0x43: {  	v2 =	vld [tilespmem:s4+$0x10010];
	_ =	sdelay $0x3  }
0x44: {  	v1 =	vadd.f32 v1, v0  }
0x45: {  	v5 =	vld [tilespmem:s23+$0x20];
	v3 =	vadd.f32 v3, v2  }
0x46: {  	s12 =	sor.u32 $0x100, s23;
	v7 =	vld [tilespmem:s23+$0x30];
	[tilespmem:s23+$0x14080] =	vst v1  }
0x47: {  	[tilespmem:s23+$0x14010] =	vst v3;
	v1 =	vld [tilespmem:s12+$0x0];
	s12 =	sor.u32 $0x90, s23  }
0x48: {  	v3 =	vld [tilespmem:s12+$0x0]  }
0x49: {  	v4 =	vld [tilespmem:s4+$0x10020]  }
0x4a: {  	v6 =	vld [tilespmem:s4+$0x10030];
	_ =	sdelay $0x1  }
0x4b: {  	v1 =	vadd.f32 v1, v0  }
0x4c: {  	v3 =	vadd.f32 v3, v2  }
0x4d: {  	v8 =	vld [tilespmem:s4+$0x10040];
	v17 =	vadd.f32 v5, v4;
	s12 =	sor.u32 $0x180, s23;
	[tilespmem:s23+$0x14100] =	vst v1  }
0x4e: {  	v19 =	vadd.f32 v7, v6;
	v18 =	vld [tilespmem:s12+$0x0];
	[tilespmem:s23+$0x14090] =	vst v3;
	s12 =	sor.u32 $0x110, s23  }
0x4f: {  	[tilespmem:s23+$0x14020] =	vst v17;
	v20 =	vld [tilespmem:s12+$0x0];
	s12 =	sor.u32 $0xA0, s23  }
0x50: {  	[tilespmem:s23+$0x14030] =	vst v19;
	v1 =	vld [tilespmem:s12+$0x0];
	s12 =	sor.u32 $0xB0, s23  }
0x51: {  	v3 =	vld [tilespmem:s12+$0x0];
	s12 =	sor.u32 $0x40, s23  }
0x52: {  	v9 =	vld [tilespmem:s12+$0x0]  }
0x53: {  	v10 =	vld [tilespmem:s4+$0x10050];
	s12 =	sor.u32 $0x50, s23  }
0x54: {  	v11 =	vld [tilespmem:s12+$0x0]  }
0x55: {  	v21 =	vld [tilespmem:s4+$0x10060];
	s12 =	sor.u32 $0x60, s23  }
0x56: {  	v7 =	vadd.f32 v20, v2;
	v12 =	vld [tilespmem:s12+$0x0]  }
0x57: {  	v9 =	vadd.f32 v9, v8  }
0x58: {  	v13 =	vld [tilespmem:s4+$0x10070];
	s12 =	sor.u32 $0x190, s23;
	v1 =	vadd.f32 v1, v4;
	[tilespmem:s23+$0x14110] =	vst v7  }
0x59: {  	s7 =	sor.u32 $0xC0, s23;
	v7 =	vld [tilespmem:s12+$0x0];
	v22 =	vadd.f32 v11, v10;
	[tilespmem:s23+$0x14040] =	vst v9  }
0x5a: {  	v23 =	vadd.f32 v3, v6;
	[tilespmem:s23+$0x140A0] =	vst v1;
	s12 =	sor.u32 $0x120, s23;
	v24 =	vld [tilespmem:s7+$0x0]  }
0x5b: {  	v25 =	vld [tilespmem:s12+$0x0];
	v26 =	vadd.f32 v12, v21;
	[tilespmem:s23+$0x14050] =	vst v22;
	s7 =	sor.u32 $0xD0, s23  }
0x5c: {  	v0 =	vadd.f32 v18, v0;
	[tilespmem:s23+$0x140B0] =	vst v23;
	s12 =	sor.u32 $0x130, s23;
	v27 =	vld [tilespmem:s7+$0x0]  }
0x5d: {  	v28 =	vld [tilespmem:s12+$0x0];
	s12 =	sor.u32 $0xE0, s23;
	[tilespmem:s23+$0x14060] =	vst v26  }
0x5e: {  	[tilespmem:s23+$0x14180] =	vst v0;
	v9 =	vld [tilespmem:s12+$0x0]  }
0x5f: {  	v0 =	vld [tilespmem:s4+$0x10080];
	s7 =	sor.u32 $0x70, s23;
	v3 =	vadd.f32 v24, v8  }
0x60: {  	s12 =	sor.u32 $0x2000, s23;
	v14 =	vld [tilespmem:s7+$0x0];
	v11 =	vadd.f32 v25, v4  }
0x61: {  	s7 =	sor.u32 $0x140, s23;
	v15 =	vld [tilespmem:s12+$0x0];
	v1 =	vadd.f32 v27, v10;
	[tilespmem:s23+$0x140C0] =	vst v3  }
0x62: {  	v2 =	vadd.f32 v7, v2;
	s12 =	sor.u32 $0x1A0, s23;
	[tilespmem:s23+$0x14120] =	vst v11;
	v3 =	vld [tilespmem:s7+$0x0]  }
0x63: {  	v29 =	vld [tilespmem:s12+$0x0];
	s12 =	sor.u32 $0x150, s23;
	v9 =	vadd.f32 v9, v21;
	[tilespmem:s23+$0x140D0] =	vst v1  }
0x64: {  	[tilespmem:s23+$0x14190] =	vst v2;
	v30 =	vadd.f32 v28, v6;
	v31 =	vld [tilespmem:s12+$0x0]  }
0x65: {  	v32 =	vadd.f32 v14, v13;
	v1 =	vld [tilespmem:s4+$0x10090];
	s7 =	sor.u32 $0x160, s23;
	[tilespmem:s23+$0x140E0] =	vst v9  }
0x66: {  	[tilespmem:s23+$0x14130] =	vst v30;
	s12 =	sor.u32 $0x1B0, s23;
	v33 =	vld [tilespmem:s7+$0x0]  }
0x67: {  	[tilespmem:s23+$0x14070] =	vst v32;
	v34 =	vld [tilespmem:s12+$0x0];
	s7 =	sor.u32 $0xF0, s23;
	v35 =	vadd.f32 v3, v8  }
0x68: {  	s12 =	sor.u32 $0x2010, s23;
	v36 =	vadd.f32 v29, v4;
	v37 =	vld [tilespmem:s7+$0x0]  }
0x69: {  	v38 =	vld [tilespmem:s12+$0x0];
	s12 =	sor.u32 $0x1C0, s23;
	v39 =	vadd.f32 v31, v10;
	[tilespmem:s23+$0x14140] =	vst v35  }
0x6a: {  	[tilespmem:s23+$0x141A0] =	vst v36;
	v40 =	vld [tilespmem:s12+$0x0]  }
0x6b: {  	s7 =	sor.u32 $0x1D0, s23;
	v2 =	vld [tilespmem:s4+$0x100A0];
	v41 =	vadd.f32 v33, v21;
	[tilespmem:s23+$0x14150] =	vst v39  }
0x6c: {  	v6 =	vadd.f32 v34, v6;
	s12 =	sor.u32 $0x2020, s23;
	v9 =	vld [tilespmem:s7+$0x0]  }
0x6d: {  	v4 =	vadd.f32 v37, v13;
	v42 =	vld [tilespmem:s12+$0x0];
	[tilespmem:s23+$0x14160] =	vst v41;
	s12 =	sor.u32 $0x1E0, s23  }
0x6e: {  	[tilespmem:s23+$0x141B0] =	vst v6;
	v43 =	vld [tilespmem:s12+$0x0]  }
0x6f: {  	s7 =	sor.u32 $0x170, s23;
	v3 =	vld [tilespmem:s4+$0x100B0];
	[tilespmem:s23+$0x140F0] =	vst v4;
	v8 =	vadd.f32 v40, v8  }
0x70: {  	s12 =	sor.u32 $0x2030, s23;
	v44 =	vld [tilespmem:s7+$0x0]  }
0x71: {  	v45 =	vld [tilespmem:s12+$0x0];
	v46 =	vadd.f32 v9, v10;
	[tilespmem:s23+$0x141C0] =	vst v8  }
0x72: {  	s12 =	sor.u32 $0x2040, s23;
	v4 =	vld [tilespmem:s4+$0x100C0]  }
0x73: {  	v6 =	vadd.f32 v43, v21;
	v47 =	vld [tilespmem:s12+$0x0];
	[tilespmem:s23+$0x141D0] =	vst v46  }
0x74: {  	s12 =	sor.u32 $0x2050, s23;
	v5 =	vld [tilespmem:s4+$0x100D0]  }
0x75: {  	v48 =	vadd.f32 v44, v13;
	v8 =	vld [tilespmem:s12+$0x0];
	[tilespmem:s23+$0x141E0] =	vst v6  }
0x76: {  	v49 =	vadd.f32 v15, v0;
	s12 =	sor.u32 $0x2060, s23;
	v6 =	vld [tilespmem:s4+$0x100E0]  }
0x77: {  	v7 =	vadd.f32 v38, v1;
	s7 =	sor.u32 $0x1F0, s23;
	v50 =	vld [tilespmem:s12+$0x0];
	[tilespmem:s23+$0x14170] =	vst v48  }
0x78: {  	[tilespmem:s23+$0x16000] =	vst v49;
	v51 =	vadd.f32 v42, v2;
	s12 =	sor.u32 $0x2080, s23;
	v52 =	vld [tilespmem:s7+$0x0]  }
0x79: {  	[tilespmem:s23+$0x16010] =	vst v7;
	v54 =	vadd.f32 v45, v3;
	v53 =	vld [tilespmem:s12+$0x0];
	s12 =	sor.u32 $0x2090, s23  }
0x7a: {  	[tilespmem:s23+$0x16020] =	vst v51;
	v55 =	vld [tilespmem:s12+$0x0];
	s12 =	sor.u32 $0x20A0, s23;
	v9 =	vadd.f32 v47, v4  }
0x7b: {  	[tilespmem:s23+$0x16030] =	vst v54;
	v10 =	vld [tilespmem:s12+$0x0];
	s12 =	sor.u32 $0x20B0, s23;
	v56 =	vadd.f32 v8, v5  }
0x7c: {  	v57 =	vld [tilespmem:s12+$0x0];
	s12 =	sor.u32 $0x20C0, s23;
	[tilespmem:s23+$0x16040] =	vst v9;
	v58 =	vadd.f32 v50, v6  }
0x7d: {  	v59 =	vld [tilespmem:s12+$0x0];
	[tilespmem:s23+$0x16050] =	vst v56;
	s12 =	sor.u32 $0x20D0, s23;
	v60 =	vadd.f32 v52, v13  }
0x7e: {  	v61 =	vld [tilespmem:s12+$0x0];
	[tilespmem:s23+$0x16060] =	vst v58;
	s12 =	sor.u32 $0x20E0, s23  }
0x7f: {  	v62 =	vadd.f32 v53, v0;
	v63 =	vld [tilespmem:s12+$0x0];
	[tilespmem:s23+$0x141F0] =	vst v60  }
0x80: {  	s7 =	sor.u32 $0x2070, s23;
	v16 =	vadd.f32 v55, v1;
	v7 =	vld [tilespmem:s4+$0x100F0]  }
0x81: {  	[tilespmem:s23+$0x16080] =	vst v62;
	s12 =	sor.u32 $0x2100, s23;
	v17 =	vadd.f32 v10, v2;
	v18 =	vld [tilespmem:s7+$0x0]  }
0x82: {  	v19 =	vld [tilespmem:s12+$0x0];
	[tilespmem:s23+$0x16090] =	vst v16;
	s7 =	sor.u32 $0x2110, s23;
	v8 =	vadd.f32 v57, v3  }
0x83: {  	s12 =	sor.u32 $0x2120, s23;
	v13 =	vld [tilespmem:s7+$0x0];
	[tilespmem:s23+$0x160A0] =	vst v17;
	v20 =	vadd.f32 v59, v4  }
0x84: {  	s7 =	sor.u32 $0x2130, s23;
	v21 =	vld [tilespmem:s12+$0x0];
	[tilespmem:s23+$0x160B0] =	vst v8;
	v22 =	vadd.f32 v61, v5  }
0x85: {  	s12 =	sor.u32 $0x2140, s23;
	v23 =	vld [tilespmem:s7+$0x0];
	[tilespmem:s23+$0x160C0] =	vst v20;
	v24 =	vadd.f32 v63, v6  }
0x86: {  	s7 =	sor.u32 $0x2150, s23;
	v25 =	vld [tilespmem:s12+$0x0];
	[tilespmem:s23+$0x160D0] =	vst v22;
	v26 =	vadd.f32 v18, v7  }
0x87: {  	v27 =	vadd.f32 v19, v0;
	s12 =	sor.u32 $0x2160, s23;
	v28 =	vld [tilespmem:s7+$0x0];
	[tilespmem:s23+$0x160E0] =	vst v24  }
0x88: {  	v29 =	vadd.f32 v13, v1;
	s7 =	sor.u32 $0x20F0, s23;
	v30 =	vld [tilespmem:s12+$0x0];
	[tilespmem:s23+$0x16070] =	vst v26  }
0x89: {  	[tilespmem:s23+$0x16100] =	vst v27;
	s12 =	sor.u32 $0x2180, s23;
	v31 =	vadd.f32 v21, v2;
	v32 =	vld [tilespmem:s7+$0x0]  }
0x8a: {  	v8 =	vld [tilespmem:s12+$0x0];
	[tilespmem:s23+$0x16110] =	vst v29;
	s12 =	sor.u32 $0x2190, s23;
	v11 =	vadd.f32 v23, v3  }
0x8b: {  	s7 =	sor.u32 $0x21A0, s23;
	v9 =	vld [tilespmem:s12+$0x0];
	[tilespmem:s23+$0x16120] =	vst v31;
	v12 =	vadd.f32 v25, v4  }
0x8c: {  	s12 =	sor.u32 $0x21B0, s23;
	v10 =	vld [tilespmem:s7+$0x0];
	[tilespmem:s23+$0x16130] =	vst v11;
	v14 =	vadd.f32 v28, v5  }
0x8d: {  	s7 =	sor.u32 $0x21C0, s23;
	v11 =	vld [tilespmem:s12+$0x0];
	[tilespmem:s23+$0x16140] =	vst v12;
	v16 =	vadd.f32 v30, v6  }
0x8e: {  	s12 =	sor.u32 $0x21D0, s23;
	v12 =	vld [tilespmem:s7+$0x0];
	[tilespmem:s23+$0x16150] =	vst v14;
	v15 =	vadd.f32 v32, v7  }
0x8f: {  	s7 =	sshrl.u32 s17, $0x3;
	v13 =	vld [tilespmem:s12+$0x0];
	[tilespmem:s23+$0x16160] =	vst v16;
	s12 =	sor.u32 $0x21E0, s23  }
0x90: {  	s4 =	sor.u32 $0x2170, s23;
	s7 =	sor.u32 $0x1, s7;
	v14 =	vld [tilespmem:s12+$0x0];
	[tilespmem:s23+$0x160F0] =	vst v15  }
0x91: {  	s12 =	sshll.u32 s7, $0x8;
	s7 =	sshll.u32 s7, $0x9;
	v15 =	vld [tilespmem:s4+$0x0]  }
0x92: {  	v17 =	vld [tilespmem:s7+$0x0]  }
0x93: {  	v18 =	vld [tilespmem:s7+$0x80]  }
0x94: {  	v19 =	vld [tilespmem:s7+$0x100]  }
0x95: {  	v20 =	vld [tilespmem:s7+$0x180]  }
0x96: {  	v22 =	vld [tilespmem:s7+$0x10]  }
0x97: {  	v23 =	vld [tilespmem:s7+$0x90]  }
0x98: {  	v24 =	vld [tilespmem:s7+$0x110]  }
0x99: {  	v25 =	vld [tilespmem:s7+$0x190]  }
0x9a: {  	v27 =	vld [tilespmem:s7+$0x20]  }
0x9b: {  	v28 =	vld [tilespmem:s7+$0xA0]  }
0x9c: {  	s4 =	sand.u32 $0x3FFFFF00, s12;
	v35 =	vld [tilespmem:s7+$0x120]  }
0x9d: {  	v33 =	vld [tilespmem:s4+$0x10000]  }
0x9e: {  	v37 =	vld [tilespmem:s7+$0x1A0]  }
0x9f: {  	v0 =	vadd.f32 v8, v0;
	v41 =	vld [tilespmem:s7+$0x30]  }
0xa0: {  	v1 =	vadd.f32 v9, v1;
	v43 =	vld [tilespmem:s7+$0xB0]  }
0xa1: {  	[tilespmem:s23+$0x16180] =	vst v0;
	v21 =	vld [tilespmem:s4+$0x10010];
	v15 =	vadd.f32 v15, v7  }
0xa2: {  	v45 =	vld [tilespmem:s7+$0x130];
	[tilespmem:s23+$0x16190] =	vst v1;
	v17 =	vadd.f32 v17, v33  }
0xa3: {  	v47 =	vld [tilespmem:s7+$0x1B0];
	v34 =	vadd.f32 v18, v33;
	[tilespmem:s23+$0x16170] =	vst v15  }
0xa4: {  	v51 =	vld [tilespmem:s7+$0x40];
	v36 =	vadd.f32 v19, v33;
	[tilespmem:s7+$0x14000] =	vst v17  }
0xa5: {  	v26 =	vld [tilespmem:s4+$0x10020];
	v38 =	vadd.f32 v20, v33;
	[tilespmem:s7+$0x14080] =	vst v34  }
0xa6: {  	v53 =	vld [tilespmem:s7+$0xC0];
	v40 =	vadd.f32 v22, v21;
	[tilespmem:s7+$0x14100] =	vst v36  }
0xa7: {  	v55 =	vld [tilespmem:s7+$0x140];
	v42 =	vadd.f32 v23, v21;
	[tilespmem:s7+$0x14180] =	vst v38  }
0xa8: {  	v57 =	vld [tilespmem:s7+$0x1C0];
	v44 =	vadd.f32 v24, v21;
	[tilespmem:s7+$0x14010] =	vst v40  }
0xa9: {  	v39 =	vld [tilespmem:s4+$0x10030];
	v46 =	vadd.f32 v25, v21;
	[tilespmem:s7+$0x14090] =	vst v42  }
0xaa: {  	v61 =	vld [tilespmem:s7+$0x50];
	v48 =	vadd.f32 v27, v26;
	[tilespmem:s7+$0x14110] =	vst v44  }
0xab: {  	v63 =	vld [tilespmem:s7+$0xD0];
	v50 =	vadd.f32 v28, v26;
	[tilespmem:s7+$0x14190] =	vst v46  }
0xac: {  	v32 =	vld [tilespmem:s7+$0x60];
	v52 =	vadd.f32 v35, v26;
	[tilespmem:s7+$0x14020] =	vst v48  }
0xad: {  	v49 =	vld [tilespmem:s4+$0x10040];
	v54 =	vadd.f32 v37, v26;
	[tilespmem:s7+$0x140A0] =	vst v50  }
0xae: {  	v59 =	vld [tilespmem:s4+$0x10050];
	v56 =	vadd.f32 v41, v39;
	[tilespmem:s7+$0x14120] =	vst v52  }
0xaf: {  	v30 =	vld [tilespmem:s4+$0x10060];
	v58 =	vadd.f32 v43, v39;
	[tilespmem:s7+$0x141A0] =	vst v54  }
0xb0: {  	v60 =	vadd.f32 v45, v39;
	v26 =	vld [tilespmem:s7+$0x150];
	[tilespmem:s7+$0x14030] =	vst v56  }
0xb1: {  	v62 =	vadd.f32 v47, v39;
	v28 =	vld [tilespmem:s7+$0x1D0];
	[tilespmem:s7+$0x140B0] =	vst v58  }
0xb2: {  	v25 =	vadd.f32 v51, v49;
	[tilespmem:s7+$0x14130] =	vst v60;
	v34 =	vld [tilespmem:s7+$0xE0]  }
0xb3: {  	v27 =	vadd.f32 v53, v49;
	[tilespmem:s7+$0x141B0] =	vst v62;
	v36 =	vld [tilespmem:s7+$0x160]  }
0xb4: {  	s12 =	sor.u32 $0x21F0, s23;
	v29 =	vadd.f32 v55, v49;
	[tilespmem:s7+$0x14040] =	vst v25;
	v38 =	vld [tilespmem:s7+$0x1E0]  }
0xb5: {  	v31 =	vadd.f32 v57, v49;
	[tilespmem:s7+$0x140C0] =	vst v27;
	v40 =	vld [tilespmem:s12+$0x0]  }
0xb6: {  	v33 =	vadd.f32 v61, v59;
	[tilespmem:s7+$0x14140] =	vst v29;
	v48 =	vld [tilespmem:s4+$0x10070]  }
0xb7: {  	v35 =	vadd.f32 v63, v59;
	[tilespmem:s7+$0x141C0] =	vst v31;
	v50 =	vld [tilespmem:s7+$0x70]  }
0xb8: {  	v20 =	vadd.f32 v32, v30;
	[tilespmem:s7+$0x14050] =	vst v33;
	v52 =	vld [tilespmem:s7+$0xF0]  }
0xb9: {  	v49 =	vadd.f32 v10, v2;
	[tilespmem:s7+$0x140D0] =	vst v35;
	v54 =	vld [tilespmem:s7+$0x170]  }
0xba: {  	v51 =	vadd.f32 v11, v3;
	s12 =	sor.u32 $0x2000, s7;
	[tilespmem:s7+$0x14060] =	vst v20;
	v56 =	vld [tilespmem:s7+$0x1F0]  }
0xbb: {  	v53 =	vadd.f32 v12, v4;
	[tilespmem:s23+$0x161A0] =	vst v49;
	v41 =	vld [tilespmem:s12+$0x0]  }
0xbc: {  	v55 =	vadd.f32 v13, v5;
	[tilespmem:s23+$0x161B0] =	vst v51;
	v58 =	vld [tilespmem:s4+$0x10080]  }
0xbd: {  	v57 =	vadd.f32 v14, v6;
	[tilespmem:s23+$0x161C0] =	vst v53;
	v60 =	vld [tilespmem:s4+$0x100A0]  }
0xbe: {  	[tilespmem:s23+$0x161D0] =	vst v55;
	v61 =	vld [tilespmem:s4+$0x100B0];
	v37 =	vadd.f32 v26, v59  }
0xbf: {  	[tilespmem:s23+$0x161E0] =	vst v57;
	s12 =	sor.u32 $0x2010, s7;
	v63 =	vld [tilespmem:s4+$0x100C0];
	v39 =	vadd.f32 v28, v59  }
0xc0: {  	v42 =	vld [tilespmem:s12+$0x0];
	s12 =	sor.u32 $0x2020, s7;
	[tilespmem:s7+$0x14150] =	vst v37;
	v43 =	vadd.f32 v34, v30  }
0xc1: {  	v44 =	vld [tilespmem:s12+$0x0];
	[tilespmem:s7+$0x141D0] =	vst v39;
	v16 =	vadd.f32 v36, v30  }
0xc2: {  	s12 =	sor.u32 $0x2030, s7;
	v59 =	vld [tilespmem:s4+$0x10090];
	v19 =	vadd.f32 v38, v30;
	[tilespmem:s7+$0x140E0] =	vst v43  }
0xc3: {  	v45 =	vld [tilespmem:s12+$0x0];
	s12 =	sor.u32 $0x2040, s7;
	v2 =	vadd.f32 v50, v48;
	[tilespmem:s7+$0x14160] =	vst v16  }
0xc4: {  	v46 =	vld [tilespmem:s12+$0x0];
	s12 =	sor.u32 $0x2050, s7;
	v3 =	vadd.f32 v52, v48;
	[tilespmem:s7+$0x141E0] =	vst v19  }
0xc5: {  	v4 =	vadd.f32 v54, v48;
	v47 =	vld [tilespmem:s12+$0x0];
	[tilespmem:s7+$0x14070] =	vst v2  }
0xc6: {  	v62 =	vadd.f32 v56, v48;
	s12 =	sor.u32 $0x2060, s7;
	v18 =	vld [tilespmem:s4+$0x100D0];
	[tilespmem:s7+$0x140F0] =	vst v3  }
0xc7: {  	v7 =	vadd.f32 v40, v7;
	[tilespmem:s7+$0x14170] =	vst v4;
	v19 =	vld [tilespmem:s12+$0x0]  }
0xc8: {  	v23 =	vadd.f32 v41, v58;
	[tilespmem:s7+$0x141F0] =	vst v62;
	v24 =	vld [tilespmem:s4+$0x100E0]  }
0xc9: {  	[tilespmem:s23+$0x161F0] =	vst v7;
	v25 =	vadd.f32 v42, v59;
	v26 =	vld [tilespmem:s4+$0x100F0];
	s12 =	sor.u32 $0x2070, s7  }
0xca: {  	s23 =	sor.u32 $0x2080, s7;
	[tilespmem:s7+$0x16000] =	vst v23;
	v27 =	vadd.f32 v44, v60;
	v28 =	vld [tilespmem:s12+$0x0]  }
0xcb: {  	v29 =	vld [tilespmem:s23+$0x0];
	s12 =	sor.u32 $0x2090, s7;
	v30 =	vadd.f32 v45, v61;
	[tilespmem:s7+$0x16010] =	vst v25  }
0xcc: {  	s23 =	sor.u32 $0x20A0, s7;
	[tilespmem:s7+$0x16020] =	vst v27;
	v32 =	vadd.f32 v46, v63;
	v31 =	vld [tilespmem:s12+$0x0]  }
0xcd: {  	[tilespmem:s7+$0x16030] =	vst v30;
	v33 =	vld [tilespmem:s23+$0x0];
	s12 =	sor.u32 $0x20B0, s7;
	v34 =	vadd.f32 v47, v18  }
0xce: {  	s23 =	sor.u32 $0x20C0, s7;
	[tilespmem:s7+$0x16040] =	vst v32;
	v35 =	vld [tilespmem:s12+$0x0];
	v36 =	vadd.f32 v19, v24  }
0xcf: {  	s12 =	sor.u32 $0x20D0, s7;
	[tilespmem:s7+$0x16050] =	vst v34;
	v37 =	vld [tilespmem:s23+$0x0];
	v10 =	vadd.f32 v28, v26  }
0xd0: {  	s23 =	sor.u32 $0x20E0, s7;
	v7 =	vadd.f32 v29, v58;
	v38 =	vld [tilespmem:s12+$0x0];
	[tilespmem:s7+$0x16060] =	vst v36  }
0xd1: {  	s12 =	sor.u32 $0x20F0, s7;
	v8 =	vadd.f32 v31, v59;
	[tilespmem:s7+$0x16070] =	vst v10;
	v39 =	vld [tilespmem:s23+$0x0]  }
0xd2: {  	[tilespmem:s7+$0x16080] =	vst v7;
	s23 =	sor.u32 $0x2100, s7;
	v40 =	vadd.f32 v33, v60;
	v41 =	vld [tilespmem:s12+$0x0]  }
0xd3: {  	v42 =	vld [tilespmem:s23+$0x0];
	s12 =	sor.u32 $0x2110, s7;
	v12 =	vadd.f32 v35, v61;
	[tilespmem:s7+$0x16090] =	vst v8  }
0xd4: {  	s23 =	sor.u32 $0x2120, s7;
	[tilespmem:s7+$0x160A0] =	vst v40;
	v13 =	vadd.f32 v37, v63;
	v43 =	vld [tilespmem:s12+$0x0]  }
0xd5: {  	[tilespmem:s7+$0x160B0] =	vst v12;
	v44 =	vld [tilespmem:s23+$0x0];
	s12 =	sor.u32 $0x2130, s7;
	v14 =	vadd.f32 v38, v18  }
0xd6: {  	s23 =	sor.u32 $0x2140, s7;
	[tilespmem:s7+$0x160C0] =	vst v13;
	v45 =	vld [tilespmem:s12+$0x0];
	v10 =	vadd.f32 v39, v24  }
0xd7: {  	s12 =	sor.u32 $0x2150, s7;
	[tilespmem:s7+$0x160D0] =	vst v14;
	v46 =	vld [tilespmem:s23+$0x0];
	v11 =	vadd.f32 v41, v26  }
0xd8: {  	s23 =	sor.u32 $0x2160, s7;
	v8 =	vadd.f32 v42, v58;
	v47 =	vld [tilespmem:s12+$0x0];
	[tilespmem:s7+$0x160E0] =	vst v10  }
0xd9: {  	s12 =	sor.u32 $0x2170, s7;
	v7 =	vadd.f32 v43, v59;
	[tilespmem:s7+$0x160F0] =	vst v11;
	v48 =	vld [tilespmem:s23+$0x0]  }
0xda: {  	[tilespmem:s7+$0x16100] =	vst v8;
	s23 =	sor.u32 $0x2180, s7;
	v49 =	vadd.f32 v44, v60;
	v50 =	vld [tilespmem:s12+$0x0]  }
0xdb: {  	v51 =	vld [tilespmem:s23+$0x0];
	s12 =	sor.u32 $0x2190, s7;
	v13 =	vadd.f32 v45, v61;
	[tilespmem:s7+$0x16110] =	vst v7  }
0xdc: {  	s23 =	sor.u32 $0x21A0, s7;
	[tilespmem:s7+$0x16120] =	vst v49;
	v14 =	vadd.f32 v46, v63;
	v52 =	vld [tilespmem:s12+$0x0]  }
0xdd: {  	[tilespmem:s7+$0x16130] =	vst v13;
	v53 =	vld [tilespmem:s23+$0x0];
	s12 =	sor.u32 $0x21B0, s7;
	v10 =	vadd.f32 v47, v18  }
0xde: {  	s23 =	sor.u32 $0x21C0, s7;
	[tilespmem:s7+$0x16140] =	vst v14;
	v54 =	vld [tilespmem:s12+$0x0];
	v11 =	vadd.f32 v48, v24  }
0xdf: {  	s12 =	sor.u32 $0x21D0, s7;
	[tilespmem:s7+$0x16150] =	vst v10;
	v55 =	vld [tilespmem:s23+$0x0];
	v12 =	vadd.f32 v50, v26  }
0xe0: {  	s23 =	sor.u32 $0x21E0, s7;
	v6 =	vadd.f32 v51, v58;
	v56 =	vld [tilespmem:s12+$0x0];
	[tilespmem:s7+$0x16160] =	vst v11  }
0xe1: {  	s12 =	sor.u32 $0x21F0, s7;
	v1 =	vadd.f32 v52, v59;
	[tilespmem:s7+$0x16170] =	vst v12;
	v57 =	vld [tilespmem:s23+$0x0]  }
0xe2: {  	[tilespmem:s7+$0x16180] =	vst v6;
	v0 =	vadd.f32 v53, v60;
	v58 =	vld [tilespmem:s12+$0x0]  }
0xe3: {  	v59 =	vadd.f32 v54, v61;
	[tilespmem:s7+$0x16190] =	vst v1  }
0xe4: {  	p0 =	slt.u32 s17, $0x70;
	[tilespmem:s7+$0x161A0] =	vst v0;
	v60 =	vadd.f32 v55, v63  }
.Ltmp2:
0xe5: {  	[tilespmem:s7+$0x161B0] =	vst v59;
	v61 =	vadd.f32 v56, v18;
	(pc) =	sbr.rel @p0 .LBB2_3-.Ltmp2, $4  }
0xe6: {  	[tilespmem:s7+$0x161C0] =	vst v60;
	v62 =	vadd.f32 v57, v24  }
0xe7: {  	[tilespmem:s7+$0x161D0] =	vst v61;
	v63 =	vadd.f32 v58, v26  }
0xe8: {  	s23 =	sadd.s32 $0x10, s17;
	[tilespmem:s7+$0x161E0] =	vst v62  }
0xe9: {  	s17 =	smov.u32 s23;
	[tilespmem:s7+$0x161F0] =	vst v63  }
0xea: {  	s4 =	sshll.u32 s15, $0xD  }
0xeb: {  	p0 =	seq.s32 s15, $0x1F;
	s4 =	sadd.s32 s4, s18  }
0xec: {  	[hbm4b:s4+s5] =	stream.linear.scatter [tilespmem:s28], [sflag:$0x5], $0x4000, $0x38;
	[tilespmem:$0x1C000] =	vst v63  }
0xed: {  	s12 =	simm.s32 @!p0 $0x0;
	s4 =	sadd.s32 @!p0 s16, s19  }
0xee: {  	p1 =	seq.s32 @!p0 s15, $0x0;
	s17 =	simm.s32 @!p0 $0x10000;
	s7 =	sshll.u32 @!p0 s4, $0xA  }
0xef: {  	p1 =	por p0, !p1;
	s4 =	sshll.u32 @!p0 s4, $0x8;
	s7 =	sadd.s32 @!p0 s1, s7  }
0xf0: {  	[tilespmem:s12], [sflag:$0x1] =	stream.linear.gather @!p0 [hbm4b:s7+s12], $0x4000, $0x38;
	[tilespmem:$0x1C000] =	vst v63  }
0xf1: {  	s4 =	sadd.s32 @!p0 s0, s4;
	s7 =	simm.s32 @!p0 $0x100;
	s12 =	simm.s32 @!p0 $0x400  }
0xf2: {  	[tilespmem:s17], [sflag:$0x1] =	stream.strided.gather @!p0 [hbm4b:s4+s7], $0x1000, s12, s7, $0x38;
	[tilespmem:$0x1C000] =	vst v63  }
0xf3: {  	_ =	swait.ge @p1 [sflag:s10], $0x4000  }
0xf4: {  	[sflag:s10] =	ssyncset.done @p1 $0x0  }
0xf5: {  	[sflag:s10] =	ssyncadd.s32 @p1 $0xFFFFC000  }
0xf6: {  	_ =	swait.ge [sflag:s29], $0x4000  }
0xf7: {  	[sflag:s29] =	ssyncset.done $0x0  }
0xf8: {  	[sflag:s29] =	ssyncadd.s32 $0xFFFFC000  }
0xf9: {  	_ =	swait.ge [sflag:s29], $0x1000  }
0xfa: {  	[sflag:s29] =	ssyncset.done $0x0  }
0xfb: {  	s17 =	simm.s32 $0x0;
	[sflag:s29] =	ssyncadd.s32 $0xFFFFF000  }
.LBB2_5:
0xfc: {  	s4 =	sshll.u32 s17, $0x5  }
0xfd: {  	s23 =	sshll.u32 s17, $0x6;
	s4 =	sand.u32 $0x3FFFFFE0, s4  }
0xfe: {  	s7 =	sor.u32 $0x4000, s23;
	v0 =	vld [tilespmem:s4+$0x11000]  }
0xff: {  	v1 =	vld [tilespmem:s7+$0x0];
	_ =	sdelay $0x4  }
0x100: {  	v1 =	vadd.f32 v1, v0;
	_ =	sdelay $0x1  }
0x101: {  	s12 =	sor.u32 $0x4080, s23;
	v2 =	vld [tilespmem:s4+$0x11010];
	[tilespmem:s23+$0x18000] =	vst v1  }
0x102: {  	v1 =	vld [tilespmem:s12+$0x0];
	s12 =	sor.u32 $0x4010, s23  }
0x103: {  	v3 =	vld [tilespmem:s12+$0x0];
	_ =	sdelay $0x3  }
0x104: {  	v1 =	vadd.f32 v1, v0  }
0x105: {  	v4 =	vld [tilespmem:s4+$0x11020];
	v3 =	vadd.f32 v3, v2  }
0x106: {  	v6 =	vld [tilespmem:s4+$0x11030];
	s12 =	sor.u32 $0x4100, s23;
	[tilespmem:s23+$0x18080] =	vst v1  }
0x107: {  	v1 =	vld [tilespmem:s12+$0x0];
	[tilespmem:s23+$0x18010] =	vst v3;
	s12 =	sor.u32 $0x4090, s23  }
0x108: {  	v3 =	vld [tilespmem:s12+$0x0];
	s12 =	sor.u32 $0x4020, s23  }
0x109: {  	v5 =	vld [tilespmem:s12+$0x0];
	s12 =	sor.u32 $0x4030, s23  }
0x10a: {  	v7 =	vld [tilespmem:s12+$0x0];
	_ =	sdelay $0x1  }
0x10b: {  	v1 =	vadd.f32 v1, v0  }
0x10c: {  	v3 =	vadd.f32 v3, v2  }
0x10d: {  	v8 =	vld [tilespmem:s4+$0x11040];
	s12 =	sor.u32 $0x4180, s23;
	[tilespmem:s23+$0x18100] =	vst v1;
	v27 =	vadd.f32 v5, v4  }
0x10e: {  	v28 =	vld [tilespmem:s12+$0x0];
	[tilespmem:s23+$0x18090] =	vst v3;
	s12 =	sor.u32 $0x4110, s23;
	v29 =	vadd.f32 v7, v6  }
0x10f: {  	v30 =	vld [tilespmem:s12+$0x0];
	[tilespmem:s23+$0x18020] =	vst v27;
	s12 =	sor.u32 $0x40A0, s23  }
0x110: {  	v1 =	vld [tilespmem:s12+$0x0];
	[tilespmem:s23+$0x18030] =	vst v29;
	s12 =	sor.u32 $0x40B0, s23  }
0x111: {  	v3 =	vld [tilespmem:s12+$0x0];
	s12 =	sor.u32 $0x4040, s23  }
0x112: {  	v9 =	vld [tilespmem:s12+$0x0]  }
0x113: {  	v10 =	vld [tilespmem:s4+$0x11050];
	s12 =	sor.u32 $0x4050, s23  }
0x114: {  	v11 =	vld [tilespmem:s12+$0x0]  }
0x115: {  	v31 =	vld [tilespmem:s4+$0x11060];
	s12 =	sor.u32 $0x4060, s23  }
0x116: {  	v7 =	vadd.f32 v30, v2;
	v12 =	vld [tilespmem:s12+$0x0]  }
0x117: {  	v9 =	vadd.f32 v9, v8  }
0x118: {  	v13 =	vld [tilespmem:s4+$0x11070];
	s12 =	sor.u32 $0x4190, s23;
	v1 =	vadd.f32 v1, v4;
	[tilespmem:s23+$0x18110] =	vst v7  }
0x119: {  	s7 =	sor.u32 $0x40C0, s23;
	v7 =	vld [tilespmem:s12+$0x0];
	v32 =	vadd.f32 v11, v10;
	[tilespmem:s23+$0x18040] =	vst v9  }
0x11a: {  	v33 =	vadd.f32 v3, v6;
	[tilespmem:s23+$0x180A0] =	vst v1;
	s12 =	sor.u32 $0x4120, s23;
	v34 =	vld [tilespmem:s7+$0x0]  }
0x11b: {  	v35 =	vld [tilespmem:s12+$0x0];
	v36 =	vadd.f32 v12, v31;
	[tilespmem:s23+$0x18050] =	vst v32;
	s7 =	sor.u32 $0x40D0, s23  }
0x11c: {  	v0 =	vadd.f32 v28, v0;
	[tilespmem:s23+$0x180B0] =	vst v33;
	s12 =	sor.u32 $0x4130, s23;
	v37 =	vld [tilespmem:s7+$0x0]  }
0x11d: {  	v38 =	vld [tilespmem:s12+$0x0];
	s12 =	sor.u32 $0x40E0, s23;
	[tilespmem:s23+$0x18060] =	vst v36  }
0x11e: {  	[tilespmem:s23+$0x18180] =	vst v0;
	v9 =	vld [tilespmem:s12+$0x0]  }
0x11f: {  	v0 =	vld [tilespmem:s4+$0x11080];
	s7 =	sor.u32 $0x4070, s23;
	v3 =	vadd.f32 v34, v8  }
0x120: {  	s12 =	sor.u32 $0x6000, s23;
	v14 =	vld [tilespmem:s7+$0x0];
	v11 =	vadd.f32 v35, v4  }
0x121: {  	s7 =	sor.u32 $0x4140, s23;
	v15 =	vld [tilespmem:s12+$0x0];
	v1 =	vadd.f32 v37, v10;
	[tilespmem:s23+$0x180C0] =	vst v3  }
0x122: {  	v2 =	vadd.f32 v7, v2;
	s12 =	sor.u32 $0x41A0, s23;
	[tilespmem:s23+$0x18120] =	vst v11;
	v3 =	vld [tilespmem:s7+$0x0]  }
0x123: {  	v39 =	vld [tilespmem:s12+$0x0];
	s12 =	sor.u32 $0x4150, s23;
	v9 =	vadd.f32 v9, v31;
	[tilespmem:s23+$0x180D0] =	vst v1  }
0x124: {  	[tilespmem:s23+$0x18190] =	vst v2;
	v40 =	vadd.f32 v38, v6;
	v41 =	vld [tilespmem:s12+$0x0]  }
0x125: {  	v42 =	vadd.f32 v14, v13;
	v1 =	vld [tilespmem:s4+$0x11090];
	s7 =	sor.u32 $0x4160, s23;
	[tilespmem:s23+$0x180E0] =	vst v9  }
0x126: {  	[tilespmem:s23+$0x18130] =	vst v40;
	s12 =	sor.u32 $0x41B0, s23;
	v43 =	vld [tilespmem:s7+$0x0]  }
0x127: {  	[tilespmem:s23+$0x18070] =	vst v42;
	v44 =	vld [tilespmem:s12+$0x0];
	s7 =	sor.u32 $0x40F0, s23;
	v45 =	vadd.f32 v3, v8  }
0x128: {  	s12 =	sor.u32 $0x6010, s23;
	v46 =	vadd.f32 v39, v4;
	v47 =	vld [tilespmem:s7+$0x0]  }
0x129: {  	v48 =	vld [tilespmem:s12+$0x0];
	s12 =	sor.u32 $0x41C0, s23;
	v49 =	vadd.f32 v41, v10;
	[tilespmem:s23+$0x18140] =	vst v45  }
0x12a: {  	[tilespmem:s23+$0x181A0] =	vst v46;
	v50 =	vld [tilespmem:s12+$0x0]  }
0x12b: {  	s7 =	sor.u32 $0x41D0, s23;
	v2 =	vld [tilespmem:s4+$0x110A0];
	v51 =	vadd.f32 v43, v31;
	[tilespmem:s23+$0x18150] =	vst v49  }
0x12c: {  	v6 =	vadd.f32 v44, v6;
	s12 =	sor.u32 $0x6020, s23;
	v9 =	vld [tilespmem:s7+$0x0]  }
0x12d: {  	v4 =	vadd.f32 v47, v13;
	v52 =	vld [tilespmem:s12+$0x0];
	[tilespmem:s23+$0x18160] =	vst v51;
	s12 =	sor.u32 $0x41E0, s23  }
0x12e: {  	[tilespmem:s23+$0x181B0] =	vst v6;
	v53 =	vld [tilespmem:s12+$0x0]  }
0x12f: {  	s7 =	sor.u32 $0x4170, s23;
	v3 =	vld [tilespmem:s4+$0x110B0];
	[tilespmem:s23+$0x180F0] =	vst v4;
	v8 =	vadd.f32 v50, v8  }
0x130: {  	s12 =	sor.u32 $0x6030, s23;
	v54 =	vld [tilespmem:s7+$0x0]  }
0x131: {  	v55 =	vld [tilespmem:s12+$0x0];
	v56 =	vadd.f32 v9, v10;
	[tilespmem:s23+$0x181C0] =	vst v8  }
0x132: {  	s12 =	sor.u32 $0x6040, s23;
	v4 =	vld [tilespmem:s4+$0x110C0]  }
0x133: {  	v6 =	vadd.f32 v53, v31;
	v57 =	vld [tilespmem:s12+$0x0];
	[tilespmem:s23+$0x181D0] =	vst v56  }
0x134: {  	s12 =	sor.u32 $0x6050, s23;
	v5 =	vld [tilespmem:s4+$0x110D0]  }
0x135: {  	v58 =	vadd.f32 v54, v13;
	v8 =	vld [tilespmem:s12+$0x0];
	[tilespmem:s23+$0x181E0] =	vst v6  }
0x136: {  	v59 =	vadd.f32 v15, v0;
	s12 =	sor.u32 $0x6060, s23;
	v6 =	vld [tilespmem:s4+$0x110E0]  }
0x137: {  	v7 =	vadd.f32 v48, v1;
	s7 =	sor.u32 $0x41F0, s23;
	v60 =	vld [tilespmem:s12+$0x0];
	[tilespmem:s23+$0x18170] =	vst v58  }
0x138: {  	[tilespmem:s23+$0x1A000] =	vst v59;
	v61 =	vadd.f32 v52, v2;
	s12 =	sor.u32 $0x6080, s23;
	v62 =	vld [tilespmem:s7+$0x0]  }
0x139: {  	[tilespmem:s23+$0x1A010] =	vst v7;
	v17 =	vadd.f32 v55, v3;
	v63 =	vld [tilespmem:s12+$0x0];
	s12 =	sor.u32 $0x6090, s23  }
0x13a: {  	[tilespmem:s23+$0x1A020] =	vst v61;
	v18 =	vld [tilespmem:s12+$0x0];
	s12 =	sor.u32 $0x60A0, s23;
	v9 =	vadd.f32 v57, v4  }
0x13b: {  	[tilespmem:s23+$0x1A030] =	vst v17;
	v10 =	vld [tilespmem:s12+$0x0];
	s12 =	sor.u32 $0x60B0, s23;
	v19 =	vadd.f32 v8, v5  }
0x13c: {  	v20 =	vld [tilespmem:s12+$0x0];
	s12 =	sor.u32 $0x60C0, s23;
	[tilespmem:s23+$0x1A040] =	vst v9;
	v21 =	vadd.f32 v60, v6  }
0x13d: {  	v22 =	vld [tilespmem:s12+$0x0];
	[tilespmem:s23+$0x1A050] =	vst v19;
	s12 =	sor.u32 $0x60D0, s23;
	v23 =	vadd.f32 v62, v13  }
0x13e: {  	v24 =	vld [tilespmem:s12+$0x0];
	[tilespmem:s23+$0x1A060] =	vst v21;
	s12 =	sor.u32 $0x60E0, s23  }
0x13f: {  	v25 =	vadd.f32 v63, v0;
	v26 =	vld [tilespmem:s12+$0x0];
	[tilespmem:s23+$0x181F0] =	vst v23  }
0x140: {  	s7 =	sor.u32 $0x6070, s23;
	v27 =	vadd.f32 v18, v1;
	v7 =	vld [tilespmem:s4+$0x110F0]  }
0x141: {  	[tilespmem:s23+$0x1A080] =	vst v25;
	s12 =	sor.u32 $0x6100, s23;
	v28 =	vadd.f32 v10, v2;
	v29 =	vld [tilespmem:s7+$0x0]  }
0x142: {  	v30 =	vld [tilespmem:s12+$0x0];
	[tilespmem:s23+$0x1A090] =	vst v27;
	s7 =	sor.u32 $0x6110, s23;
	v8 =	vadd.f32 v20, v3  }
0x143: {  	s12 =	sor.u32 $0x6120, s23;
	v13 =	vld [tilespmem:s7+$0x0];
	[tilespmem:s23+$0x1A0A0] =	vst v28;
	v31 =	vadd.f32 v22, v4  }
0x144: {  	s7 =	sor.u32 $0x6130, s23;
	v32 =	vld [tilespmem:s12+$0x0];
	[tilespmem:s23+$0x1A0B0] =	vst v8;
	v33 =	vadd.f32 v24, v5  }
0x145: {  	s12 =	sor.u32 $0x6140, s23;
	v34 =	vld [tilespmem:s7+$0x0];
	[tilespmem:s23+$0x1A0C0] =	vst v31;
	v35 =	vadd.f32 v26, v6  }
0x146: {  	s7 =	sor.u32 $0x6150, s23;
	v36 =	vld [tilespmem:s12+$0x0];
	[tilespmem:s23+$0x1A0D0] =	vst v33;
	v37 =	vadd.f32 v29, v7  }
0x147: {  	v38 =	vadd.f32 v30, v0;
	s12 =	sor.u32 $0x6160, s23;
	v39 =	vld [tilespmem:s7+$0x0];
	[tilespmem:s23+$0x1A0E0] =	vst v35  }
0x148: {  	v13 =	vadd.f32 v13, v1;
	s7 =	sor.u32 $0x60F0, s23;
	v16 =	vld [tilespmem:s12+$0x0];
	[tilespmem:s23+$0x1A070] =	vst v37  }
0x149: {  	[tilespmem:s23+$0x1A100] =	vst v38;
	s12 =	sor.u32 $0x6180, s23;
	v40 =	vadd.f32 v32, v2;
	v41 =	vld [tilespmem:s7+$0x0]  }
0x14a: {  	v9 =	vld [tilespmem:s12+$0x0];
	[tilespmem:s23+$0x1A110] =	vst v13;
	s12 =	sor.u32 $0x6190, s23;
	v11 =	vadd.f32 v34, v3  }
0x14b: {  	s7 =	sor.u32 $0x61A0, s23;
	v10 =	vld [tilespmem:s12+$0x0];
	[tilespmem:s23+$0x1A120] =	vst v40;
	v12 =	vadd.f32 v36, v4  }
0x14c: {  	s12 =	sor.u32 $0x61B0, s23;
	v8 =	vld [tilespmem:s7+$0x0];
	[tilespmem:s23+$0x1A130] =	vst v11;
	v42 =	vadd.f32 v39, v5  }
0x14d: {  	s7 =	sor.u32 $0x61C0, s23;
	v11 =	vld [tilespmem:s12+$0x0];
	[tilespmem:s23+$0x1A140] =	vst v12;
	v43 =	vadd.f32 v16, v6  }
0x14e: {  	s12 =	sor.u32 $0x61D0, s23;
	v12 =	vld [tilespmem:s7+$0x0];
	[tilespmem:s23+$0x1A150] =	vst v42;
	v15 =	vadd.f32 v41, v7;
	s7 =	sshrl.u32 s17, $0x3  }
0x14f: {  	v13 =	vld [tilespmem:s12+$0x0];
	[tilespmem:s23+$0x1A160] =	vst v43;
	s12 =	sor.u32 $0x61E0, s23;
	s7 =	sor.u32 $0x1, s7  }
0x150: {  	s4 =	sor.u32 $0x6170, s23;
	v14 =	vld [tilespmem:s12+$0x0];
	[tilespmem:s23+$0x1A0F0] =	vst v15;
	s12 =	sshll.u32 s7, $0x8  }
0x151: {  	s7 =	sshll.u32 s7, $0x9;
	v15 =	vld [tilespmem:s4+$0x0];
	s4 =	sand.u32 $0x3FFFFF00, s12  }
0x152: {  	s12 =	sor.u32 $0x4000, s7;
	v44 =	vld [tilespmem:s4+$0x11000]  }
0x153: {  	v17 =	vld [tilespmem:s12+$0x0]  }
0x154: {  	v18 =	vld [tilespmem:s4+$0x11010]  }
0x155: {  	v20 =	vld [tilespmem:s4+$0x11020]  }
0x156: {  	v22 =	vld [tilespmem:s4+$0x11030]  }
0x157: {  	v24 =	vld [tilespmem:s4+$0x11040]  }
0x158: {  	v26 =	vld [tilespmem:s4+$0x11050]  }
0x159: {  	s12 =	sor.u32 $0x4010, s7;
	v29 =	vld [tilespmem:s4+$0x11060]  }
0x15a: {  	v19 =	vld [tilespmem:s12+$0x0];
	s12 =	sor.u32 $0x4020, s7  }
0x15b: {  	v21 =	vld [tilespmem:s12+$0x0];
	s12 =	sor.u32 $0x4030, s7  }
0x15c: {  	v23 =	vld [tilespmem:s12+$0x0];
	s12 =	sor.u32 $0x4040, s7  }
0x15d: {  	v25 =	vld [tilespmem:s12+$0x0];
	s12 =	sor.u32 $0x4050, s7;
	v15 =	vadd.f32 v15, v7  }
0x15e: {  	v27 =	vld [tilespmem:s12+$0x0];
	s12 =	sor.u32 $0x4060, s7;
	v17 =	vadd.f32 v17, v44  }
0x15f: {  	v28 =	vld [tilespmem:s12+$0x0];
	[tilespmem:s23+$0x1A170] =	vst v15;
	s12 =	sor.u32 $0x61F0, s23;
	v19 =	vadd.f32 v19, v18  }
0x160: {  	v15 =	vld [tilespmem:s12+$0x0];
	[tilespmem:s7+$0x18000] =	vst v17;
	s12 =	sor.u32 $0x4080, s7  }
0x161: {  	v45 =	vadd.f32 v21, v20;
	v46 =	vld [tilespmem:s12+$0x0];
	[tilespmem:s7+$0x18010] =	vst v19;
	s12 =	sor.u32 $0x4090, s7  }
0x162: {  	v47 =	vadd.f32 v23, v22;
	v48 =	vld [tilespmem:s12+$0x0]  }
0x163: {  	[tilespmem:s7+$0x18020] =	vst v45;
	s12 =	sor.u32 $0x40A0, s7;
	v49 =	vadd.f32 v25, v24;
	v25 =	vld [tilespmem:s4+$0x11070]  }
0x164: {  	v50 =	vld [tilespmem:s12+$0x0];
	[tilespmem:s7+$0x18030] =	vst v47;
	s12 =	sor.u32 $0x40B0, s7;
	v51 =	vadd.f32 v27, v26  }
0x165: {  	v52 =	vld [tilespmem:s12+$0x0];
	[tilespmem:s7+$0x18040] =	vst v49;
	s12 =	sor.u32 $0x40C0, s7;
	v53 =	vadd.f32 v28, v29  }
0x166: {  	v54 =	vld [tilespmem:s12+$0x0];
	[tilespmem:s7+$0x18050] =	vst v51;
	s12 =	sor.u32 $0x40D0, s7  }
0x167: {  	v19 =	vld [tilespmem:s12+$0x0];
	[tilespmem:s7+$0x18060] =	vst v53;
	s12 =	sor.u32 $0x40E0, s7;
	v55 =	vadd.f32 v46, v44  }
0x168: {  	v56 =	vld [tilespmem:s12+$0x0];
	s12 =	sor.u32 $0x4070, s7;
	v23 =	vadd.f32 v48, v18  }
0x169: {  	v30 =	vld [tilespmem:s12+$0x0];
	[tilespmem:s7+$0x18080] =	vst v55;
	s12 =	sor.u32 $0x4100, s7;
	v57 =	vadd.f32 v50, v20  }
0x16a: {  	[tilespmem:s7+$0x18090] =	vst v23;
	v58 =	vld [tilespmem:s12+$0x0];
	s12 =	sor.u32 $0x4110, s7;
	v27 =	vadd.f32 v52, v22  }
0x16b: {  	[tilespmem:s7+$0x180A0] =	vst v57;
	v59 =	vld [tilespmem:s12+$0x0];
	s12 =	sor.u32 $0x4120, s7;
	v28 =	vadd.f32 v54, v24  }
0x16c: {  	[tilespmem:s7+$0x180B0] =	vst v27;
	v60 =	vld [tilespmem:s12+$0x0];
	s12 =	sor.u32 $0x4130, s7;
	v19 =	vadd.f32 v19, v26  }
0x16d: {  	[tilespmem:s7+$0x180C0] =	vst v28;
	v61 =	vld [tilespmem:s12+$0x0];
	s12 =	sor.u32 $0x4140, s7;
	v21 =	vadd.f32 v56, v29  }
0x16e: {  	[tilespmem:s7+$0x180D0] =	vst v19;
	v62 =	vld [tilespmem:s12+$0x0];
	s12 =	sor.u32 $0x4150, s7;
	v30 =	vadd.f32 v30, v25  }
0x16f: {  	v23 =	vadd.f32 v58, v44;
	[tilespmem:s7+$0x180E0] =	vst v21;
	v63 =	vld [tilespmem:s12+$0x0];
	s12 =	sor.u32 $0x4160, s7  }
0x170: {  	v17 =	vadd.f32 v59, v18;
	[tilespmem:s7+$0x18070] =	vst v30;
	v33 =	vld [tilespmem:s12+$0x0];
	s12 =	sor.u32 $0x40F0, s7  }
0x171: {  	[tilespmem:s7+$0x18100] =	vst v23;
	v34 =	vld [tilespmem:s12+$0x0];
	s12 =	sor.u32 $0x4180, s7;
	v27 =	vadd.f32 v60, v20  }
0x172: {  	[tilespmem:s7+$0x18110] =	vst v17;
	v35 =	vld [tilespmem:s12+$0x0];
	s12 =	sor.u32 $0x4190, s7;
	v28 =	vadd.f32 v61, v22  }
0x173: {  	[tilespmem:s7+$0x18120] =	vst v27;
	v36 =	vld [tilespmem:s12+$0x0];
	s12 =	sor.u32 $0x41A0, s7;
	v19 =	vadd.f32 v62, v24  }
0x174: {  	[tilespmem:s7+$0x18130] =	vst v28;
	v37 =	vld [tilespmem:s12+$0x0];
	s12 =	sor.u32 $0x41B0, s7;
	v21 =	vadd.f32 v63, v26  }
0x175: {  	[tilespmem:s7+$0x18140] =	vst v19;
	v38 =	vld [tilespmem:s12+$0x0];
	s12 =	sor.u32 $0x41C0, s7;
	v30 =	vadd.f32 v33, v29  }
0x176: {  	[tilespmem:s7+$0x18150] =	vst v21;
	v39 =	vld [tilespmem:s12+$0x0];
	s12 =	sor.u32 $0x41D0, s7;
	v23 =	vadd.f32 v34, v25  }
0x177: {  	v16 =	vadd.f32 v35, v44;
	[tilespmem:s7+$0x18160] =	vst v30;
	v40 =	vld [tilespmem:s12+$0x0];
	s12 =	sor.u32 $0x41E0, s7  }
0x178: {  	v18 =	vadd.f32 v36, v18;
	[tilespmem:s7+$0x180F0] =	vst v23;
	v41 =	vld [tilespmem:s12+$0x0];
	s12 =	sor.u32 $0x4170, s7  }
0x179: {  	[tilespmem:s7+$0x18180] =	vst v16;
	v42 =	vadd.f32 v37, v20;
	v43 =	vld [tilespmem:s12+$0x0];
	s12 =	sor.u32 $0x6000, s7  }
0x17a: {  	[tilespmem:s7+$0x18190] =	vst v18;
	v44 =	vadd.f32 v38, v22;
	v45 =	vld [tilespmem:s12+$0x0];
	s12 =	sor.u32 $0x6010, s7  }
0x17b: {  	[tilespmem:s7+$0x181A0] =	vst v42;
	v46 =	vadd.f32 v39, v24;
	v47 =	vld [tilespmem:s12+$0x0];
	s12 =	sor.u32 $0x6020, s7  }
0x17c: {  	[tilespmem:s7+$0x181B0] =	vst v44;
	v17 =	vadd.f32 v40, v26;
	v48 =	vld [tilespmem:s12+$0x0];
	s12 =	sor.u32 $0x6030, s7  }
0x17d: {  	[tilespmem:s7+$0x181C0] =	vst v46;
	v49 =	vadd.f32 v41, v29;
	v50 =	vld [tilespmem:s12+$0x0];
	s12 =	sor.u32 $0x6040, s7  }
0x17e: {  	[tilespmem:s7+$0x181D0] =	vst v17;
	v51 =	vld [tilespmem:s12+$0x0];
	s12 =	sor.u32 $0x6050, s7;
	v20 =	vadd.f32 v43, v25  }
0x17f: {  	v0 =	vadd.f32 v9, v0;
	[tilespmem:s7+$0x181E0] =	vst v49;
	v52 =	vld [tilespmem:s12+$0x0];
	s12 =	sor.u32 $0x6060, s7  }
0x180: {  	v1 =	vadd.f32 v10, v1;
	v53 =	vld [tilespmem:s12+$0x0];
	[tilespmem:s7+$0x18170] =	vst v20;
	s12 =	sor.u32 $0x41F0, s7  }
0x181: {  	[tilespmem:s23+$0x1A180] =	vst v0;
	v55 =	vadd.f32 v8, v2;
	v54 =	vld [tilespmem:s12+$0x0]  }
0x182: {  	[tilespmem:s23+$0x1A190] =	vst v1;
	v56 =	vadd.f32 v11, v3;
	v57 =	vld [tilespmem:s4+$0x11080]  }
0x183: {  	[tilespmem:s23+$0x1A1A0] =	vst v55;
	v58 =	vadd.f32 v12, v4;
	v59 =	vld [tilespmem:s4+$0x11090]  }
0x184: {  	[tilespmem:s23+$0x1A1B0] =	vst v56;
	v60 =	vadd.f32 v13, v5;
	v61 =	vld [tilespmem:s4+$0x110A0]  }
0x185: {  	[tilespmem:s23+$0x1A1C0] =	vst v58;
	v62 =	vadd.f32 v14, v6;
	v63 =	vld [tilespmem:s4+$0x110B0]  }
0x186: {  	[tilespmem:s23+$0x1A1D0] =	vst v60;
	v24 =	vld [tilespmem:s4+$0x110D0];
	v16 =	vadd.f32 v54, v25  }
0x187: {  	[tilespmem:s23+$0x1A1E0] =	vst v62;
	v23 =	vadd.f32 v15, v7;
	v20 =	vld [tilespmem:s4+$0x110C0]  }
0x188: {  	v26 =	vld [tilespmem:s4+$0x110E0];
	v25 =	vadd.f32 v45, v57;
	[tilespmem:s7+$0x181F0] =	vst v16  }
0x189: {  	[tilespmem:s23+$0x1A1F0] =	vst v23;
	v27 =	vadd.f32 v47, v59;
	s12 =	sor.u32 $0x6070, s7;
	v28 =	vld [tilespmem:s4+$0x110F0]  }
0x18a: {  	s23 =	sor.u32 $0x6080, s7;
	v29 =	vadd.f32 v48, v61;
	[tilespmem:s7+$0x1A000] =	vst v25;
	v30 =	vld [tilespmem:s12+$0x0]  }
0x18b: {  	[tilespmem:s7+$0x1A010] =	vst v27;
	v32 =	vadd.f32 v50, v63;
	v31 =	vld [tilespmem:s23+$0x0];
	s12 =	sor.u32 $0x6090, s7  }
0x18c: {  	[tilespmem:s7+$0x1A020] =	vst v29;
	v34 =	vadd.f32 v51, v20;
	s23 =	sor.u32 $0x60A0, s7;
	v33 =	vld [tilespmem:s12+$0x0]  }
0x18d: {  	[tilespmem:s7+$0x1A030] =	vst v32;
	v9 =	vadd.f32 v52, v24;
	v35 =	vld [tilespmem:s23+$0x0];
	s12 =	sor.u32 $0x60B0, s7  }
0x18e: {  	v10 =	vadd.f32 v53, v26;
	[tilespmem:s7+$0x1A040] =	vst v34;
	s23 =	sor.u32 $0x60C0, s7;
	v36 =	vld [tilespmem:s12+$0x0]  }
0x18f: {  	[tilespmem:s7+$0x1A050] =	vst v9;
	v37 =	vld [tilespmem:s23+$0x0];
	s12 =	sor.u32 $0x60D0, s7;
	v12 =	vadd.f32 v30, v28  }
0x190: {  	[tilespmem:s7+$0x1A060] =	vst v10;
	s23 =	sor.u32 $0x60E0, s7;
	v38 =	vld [tilespmem:s12+$0x0];
	v0 =	vadd.f32 v31, v57  }
0x191: {  	v39 =	vld [tilespmem:s23+$0x0];
	s12 =	sor.u32 $0x60F0, s7;
	v8 =	vadd.f32 v33, v59;
	[tilespmem:s7+$0x1A070] =	vst v12  }
0x192: {  	s23 =	sor.u32 $0x6100, s7;
	v40 =	vadd.f32 v35, v61;
	[tilespmem:s7+$0x1A080] =	vst v0;
	v41 =	vld [tilespmem:s12+$0x0]  }
0x193: {  	v14 =	vadd.f32 v36, v63;
	[tilespmem:s7+$0x1A090] =	vst v8;
	v42 =	vld [tilespmem:s23+$0x0];
	s12 =	sor.u32 $0x6110, s7  }
0x194: {  	v9 =	vadd.f32 v37, v20;
	[tilespmem:s7+$0x1A0A0] =	vst v40;
	s23 =	sor.u32 $0x6120, s7;
	v43 =	vld [tilespmem:s12+$0x0]  }
0x195: {  	v10 =	vadd.f32 v38, v24;
	[tilespmem:s7+$0x1A0B0] =	vst v14;
	v44 =	vld [tilespmem:s23+$0x0];
	s12 =	sor.u32 $0x6130, s7  }
0x196: {  	v12 =	vadd.f32 v39, v26;
	[tilespmem:s7+$0x1A0C0] =	vst v9;
	s23 =	sor.u32 $0x6140, s7;
	v45 =	vld [tilespmem:s12+$0x0]  }
0x197: {  	[tilespmem:s7+$0x1A0D0] =	vst v10;
	v46 =	vld [tilespmem:s23+$0x0];
	s12 =	sor.u32 $0x6150, s7;
	v13 =	vadd.f32 v41, v28  }
0x198: {  	[tilespmem:s7+$0x1A0E0] =	vst v12;
	s23 =	sor.u32 $0x6160, s7;
	v47 =	vld [tilespmem:s12+$0x0];
	v8 =	vadd.f32 v42, v57  }
0x199: {  	v48 =	vld [tilespmem:s23+$0x0];
	s12 =	sor.u32 $0x6170, s7;
	v0 =	vadd.f32 v43, v59;
	[tilespmem:s7+$0x1A0F0] =	vst v13  }
0x19a: {  	s23 =	sor.u32 $0x6180, s7;
	v49 =	vadd.f32 v44, v61;
	[tilespmem:s7+$0x1A100] =	vst v8;
	v50 =	vld [tilespmem:s12+$0x0]  }
0x19b: {  	v9 =	vadd.f32 v45, v63;
	[tilespmem:s7+$0x1A110] =	vst v0;
	v51 =	vld [tilespmem:s23+$0x0];
	s12 =	sor.u32 $0x6190, s7  }
0x19c: {  	v10 =	vadd.f32 v46, v20;
	[tilespmem:s7+$0x1A120] =	vst v49;
	s23 =	sor.u32 $0x61A0, s7;
	v52 =	vld [tilespmem:s12+$0x0]  }
0x19d: {  	v12 =	vadd.f32 v47, v24;
	[tilespmem:s7+$0x1A130] =	vst v9;
	v53 =	vld [tilespmem:s23+$0x0];
	s12 =	sor.u32 $0x61B0, s7  }
0x19e: {  	v13 =	vadd.f32 v48, v26;
	[tilespmem:s7+$0x1A140] =	vst v10;
	s23 =	sor.u32 $0x61C0, s7;
	v54 =	vld [tilespmem:s12+$0x0]  }
0x19f: {  	[tilespmem:s7+$0x1A150] =	vst v12;
	v55 =	vld [tilespmem:s23+$0x0];
	s12 =	sor.u32 $0x61D0, s7;
	v14 =	vadd.f32 v50, v28  }
0x1a0: {  	[tilespmem:s7+$0x1A160] =	vst v13;
	s23 =	sor.u32 $0x61E0, s7;
	v56 =	vld [tilespmem:s12+$0x0];
	v0 =	vadd.f32 v51, v57  }
0x1a1: {  	s12 =	sor.u32 $0x61F0, s7;
	v57 =	vld [tilespmem:s23+$0x0];
	v3 =	vadd.f32 v52, v59;
	[tilespmem:s7+$0x1A170] =	vst v14  }
0x1a2: {  	v58 =	vadd.f32 v53, v61;
	[tilespmem:s7+$0x1A180] =	vst v0;
	v59 =	vld [tilespmem:s12+$0x0]  }
0x1a3: {  	v60 =	vadd.f32 v54, v63;
	[tilespmem:s7+$0x1A190] =	vst v3  }
0x1a4: {  	p1 =	slt.u32 s17, $0x70;
	v61 =	vadd.f32 v55, v20;
	[tilespmem:s7+$0x1A1A0] =	vst v58  }
.Ltmp3:
0x1a5: {  	v2 =	vadd.f32 v56, v24;
	[tilespmem:s7+$0x1A1B0] =	vst v60;
	(pc) =	sbr.rel @p1 .LBB2_5-.Ltmp3, $4  }
0x1a6: {  	[tilespmem:s7+$0x1A1C0] =	vst v61;
	v62 =	vadd.f32 v57, v26  }
0x1a7: {  	[tilespmem:s7+$0x1A1D0] =	vst v2;
	v63 =	vadd.f32 v59, v28  }
0x1a8: {  	s23 =	sadd.s32 $0x10, s17;
	[tilespmem:s7+$0x1A1E0] =	vst v62  }
0x1a9: {  	s17 =	smov.u32 s23;
	[tilespmem:s7+$0x1A1F0] =	vst v63  }
0x1aa: {  	s4 =	sadd.s32 s16, s6  }
0x1ab: {  	s4 =	sshll.u32 s4, $0xA  }
0x1ac: {  	s17 =	sadd.s32 s2, s4  }
0x1ad: {  	s4 =	sadd.s32 $0x800, s17  }
0x1ae: {  	[hbm4b:s4+s5] =	stream.linear.scatter [tilespmem:s30], [sflag:$0x6], $0x4000, $0x38;
	[tilespmem:$0x1C000] =	vst v63  }
0x1af: {  	s4 =	sadd.s32 @!p0 s16, s20  }
0x1b0: {  	s12 =	simm.s32 @!p0 $0x0;
	s7 =	sshll.u32 @!p0 s4, $0xA;
	s4 =	sshll.u32 @!p0 s4, $0x8  }
0x1b1: {  	s23 =	simm.s32 @!p0 $0x4000;
	s7 =	sadd.s32 @!p0 s1, s7;
	s4 =	sand.u32 @!p0 $0x3FF800, s4  }
0x1b2: {  	[tilespmem:s23], [sflag:$0x2] =	stream.linear.gather @!p0 [hbm4b:s7+s12], $0x4000, $0x38;
	[tilespmem:$0x1C000] =	vst v63  }
0x1b3: {  	s4 =	sadd.s32 @!p0 s4, s8  }
0x1b4: {  	s7 =	simm.s32 @!p0 $0x100;
	s12 =	simm.s32 @!p0 $0x400;
	s23 =	simm.s32 @!p0 $0x11000  }
0x1b5: {  	[tilespmem:s23], [sflag:$0x2] =	stream.strided.gather @!p0 [hbm4b:s4+s7], $0x1000, s12, s7, $0x38;
	[tilespmem:$0x1C000] =	vst v63  }
0x1b6: {  	_ =	swait.ge [sflag:s31], $0x4000  }
0x1b7: {  	[sflag:s31] =	ssyncset.done $0x0  }
0x1b8: {  	[sflag:s31] =	ssyncadd.s32 $0xFFFFC000  }
0x1b9: {  	_ =	swait.ge [sflag:s9], $0x4000  }
0x1ba: {  	[sflag:s9] =	ssyncset.done $0x0  }
0x1bb: {  	[sflag:s9] =	ssyncadd.s32 $0xFFFFC000  }
0x1bc: {  	_ =	swait.ge [sflag:s9], $0x1000  }
0x1bd: {  	[sflag:s9] =	ssyncset.done $0x0  }
0x1be: {  	s23 =	simm.s32 $0x0;
	[sflag:s9] =	ssyncadd.s32 $0xFFFFF000  }
.LBB2_7:
0x1bf: {  	s7 =	sshll.u32 s23, $0x6  }
0x1c0: {  	v1 =	vld [tilespmem:s7+$0x8000]  }
0x1c1: {  	v2 =	vld [tilespmem:s7+$0x8080]  }
0x1c2: {  	v3 =	vld [tilespmem:s7+$0x8100]  }
0x1c3: {  	v4 =	vld [tilespmem:s7+$0x8180]  }
0x1c4: {  	v6 =	vld [tilespmem:s7+$0x8010]  }
0x1c5: {  	v7 =	vld [tilespmem:s7+$0x8090]  }
0x1c6: {  	v39 =	vld [tilespmem:s7+$0x8110]  }
0x1c7: {  	v40 =	vld [tilespmem:s7+$0x8190]  }
0x1c8: {  	v43 =	vld [tilespmem:s7+$0xA000]  }
0x1c9: {  	v45 =	vld [tilespmem:s7+$0xA080]  }
0x1ca: {  	v46 =	vld [tilespmem:s7+$0xA100]  }
0x1cb: {  	v47 =	vld [tilespmem:s7+$0xA180]  }
0x1cc: {  	v9 =	vld [tilespmem:s7+$0x8020]  }
0x1cd: {  	v10 =	vld [tilespmem:s7+$0x80A0]  }
0x1ce: {  	v11 =	vld [tilespmem:s7+$0x8120]  }
0x1cf: {  	v12 =	vld [tilespmem:s7+$0x81A0]  }
0x1d0: {  	v14 =	vld [tilespmem:s7+$0x8030]  }
0x1d1: {  	v15 =	vld [tilespmem:s7+$0x80B0]  }
0x1d2: {  	v49 =	vld [tilespmem:s7+$0x8130]  }
0x1d3: {  	v50 =	vld [tilespmem:s7+$0x81B0]  }
0x1d4: {  	v51 =	vld [tilespmem:s7+$0xA110]  }
0x1d5: {  	v52 =	vld [tilespmem:s7+$0xA190]  }
0x1d6: {  	v16 =	vld [tilespmem:s7+$0xA020]  }
0x1d7: {  	v56 =	vld [tilespmem:s7+$0xA0A0]  }
0x1d8: {  	v57 =	vld [tilespmem:s7+$0xA120]  }
0x1d9: {  	v58 =	vld [tilespmem:s7+$0xA1A0]  }
0x1da: {  	v59 =	vld [tilespmem:s7+$0xA030]  }
0x1db: {  	v17 =	vld [tilespmem:s7+$0xA0B0]  }
0x1dc: {  	v19 =	vld [tilespmem:s7+$0x8040]  }
0x1dd: {  	v20 =	vld [tilespmem:s7+$0x80C0]  }
0x1de: {  	s4 =	sshll.u32 s23, $0x5;
	v21 =	vld [tilespmem:s7+$0x8140]  }
0x1df: {  	s4 =	sand.u32 $0x3FFFFFE0, s4;
	v22 =	vld [tilespmem:s7+$0x81C0]  }
0x1e0: {  	v0 =	vld [tilespmem:s4+$0x12000]  }
0x1e1: {  	v24 =	vld [tilespmem:s7+$0x8050]  }
0x1e2: {  	v25 =	vld [tilespmem:s7+$0x80D0]  }
0x1e3: {  	v61 =	vld [tilespmem:s7+$0x8150]  }
0x1e4: {  	v5 =	vld [tilespmem:s4+$0x12010]  }
0x1e5: {  	v62 =	vld [tilespmem:s7+$0x81D0];
	v1 =	vadd.f32 v1, v0  }
0x1e6: {  	v63 =	vld [tilespmem:s7+$0xA130];
	v2 =	vadd.f32 v2, v0  }
0x1e7: {  	v8 =	vld [tilespmem:s4+$0x12020];
	v38 =	vadd.f32 v3, v0;
	[tilespmem:s7+$0x14000] =	vst v1  }
0x1e8: {  	v26 =	vld [tilespmem:s7+$0xA040];
	v0 =	vadd.f32 v4, v0;
	[tilespmem:s7+$0x14080] =	vst v2  }
0x1e9: {  	v27 =	vld [tilespmem:s7+$0xA0D0];
	v41 =	vadd.f32 v6, v5;
	[tilespmem:s7+$0x14100] =	vst v38  }
0x1ea: {  	v29 =	vld [tilespmem:s7+$0x8060];
	v42 =	vadd.f32 v7, v5;
	[tilespmem:s7+$0x14180] =	vst v0  }
0x1eb: {  	v13 =	vld [tilespmem:s4+$0x12030];
	v44 =	vadd.f32 v39, v5;
	[tilespmem:s7+$0x14010] =	vst v41  }
0x1ec: {  	v30 =	vld [tilespmem:s7+$0x80E0];
	v9 =	vadd.f32 v9, v8;
	[tilespmem:s7+$0x14090] =	vst v42  }
0x1ed: {  	v31 =	vld [tilespmem:s7+$0x8160];
	v10 =	vadd.f32 v10, v8;
	[tilespmem:s7+$0x14110] =	vst v44  }
0x1ee: {  	v18 =	vld [tilespmem:s4+$0x12040];
	v48 =	vadd.f32 v11, v8;
	[tilespmem:s7+$0x14020] =	vst v9  }
0x1ef: {  	v32 =	vld [tilespmem:s7+$0x81E0];
	v8 =	vadd.f32 v12, v8;
	[tilespmem:s7+$0x140A0] =	vst v10  }
0x1f0: {  	v28 =	vld [tilespmem:s4+$0x12060];
	v53 =	vadd.f32 v14, v13;
	[tilespmem:s7+$0x14120] =	vst v48  }
0x1f1: {  	v23 =	vld [tilespmem:s4+$0x12050];
	v15 =	vadd.f32 v15, v13;
	[tilespmem:s7+$0x141A0] =	vst v8  }
0x1f2: {  	v36 =	vld [tilespmem:s4+$0x12070];
	v55 =	vadd.f32 v49, v13;
	[tilespmem:s7+$0x14030] =	vst v53  }
0x1f3: {  	v7 =	vld [tilespmem:s7+$0xA090];
	v19 =	vadd.f32 v19, v18;
	[tilespmem:s7+$0x140B0] =	vst v15  }
0x1f4: {  	v20 =	vadd.f32 v20, v18;
	v60 =	vadd.f32 v21, v18;
	v21 =	vld [tilespmem:s7+$0xA0C0];
	[tilespmem:s7+$0x14130] =	vst v55  }
0x1f5: {  	v37 =	vadd.f32 v29, v28;
	v29 =	vld [tilespmem:s7+$0xA160];
	[tilespmem:s7+$0x14040] =	vst v19  }
0x1f6: {  	v18 =	vadd.f32 v22, v18;
	v2 =	vadd.f32 v40, v5;
	v5 =	vld [tilespmem:s7+$0xA010];
	[tilespmem:s7+$0x140C0] =	vst v20  }
0x1f7: {  	v34 =	vadd.f32 v24, v23;
	v25 =	vadd.f32 v25, v23;
	[tilespmem:s7+$0x14140] =	vst v60;
	v19 =	vld [tilespmem:s7+$0xA1B0]  }
0x1f8: {  	v35 =	vadd.f32 v61, v23;
	[tilespmem:s7+$0x141C0] =	vst v18;
	v20 =	vadd.f32 v62, v23;
	v23 =	vld [tilespmem:s7+$0xA140]  }
0x1f9: {  	[tilespmem:s7+$0x14050] =	vst v34;
	v18 =	vld [tilespmem:s7+$0xA1C0]  }
0x1fa: {  	[tilespmem:s7+$0x140D0] =	vst v25;
	v25 =	vld [tilespmem:s7+$0xA050]  }
0x1fb: {  	v39 =	vadd.f32 v30, v28;
	[tilespmem:s7+$0x14150] =	vst v35;
	v1 =	vld [tilespmem:s4+$0x12080]  }
0x1fc: {  	v38 =	vld [tilespmem:s7+$0x8070];
	[tilespmem:s7+$0x14060] =	vst v37  }
0x1fd: {  	v10 =	vadd.f32 v50, v13;
	v40 =	vld [tilespmem:s7+$0x80F0];
	[tilespmem:s7+$0x140E0] =	vst v39  }
0x1fe: {  	v42 =	vld [tilespmem:s7+$0x8170];
	[tilespmem:s7+$0x14190] =	vst v2  }
0x1ff: {  	v41 =	vadd.f32 v31, v28;
	v44 =	vld [tilespmem:s7+$0x81F0];
	[tilespmem:s7+$0x141B0] =	vst v10  }
0x200: {  	v9 =	vld [tilespmem:s7+$0xA0F0];
	[tilespmem:s7+$0x141D0] =	vst v20;
	v6 =	vadd.f32 v43, v1  }
0x201: {  	v34 =	vld [tilespmem:s7+$0xA170];
	[tilespmem:s7+$0x14160] =	vst v41;
	v3 =	vadd.f32 v45, v1  }
0x202: {  	v35 =	vld [tilespmem:s7+$0xA1F0];
	v4 =	vadd.f32 v46, v1;
	[tilespmem:s7+$0x16000] =	vst v6  }
0x203: {  	v54 =	vld [tilespmem:s4+$0x120A0];
	v43 =	vadd.f32 v32, v28;
	[tilespmem:s7+$0x16080] =	vst v3  }
0x204: {  	v24 =	vld [tilespmem:s4+$0x120C0];
	v0 =	vadd.f32 v47, v1;
	[tilespmem:s7+$0x16100] =	vst v4  }
0x205: {  	v2 =	vld [tilespmem:s4+$0x12090];
	v45 =	vadd.f32 v38, v36;
	[tilespmem:s7+$0x141E0] =	vst v43  }
0x206: {  	v10 =	vld [tilespmem:s4+$0x120B0];
	v46 =	vadd.f32 v40, v36;
	[tilespmem:s7+$0x16180] =	vst v0  }
0x207: {  	v20 =	vld [tilespmem:s4+$0x120D0];
	v47 =	vadd.f32 v42, v36;
	[tilespmem:s7+$0x14070] =	vst v45  }
0x208: {  	v1 =	vld [tilespmem:s7+$0xA150];
	v49 =	vadd.f32 v16, v54;
	[tilespmem:s7+$0x140F0] =	vst v46  }
0x209: {  	v28 =	vld [tilespmem:s7+$0xA0E0];
	v50 =	vadd.f32 v56, v54;
	[tilespmem:s7+$0x14170] =	vst v47  }
0x20a: {  	v39 =	vadd.f32 v26, v24;
	v3 =	vld [tilespmem:s7+$0xA1D0];
	[tilespmem:s7+$0x16020] =	vst v49  }
0x20b: {  	v4 =	vld [tilespmem:s7+$0xA060];
	v6 =	vadd.f32 v44, v36;
	[tilespmem:s7+$0x160A0] =	vst v50  }
0x20c: {  	v7 =	vadd.f32 v7, v2;
	[tilespmem:s7+$0x16040] =	vst v39;
	v0 =	vld [tilespmem:s4+$0x120E0]  }
0x20d: {  	s12 =	sshrl.u32 s23, $0x3;
	v41 =	vadd.f32 v21, v24;
	[tilespmem:s7+$0x141F0] =	vst v6;
	v6 =	vld [tilespmem:s7+$0xA1E0]  }
0x20e: {  	s12 =	sor.u32 $0x1, s12;
	v42 =	vadd.f32 v23, v24;
	[tilespmem:s7+$0x16090] =	vst v7;
	v7 =	vld [tilespmem:s7+$0xA070]  }
0x20f: {  	v5 =	vadd.f32 v5, v2;
	[tilespmem:s7+$0x160C0] =	vst v41;
	v12 =	vld [tilespmem:s4+$0x120F0];
	s4 =	sshll.u32 s12, $0x8;
	s12 =	sshll.u32 s12, $0x9  }
0x210: {  	v48 =	vadd.f32 v51, v2;
	[tilespmem:s7+$0x16140] =	vst v42;
	v53 =	vld [tilespmem:s12+$0x8000]  }
0x211: {  	v2 =	vadd.f32 v52, v2;
	[tilespmem:s7+$0x16010] =	vst v5;
	v55 =	vld [tilespmem:s12+$0x8080]  }
0x212: {  	v52 =	vadd.f32 v57, v54;
	[tilespmem:s7+$0x16110] =	vst v48;
	v57 =	vld [tilespmem:s12+$0x8100]  }
0x213: {  	v54 =	vadd.f32 v58, v54;
	v56 =	vadd.f32 v59, v10;
	[tilespmem:s7+$0x16190] =	vst v2;
	v59 =	vld [tilespmem:s12+$0x8180]  }
0x214: {  	v60 =	vadd.f32 v63, v10;
	[tilespmem:s7+$0x16120] =	vst v52;
	v63 =	vld [tilespmem:s12+$0x8010]  }
0x215: {  	v58 =	vadd.f32 v17, v10;
	[tilespmem:s7+$0x161A0] =	vst v54;
	v22 =	vld [tilespmem:s12+$0x8090]  }
0x216: {  	[tilespmem:s7+$0x16030] =	vst v56;
	v31 =	vld [tilespmem:s12+$0x8110]  }
0x217: {  	v10 =	vadd.f32 v19, v10;
	[tilespmem:s7+$0x160B0] =	vst v58;
	v33 =	vld [tilespmem:s12+$0x8190]  }
0x218: {  	v43 =	vadd.f32 v18, v24;
	[tilespmem:s7+$0x16130] =	vst v60;
	v36 =	vld [tilespmem:s12+$0xA000]  }
0x219: {  	v45 =	vadd.f32 v25, v20;
	[tilespmem:s7+$0x161B0] =	vst v10;
	v38 =	vld [tilespmem:s12+$0xA080]  }
0x21a: {  	v46 =	vadd.f32 v27, v20;
	[tilespmem:s7+$0x161C0] =	vst v43;
	v40 =	vld [tilespmem:s12+$0xA100]  }
0x21b: {  	[tilespmem:s7+$0x16050] =	vst v45;
	v1 =	vadd.f32 v1, v20;
	v44 =	vld [tilespmem:s12+$0xA010]  }
0x21c: {  	[tilespmem:s7+$0x160D0] =	vst v46;
	v19 =	vld [tilespmem:s12+$0xA090];
	v3 =	vadd.f32 v3, v20  }
0x21d: {  	v48 =	vld [tilespmem:s12+$0x8020];
	[tilespmem:s7+$0x16150] =	vst v1;
	v50 =	vadd.f32 v4, v0  }
0x21e: {  	v49 =	vld [tilespmem:s12+$0x80A0];
	v52 =	vadd.f32 v28, v0;
	[tilespmem:s7+$0x161D0] =	vst v3  }
0x21f: {  	s4 =	sand.u32 $0x3FFFFF00, s4;
	v24 =	vld [tilespmem:s12+$0xA110];
	v54 =	vadd.f32 v29, v0;
	[tilespmem:s7+$0x16060] =	vst v50  }
0x220: {  	v51 =	vld [tilespmem:s4+$0x12000];
	v0 =	vadd.f32 v6, v0;
	[tilespmem:s7+$0x160E0] =	vst v52  }
0x221: {  	v25 =	vld [tilespmem:s12+$0xA190];
	[tilespmem:s7+$0x16160] =	vst v54;
	v7 =	vadd.f32 v7, v12  }
0x222: {  	v41 =	vld [tilespmem:s12+$0x8040];
	v9 =	vadd.f32 v9, v12;
	[tilespmem:s7+$0x161E0] =	vst v0  }
0x223: {  	v43 =	vld [tilespmem:s12+$0x80C0];
	v2 =	vadd.f32 v34, v12;
	[tilespmem:s7+$0x16070] =	vst v7  }
0x224: {  	v61 =	vld [tilespmem:s4+$0x12010];
	v5 =	vadd.f32 v35, v12;
	[tilespmem:s7+$0x160F0] =	vst v9  }
0x225: {  	v45 =	vld [tilespmem:s12+$0x8140];
	v62 =	vadd.f32 v53, v51;
	[tilespmem:s7+$0x16170] =	vst v2  }
0x226: {  	v21 =	vld [tilespmem:s12+$0xA0D0];
	v17 =	vadd.f32 v55, v51;
	[tilespmem:s7+$0x161F0] =	vst v5  }
0x227: {  	v47 =	vld [tilespmem:s4+$0x12020];
	v30 =	vadd.f32 v57, v51;
	[tilespmem:s12+$0x14000] =	vst v62  }
0x228: {  	v39 =	vld [tilespmem:s4+$0x12040];
	v32 =	vadd.f32 v59, v51;
	[tilespmem:s12+$0x14080] =	vst v17  }
0x229: {  	v23 =	vld [tilespmem:s4+$0x12060];
	v13 =	vadd.f32 v63, v61;
	[tilespmem:s12+$0x14100] =	vst v30  }
0x22a: {  	v29 =	vld [tilespmem:s12+$0xA020];
	v8 =	vadd.f32 v22, v61;
	[tilespmem:s12+$0x14180] =	vst v32  }
0x22b: {  	v35 =	vld [tilespmem:s12+$0xA030];
	v14 =	vadd.f32 v31, v61;
	[tilespmem:s12+$0x14010] =	vst v13  }
0x22c: {  	v37 =	vadd.f32 v33, v61;
	v51 =	vld [tilespmem:s12+$0x8120];
	[tilespmem:s12+$0x14090] =	vst v8  }
0x22d: {  	v53 =	vld [tilespmem:s12+$0x81A0];
	v56 =	vadd.f32 v48, v47;
	[tilespmem:s12+$0x14110] =	vst v14  }
0x22e: {  	v55 =	vld [tilespmem:s4+$0x12030];
	v58 =	vadd.f32 v49, v47;
	[tilespmem:s12+$0x14190] =	vst v37  }
0x22f: {  	v57 =	vld [tilespmem:s12+$0x8030];
	v50 =	vadd.f32 v41, v39;
	[tilespmem:s12+$0x14020] =	vst v56  }
0x230: {  	v59 =	vld [tilespmem:s12+$0x80B0];
	v52 =	vadd.f32 v43, v39;
	[tilespmem:s12+$0x140A0] =	vst v58  }
0x231: {  	v61 =	vld [tilespmem:s12+$0x8130];
	v54 =	vadd.f32 v45, v39;
	[tilespmem:s12+$0x14040] =	vst v50  }
0x232: {  	v63 =	vld [tilespmem:s12+$0x81B0];
	[tilespmem:s12+$0x140C0] =	vst v52;
	v60 =	vadd.f32 v51, v47  }
0x233: {  	[tilespmem:s12+$0x14140] =	vst v54;
	v10 =	vld [tilespmem:s4+$0x12080];
	v62 =	vadd.f32 v53, v47  }
0x234: {  	v31 =	vld [tilespmem:s12+$0xA0A0];
	v26 =	vadd.f32 v57, v55;
	[tilespmem:s12+$0x14120] =	vst v60  }
0x235: {  	v33 =	vld [tilespmem:s12+$0xA1A0];
	v28 =	vadd.f32 v59, v55;
	[tilespmem:s12+$0x141A0] =	vst v62  }
0x236: {  	v8 =	vld [tilespmem:s12+$0xA180];
	v4 =	vadd.f32 v61, v55;
	[tilespmem:s12+$0x14030] =	vst v26  }
0x237: {  	v17 =	vld [tilespmem:s4+$0x12090];
	v30 =	vadd.f32 v63, v55;
	[tilespmem:s12+$0x140B0] =	vst v28  }
0x238: {  	v49 =	vld [tilespmem:s4+$0x12050];
	[tilespmem:s12+$0x14130] =	vst v4;
	v36 =	vadd.f32 v36, v10  }
0x239: {  	v41 =	vld [tilespmem:s12+$0xA150];
	[tilespmem:s12+$0x141B0] =	vst v30;
	v38 =	vadd.f32 v38, v10  }
0x23a: {  	v32 =	vld [tilespmem:s12+$0xA120];
	v40 =	vadd.f32 v40, v10;
	[tilespmem:s12+$0x16000] =	vst v36  }
0x23b: {  	v47 =	vld [tilespmem:s12+$0x81C0];
	v42 =	vadd.f32 v8, v10;
	[tilespmem:s12+$0x16080] =	vst v38  }
0x23c: {  	v51 =	vld [tilespmem:s12+$0x8050];
	v44 =	vadd.f32 v44, v17;
	[tilespmem:s12+$0x16100] =	vst v40  }
0x23d: {  	v53 =	vld [tilespmem:s12+$0x80D0];
	v46 =	vadd.f32 v19, v17;
	[tilespmem:s12+$0x16180] =	vst v42  }
0x23e: {  	v55 =	vld [tilespmem:s12+$0x8150];
	v48 =	vadd.f32 v24, v17;
	[tilespmem:s12+$0x16010] =	vst v44  }
0x23f: {  	v57 =	vld [tilespmem:s12+$0x81D0];
	v1 =	vadd.f32 v25, v17;
	[tilespmem:s12+$0x16090] =	vst v46  }
0x240: {  	v27 =	vld [tilespmem:s4+$0x120A0];
	[tilespmem:s12+$0x16110] =	vst v48;
	v56 =	vadd.f32 v47, v39  }
0x241: {  	v37 =	vld [tilespmem:s12+$0xA0B0];
	v13 =	vadd.f32 v51, v49;
	[tilespmem:s12+$0x16190] =	vst v1  }
0x242: {  	v58 =	vld [tilespmem:s12+$0xA130];
	v8 =	vadd.f32 v53, v49;
	[tilespmem:s12+$0x141C0] =	vst v56  }
0x243: {  	v59 =	vld [tilespmem:s12+$0xA1B0];
	v10 =	vadd.f32 v55, v49;
	[tilespmem:s12+$0x14050] =	vst v13  }
0x244: {  	v34 =	vld [tilespmem:s4+$0x120B0];
	v3 =	vadd.f32 v57, v49;
	[tilespmem:s12+$0x140D0] =	vst v8  }
0x245: {  	v61 =	vld [tilespmem:s12+$0xA040];
	[tilespmem:s12+$0x14150] =	vst v10;
	v6 =	vadd.f32 v29, v27  }
0x246: {  	v63 =	vld [tilespmem:s12+$0xA140];
	[tilespmem:s12+$0x141D0] =	vst v3;
	v16 =	vadd.f32 v31, v27  }
0x247: {  	v62 =	vld [tilespmem:s12+$0xA0C0];
	v4 =	vadd.f32 v32, v27;
	[tilespmem:s12+$0x16020] =	vst v6  }
0x248: {  	v25 =	vld [tilespmem:s12+$0x8060];
	v0 =	vadd.f32 v33, v27;
	[tilespmem:s12+$0x160A0] =	vst v16  }
0x249: {  	v60 =	vld [tilespmem:s4+$0x120C0];
	v20 =	vadd.f32 v35, v34;
	[tilespmem:s12+$0x16120] =	vst v4  }
0x24a: {  	v17 =	vld [tilespmem:s12+$0xA1C0];
	v22 =	vadd.f32 v37, v34;
	[tilespmem:s12+$0x161A0] =	vst v0  }
0x24b: {  	v19 =	vld [tilespmem:s12+$0xA050];
	v24 =	vadd.f32 v58, v34;
	[tilespmem:s12+$0x16030] =	vst v20  }
0x24c: {  	v26 =	vadd.f32 v59, v34;
	v27 =	vld [tilespmem:s12+$0x80E0];
	[tilespmem:s12+$0x160B0] =	vst v22  }
0x24d: {  	v29 =	vld [tilespmem:s12+$0x8160];
	v34 =	vadd.f32 v25, v23;
	[tilespmem:s12+$0x16130] =	vst v24  }
0x24e: {  	v31 =	vld [tilespmem:s12+$0x81E0];
	[tilespmem:s12+$0x161B0] =	vst v26;
	v28 =	vadd.f32 v61, v60  }
0x24f: {  	v33 =	vld [tilespmem:s4+$0x12070];
	[tilespmem:s12+$0x14060] =	vst v34;
	v30 =	vadd.f32 v62, v60  }
0x250: {  	v35 =	vld [tilespmem:s12+$0x8070];
	v32 =	vadd.f32 v63, v60;
	[tilespmem:s12+$0x16040] =	vst v28  }
0x251: {  	v36 =	vld [tilespmem:s12+$0x80F0];
	v2 =	vadd.f32 v27, v23;
	[tilespmem:s12+$0x160C0] =	vst v30  }
0x252: {  	v38 =	vld [tilespmem:s12+$0x8170];
	v37 =	vadd.f32 v29, v23;
	[tilespmem:s12+$0x16140] =	vst v32  }
0x253: {  	v40 =	vld [tilespmem:s12+$0x81F0];
	v39 =	vadd.f32 v31, v23;
	[tilespmem:s12+$0x140E0] =	vst v2  }
0x254: {  	v18 =	vld [tilespmem:s4+$0x120D0];
	v1 =	vadd.f32 v17, v60;
	[tilespmem:s12+$0x14160] =	vst v37  }
0x255: {  	v45 =	vld [tilespmem:s12+$0xA060];
	v43 =	vadd.f32 v35, v33;
	[tilespmem:s12+$0x141E0] =	vst v39  }
0x256: {  	v50 =	vld [tilespmem:s12+$0xA160];
	v4 =	vadd.f32 v36, v33;
	[tilespmem:s12+$0x161C0] =	vst v1  }
0x257: {  	v42 =	vld [tilespmem:s12+$0xA1D0];
	v46 =	vadd.f32 v38, v33;
	[tilespmem:s12+$0x14070] =	vst v43  }
0x258: {  	v47 =	vadd.f32 v40, v33;
	[tilespmem:s12+$0x140F0] =	vst v4;
	v44 =	vld [tilespmem:s4+$0x120E0]  }
0x259: {  	v48 =	vld [tilespmem:s12+$0xA0E0];
	v49 =	vadd.f32 v19, v18;
	[tilespmem:s12+$0x14170] =	vst v46  }
0x25a: {  	v51 =	vld [tilespmem:s12+$0xA1E0];
	v9 =	vadd.f32 v21, v18;
	[tilespmem:s12+$0x141F0] =	vst v47  }
0x25b: {  	v53 =	vld [tilespmem:s12+$0xA070];
	v0 =	vadd.f32 v41, v18;
	[tilespmem:s12+$0x16050] =	vst v49  }
0x25c: {  	[tilespmem:s12+$0x160D0] =	vst v9;
	v2 =	vadd.f32 v42, v18;
	v52 =	vld [tilespmem:s4+$0x120F0]  }
0x25d: {  	v55 =	vld [tilespmem:s12+$0xA0F0];
	[tilespmem:s12+$0x16150] =	vst v0;
	v54 =	vadd.f32 v45, v44  }
0x25e: {  	v57 =	vld [tilespmem:s12+$0xA170];
	[tilespmem:s12+$0x161D0] =	vst v2;
	v56 =	vadd.f32 v48, v44  }
0x25f: {  	v59 =	vld [tilespmem:s12+$0xA1F0];
	v58 =	vadd.f32 v50, v44;
	[tilespmem:s12+$0x16060] =	vst v54  }
0x260: {  	v1 =	vadd.f32 v51, v44;
	[tilespmem:s12+$0x160E0] =	vst v56  }
0x261: {  	p1 =	slt.u32 s23, $0x70;
	v60 =	vadd.f32 v53, v52;
	[tilespmem:s12+$0x16160] =	vst v58  }
.Ltmp4:
0x262: {  	v61 =	vadd.f32 v55, v52;
	[tilespmem:s12+$0x161E0] =	vst v1;
	(pc) =	sbr.rel @p1 .LBB2_7-.Ltmp4, $4  }
0x263: {  	v62 =	vadd.f32 v57, v52;
	[tilespmem:s12+$0x16070] =	vst v60  }
0x264: {  	v63 =	vadd.f32 v59, v52;
	[tilespmem:s12+$0x160F0] =	vst v61  }
0x265: {  	s7 =	sadd.s32 $0x10, s23;
	[tilespmem:s12+$0x16170] =	vst v62  }
0x266: {  	s23 =	smov.u32 s7;
	[tilespmem:s12+$0x161F0] =	vst v63  }
0x267: {  	s4 =	sadd.s32 $0x1000, s17  }
0x268: {  	[hbm4b:s4+s5] =	stream.linear.scatter [tilespmem:s28], [sflag:$0x5], $0x4000, $0x38;
	[tilespmem:$0x1C000] =	vst v63  }
0x269: {  	s4 =	sadd.s32 @!p0 s16, s21  }
0x26a: {  	s12 =	simm.s32 @!p0 $0x0;
	s7 =	sshll.u32 @!p0 s4, $0xA;
	s4 =	sshll.u32 @!p0 s4, $0x8  }
0x26b: {  	s23 =	simm.s32 @!p0 $0x8000;
	s7 =	sadd.s32 @!p0 s1, s7;
	s4 =	sand.u32 @!p0 $0x3FF800, s4  }
0x26c: {  	[tilespmem:s23], [sflag:$0x3] =	stream.linear.gather @!p0 [hbm4b:s7+s12], $0x4000, $0x38;
	[tilespmem:$0x1C000] =	vst v63  }
0x26d: {  	s4 =	sadd.s32 @!p0 s4, s13  }
0x26e: {  	s7 =	simm.s32 @!p0 $0x100;
	s12 =	simm.s32 @!p0 $0x400;
	s23 =	simm.s32 @!p0 $0x12000  }
0x26f: {  	[tilespmem:s23], [sflag:$0x3] =	stream.strided.gather @!p0 [hbm4b:s4+s7], $0x1000, s12, s7, $0x38;
	[tilespmem:$0x1C000] =	vst v63  }
0x270: {  	_ =	swait.ge [sflag:s10], $0x4000  }
0x271: {  	[sflag:s10] =	ssyncset.done $0x0  }
0x272: {  	[sflag:s10] =	ssyncadd.s32 $0xFFFFC000  }
0x273: {  	_ =	swait.ge [sflag:s11], $0x4000  }
0x274: {  	[sflag:s11] =	ssyncset.done $0x0  }
0x275: {  	[sflag:s11] =	ssyncadd.s32 $0xFFFFC000  }
0x276: {  	_ =	swait.ge [sflag:s11], $0x1000  }
0x277: {  	[sflag:s11] =	ssyncset.done $0x0  }
0x278: {  	s23 =	simm.s32 $0x0;
	[sflag:s11] =	ssyncadd.s32 $0xFFFFF000  }
.LBB2_9:
0x279: {  	s7 =	sshll.u32 s23, $0x6  }
0x27a: {  	v1 =	vld [tilespmem:s7+$0xC000]  }
0x27b: {  	v2 =	vld [tilespmem:s7+$0xC080]  }
0x27c: {  	v3 =	vld [tilespmem:s7+$0xC100]  }
0x27d: {  	v4 =	vld [tilespmem:s7+$0xC180]  }
0x27e: {  	v6 =	vld [tilespmem:s7+$0xC010]  }
0x27f: {  	v7 =	vld [tilespmem:s7+$0xC090]  }
0x280: {  	v39 =	vld [tilespmem:s7+$0xC110]  }
0x281: {  	v40 =	vld [tilespmem:s7+$0xC190]  }
0x282: {  	v43 =	vld [tilespmem:s7+$0xE000]  }
0x283: {  	v45 =	vld [tilespmem:s7+$0xE080]  }
0x284: {  	v46 =	vld [tilespmem:s7+$0xE100]  }
0x285: {  	v47 =	vld [tilespmem:s7+$0xE180]  }
0x286: {  	v9 =	vld [tilespmem:s7+$0xC020]  }
0x287: {  	v10 =	vld [tilespmem:s7+$0xC0A0]  }
0x288: {  	v11 =	vld [tilespmem:s7+$0xC120]  }
0x289: {  	v12 =	vld [tilespmem:s7+$0xC1A0]  }
0x28a: {  	v14 =	vld [tilespmem:s7+$0xC030]  }
0x28b: {  	v15 =	vld [tilespmem:s7+$0xC0B0]  }
0x28c: {  	v49 =	vld [tilespmem:s7+$0xC130]  }
0x28d: {  	v50 =	vld [tilespmem:s7+$0xC1B0]  }
0x28e: {  	v51 =	vld [tilespmem:s7+$0xE110]  }
0x28f: {  	v52 =	vld [tilespmem:s7+$0xE190]  }
0x290: {  	v16 =	vld [tilespmem:s7+$0xE020]  }
0x291: {  	v56 =	vld [tilespmem:s7+$0xE0A0]  }
0x292: {  	v57 =	vld [tilespmem:s7+$0xE120]  }
0x293: {  	v58 =	vld [tilespmem:s7+$0xE1A0]  }
0x294: {  	v59 =	vld [tilespmem:s7+$0xE030]  }
0x295: {  	v17 =	vld [tilespmem:s7+$0xE0B0]  }
0x296: {  	v19 =	vld [tilespmem:s7+$0xC040]  }
0x297: {  	v20 =	vld [tilespmem:s7+$0xC0C0]  }
0x298: {  	s4 =	sshll.u32 s23, $0x5;
	v21 =	vld [tilespmem:s7+$0xC140]  }
0x299: {  	s4 =	sand.u32 $0x3FFFFFE0, s4;
	v22 =	vld [tilespmem:s7+$0xC1C0]  }
0x29a: {  	v0 =	vld [tilespmem:s4+$0x13000]  }
0x29b: {  	v24 =	vld [tilespmem:s7+$0xC050]  }
0x29c: {  	v25 =	vld [tilespmem:s7+$0xC0D0]  }
0x29d: {  	v61 =	vld [tilespmem:s7+$0xC150]  }
0x29e: {  	v5 =	vld [tilespmem:s4+$0x13010]  }
0x29f: {  	v62 =	vld [tilespmem:s7+$0xC1D0];
	v1 =	vadd.f32 v1, v0  }
0x2a0: {  	v63 =	vld [tilespmem:s7+$0xE130];
	v2 =	vadd.f32 v2, v0  }
0x2a1: {  	v8 =	vld [tilespmem:s4+$0x13020];
	v38 =	vadd.f32 v3, v0;
	[tilespmem:s7+$0x18000] =	vst v1  }
0x2a2: {  	v26 =	vld [tilespmem:s7+$0xE040];
	v0 =	vadd.f32 v4, v0;
	[tilespmem:s7+$0x18080] =	vst v2  }
0x2a3: {  	v27 =	vld [tilespmem:s7+$0xE0D0];
	v41 =	vadd.f32 v6, v5;
	[tilespmem:s7+$0x18100] =	vst v38  }
0x2a4: {  	v29 =	vld [tilespmem:s7+$0xC060];
	v42 =	vadd.f32 v7, v5;
	[tilespmem:s7+$0x18180] =	vst v0  }
0x2a5: {  	v13 =	vld [tilespmem:s4+$0x13030];
	v44 =	vadd.f32 v39, v5;
	[tilespmem:s7+$0x18010] =	vst v41  }
0x2a6: {  	v30 =	vld [tilespmem:s7+$0xC0E0];
	v9 =	vadd.f32 v9, v8;
	[tilespmem:s7+$0x18090] =	vst v42  }
0x2a7: {  	v31 =	vld [tilespmem:s7+$0xC160];
	v10 =	vadd.f32 v10, v8;
	[tilespmem:s7+$0x18110] =	vst v44  }
0x2a8: {  	v18 =	vld [tilespmem:s4+$0x13040];
	v48 =	vadd.f32 v11, v8;
	[tilespmem:s7+$0x18020] =	vst v9  }
0x2a9: {  	v32 =	vld [tilespmem:s7+$0xC1E0];
	v8 =	vadd.f32 v12, v8;
	[tilespmem:s7+$0x180A0] =	vst v10  }
0x2aa: {  	v28 =	vld [tilespmem:s4+$0x13060];
	v53 =	vadd.f32 v14, v13;
	[tilespmem:s7+$0x18120] =	vst v48  }
0x2ab: {  	v23 =	vld [tilespmem:s4+$0x13050];
	v15 =	vadd.f32 v15, v13;
	[tilespmem:s7+$0x181A0] =	vst v8  }
0x2ac: {  	v36 =	vld [tilespmem:s4+$0x13070];
	v55 =	vadd.f32 v49, v13;
	[tilespmem:s7+$0x18030] =	vst v53  }
0x2ad: {  	v7 =	vld [tilespmem:s7+$0xE090];
	v19 =	vadd.f32 v19, v18;
	[tilespmem:s7+$0x180B0] =	vst v15  }
0x2ae: {  	v20 =	vadd.f32 v20, v18;
	v60 =	vadd.f32 v21, v18;
	v21 =	vld [tilespmem:s7+$0xE0C0];
	[tilespmem:s7+$0x18130] =	vst v55  }
0x2af: {  	v37 =	vadd.f32 v29, v28;
	v29 =	vld [tilespmem:s7+$0xE160];
	[tilespmem:s7+$0x18040] =	vst v19  }
0x2b0: {  	v18 =	vadd.f32 v22, v18;
	v2 =	vadd.f32 v40, v5;
	v5 =	vld [tilespmem:s7+$0xE010];
	[tilespmem:s7+$0x180C0] =	vst v20  }
0x2b1: {  	v34 =	vadd.f32 v24, v23;
	v25 =	vadd.f32 v25, v23;
	[tilespmem:s7+$0x18140] =	vst v60;
	v19 =	vld [tilespmem:s7+$0xE1B0]  }
0x2b2: {  	v35 =	vadd.f32 v61, v23;
	[tilespmem:s7+$0x181C0] =	vst v18;
	v20 =	vadd.f32 v62, v23;
	v23 =	vld [tilespmem:s7+$0xE140]  }
0x2b3: {  	[tilespmem:s7+$0x18050] =	vst v34;
	v18 =	vld [tilespmem:s7+$0xE1C0]  }
0x2b4: {  	[tilespmem:s7+$0x180D0] =	vst v25;
	v25 =	vld [tilespmem:s7+$0xE050]  }
0x2b5: {  	v39 =	vadd.f32 v30, v28;
	[tilespmem:s7+$0x18150] =	vst v35;
	v1 =	vld [tilespmem:s4+$0x13080]  }
0x2b6: {  	v38 =	vld [tilespmem:s7+$0xC070];
	[tilespmem:s7+$0x18060] =	vst v37  }
0x2b7: {  	v10 =	vadd.f32 v50, v13;
	v40 =	vld [tilespmem:s7+$0xC0F0];
	[tilespmem:s7+$0x180E0] =	vst v39  }
0x2b8: {  	v42 =	vld [tilespmem:s7+$0xC170];
	[tilespmem:s7+$0x18190] =	vst v2  }
0x2b9: {  	v41 =	vadd.f32 v31, v28;
	v44 =	vld [tilespmem:s7+$0xC1F0];
	[tilespmem:s7+$0x181B0] =	vst v10  }
0x2ba: {  	v9 =	vld [tilespmem:s7+$0xE0F0];
	[tilespmem:s7+$0x181D0] =	vst v20;
	v6 =	vadd.f32 v43, v1  }
0x2bb: {  	v34 =	vld [tilespmem:s7+$0xE170];
	[tilespmem:s7+$0x18160] =	vst v41;
	v3 =	vadd.f32 v45, v1  }
0x2bc: {  	v35 =	vld [tilespmem:s7+$0xE1F0];
	v4 =	vadd.f32 v46, v1;
	[tilespmem:s7+$0x1A000] =	vst v6  }
0x2bd: {  	v54 =	vld [tilespmem:s4+$0x130A0];
	v43 =	vadd.f32 v32, v28;
	[tilespmem:s7+$0x1A080] =	vst v3  }
0x2be: {  	v24 =	vld [tilespmem:s4+$0x130C0];
	v0 =	vadd.f32 v47, v1;
	[tilespmem:s7+$0x1A100] =	vst v4  }
0x2bf: {  	v2 =	vld [tilespmem:s4+$0x13090];
	v45 =	vadd.f32 v38, v36;
	[tilespmem:s7+$0x181E0] =	vst v43  }
0x2c0: {  	v10 =	vld [tilespmem:s4+$0x130B0];
	v46 =	vadd.f32 v40, v36;
	[tilespmem:s7+$0x1A180] =	vst v0  }
0x2c1: {  	v20 =	vld [tilespmem:s4+$0x130D0];
	v47 =	vadd.f32 v42, v36;
	[tilespmem:s7+$0x18070] =	vst v45  }
0x2c2: {  	v1 =	vld [tilespmem:s7+$0xE150];
	v49 =	vadd.f32 v16, v54;
	[tilespmem:s7+$0x180F0] =	vst v46  }
0x2c3: {  	v28 =	vld [tilespmem:s7+$0xE0E0];
	v50 =	vadd.f32 v56, v54;
	[tilespmem:s7+$0x18170] =	vst v47  }
0x2c4: {  	v39 =	vadd.f32 v26, v24;
	v3 =	vld [tilespmem:s7+$0xE1D0];
	[tilespmem:s7+$0x1A020] =	vst v49  }
0x2c5: {  	v4 =	vld [tilespmem:s7+$0xE060];
	v6 =	vadd.f32 v44, v36;
	[tilespmem:s7+$0x1A0A0] =	vst v50  }
0x2c6: {  	v7 =	vadd.f32 v7, v2;
	[tilespmem:s7+$0x1A040] =	vst v39;
	v0 =	vld [tilespmem:s4+$0x130E0]  }
0x2c7: {  	s12 =	sshrl.u32 s23, $0x3;
	v41 =	vadd.f32 v21, v24;
	[tilespmem:s7+$0x181F0] =	vst v6;
	v6 =	vld [tilespmem:s7+$0xE1E0]  }
0x2c8: {  	s12 =	sor.u32 $0x1, s12;
	v42 =	vadd.f32 v23, v24;
	[tilespmem:s7+$0x1A090] =	vst v7;
	v7 =	vld [tilespmem:s7+$0xE070]  }
0x2c9: {  	v5 =	vadd.f32 v5, v2;
	[tilespmem:s7+$0x1A0C0] =	vst v41;
	v12 =	vld [tilespmem:s4+$0x130F0];
	s4 =	sshll.u32 s12, $0x8;
	s12 =	sshll.u32 s12, $0x9  }
0x2ca: {  	v48 =	vadd.f32 v51, v2;
	[tilespmem:s7+$0x1A140] =	vst v42;
	v53 =	vld [tilespmem:s12+$0xC000]  }
0x2cb: {  	v2 =	vadd.f32 v52, v2;
	[tilespmem:s7+$0x1A010] =	vst v5;
	v55 =	vld [tilespmem:s12+$0xC080]  }
0x2cc: {  	v52 =	vadd.f32 v57, v54;
	[tilespmem:s7+$0x1A110] =	vst v48;
	v57 =	vld [tilespmem:s12+$0xC100]  }
0x2cd: {  	v54 =	vadd.f32 v58, v54;
	v56 =	vadd.f32 v59, v10;
	[tilespmem:s7+$0x1A190] =	vst v2;
	v59 =	vld [tilespmem:s12+$0xC180]  }
0x2ce: {  	v60 =	vadd.f32 v63, v10;
	[tilespmem:s7+$0x1A120] =	vst v52;
	v63 =	vld [tilespmem:s12+$0xC010]  }
0x2cf: {  	v58 =	vadd.f32 v17, v10;
	[tilespmem:s7+$0x1A1A0] =	vst v54;
	v22 =	vld [tilespmem:s12+$0xC090]  }
0x2d0: {  	[tilespmem:s7+$0x1A030] =	vst v56;
	v31 =	vld [tilespmem:s12+$0xC110]  }
0x2d1: {  	v10 =	vadd.f32 v19, v10;
	[tilespmem:s7+$0x1A0B0] =	vst v58;
	v33 =	vld [tilespmem:s12+$0xC190]  }
0x2d2: {  	v43 =	vadd.f32 v18, v24;
	[tilespmem:s7+$0x1A130] =	vst v60;
	v36 =	vld [tilespmem:s12+$0xE000]  }
0x2d3: {  	v45 =	vadd.f32 v25, v20;
	[tilespmem:s7+$0x1A1B0] =	vst v10;
	v38 =	vld [tilespmem:s12+$0xE080]  }
0x2d4: {  	v46 =	vadd.f32 v27, v20;
	[tilespmem:s7+$0x1A1C0] =	vst v43;
	v40 =	vld [tilespmem:s12+$0xE100]  }
0x2d5: {  	[tilespmem:s7+$0x1A050] =	vst v45;
	v1 =	vadd.f32 v1, v20;
	v44 =	vld [tilespmem:s12+$0xE010]  }
0x2d6: {  	[tilespmem:s7+$0x1A0D0] =	vst v46;
	v19 =	vld [tilespmem:s12+$0xE090];
	v3 =	vadd.f32 v3, v20  }
0x2d7: {  	v48 =	vld [tilespmem:s12+$0xC020];
	[tilespmem:s7+$0x1A150] =	vst v1;
	v50 =	vadd.f32 v4, v0  }
0x2d8: {  	v49 =	vld [tilespmem:s12+$0xC0A0];
	v52 =	vadd.f32 v28, v0;
	[tilespmem:s7+$0x1A1D0] =	vst v3  }
0x2d9: {  	s4 =	sand.u32 $0x3FFFFF00, s4;
	v24 =	vld [tilespmem:s12+$0xE110];
	v54 =	vadd.f32 v29, v0;
	[tilespmem:s7+$0x1A060] =	vst v50  }
0x2da: {  	v51 =	vld [tilespmem:s4+$0x13000];
	v0 =	vadd.f32 v6, v0;
	[tilespmem:s7+$0x1A0E0] =	vst v52  }
0x2db: {  	v25 =	vld [tilespmem:s12+$0xE190];
	[tilespmem:s7+$0x1A160] =	vst v54;
	v7 =	vadd.f32 v7, v12  }
0x2dc: {  	v41 =	vld [tilespmem:s12+$0xC040];
	v9 =	vadd.f32 v9, v12;
	[tilespmem:s7+$0x1A1E0] =	vst v0  }
0x2dd: {  	v43 =	vld [tilespmem:s12+$0xC0C0];
	v2 =	vadd.f32 v34, v12;
	[tilespmem:s7+$0x1A070] =	vst v7  }
0x2de: {  	v61 =	vld [tilespmem:s4+$0x13010];
	v5 =	vadd.f32 v35, v12;
	[tilespmem:s7+$0x1A0F0] =	vst v9  }
0x2df: {  	v45 =	vld [tilespmem:s12+$0xC140];
	v62 =	vadd.f32 v53, v51;
	[tilespmem:s7+$0x1A170] =	vst v2  }
0x2e0: {  	v21 =	vld [tilespmem:s12+$0xE0D0];
	v17 =	vadd.f32 v55, v51;
	[tilespmem:s7+$0x1A1F0] =	vst v5  }
0x2e1: {  	v47 =	vld [tilespmem:s4+$0x13020];
	v30 =	vadd.f32 v57, v51;
	[tilespmem:s12+$0x18000] =	vst v62  }
0x2e2: {  	v39 =	vld [tilespmem:s4+$0x13040];
	v32 =	vadd.f32 v59, v51;
	[tilespmem:s12+$0x18080] =	vst v17  }
0x2e3: {  	v23 =	vld [tilespmem:s4+$0x13060];
	v13 =	vadd.f32 v63, v61;
	[tilespmem:s12+$0x18100] =	vst v30  }
0x2e4: {  	v29 =	vld [tilespmem:s12+$0xE020];
	v8 =	vadd.f32 v22, v61;
	[tilespmem:s12+$0x18180] =	vst v32  }
0x2e5: {  	v35 =	vld [tilespmem:s12+$0xE030];
	v14 =	vadd.f32 v31, v61;
	[tilespmem:s12+$0x18010] =	vst v13  }
0x2e6: {  	v37 =	vadd.f32 v33, v61;
	v51 =	vld [tilespmem:s12+$0xC120];
	[tilespmem:s12+$0x18090] =	vst v8  }
0x2e7: {  	v53 =	vld [tilespmem:s12+$0xC1A0];
	v56 =	vadd.f32 v48, v47;
	[tilespmem:s12+$0x18110] =	vst v14  }
0x2e8: {  	v55 =	vld [tilespmem:s4+$0x13030];
	v58 =	vadd.f32 v49, v47;
	[tilespmem:s12+$0x18190] =	vst v37  }
0x2e9: {  	v57 =	vld [tilespmem:s12+$0xC030];
	v50 =	vadd.f32 v41, v39;
	[tilespmem:s12+$0x18020] =	vst v56  }
0x2ea: {  	v59 =	vld [tilespmem:s12+$0xC0B0];
	v52 =	vadd.f32 v43, v39;
	[tilespmem:s12+$0x180A0] =	vst v58  }
0x2eb: {  	v61 =	vld [tilespmem:s12+$0xC130];
	v54 =	vadd.f32 v45, v39;
	[tilespmem:s12+$0x18040] =	vst v50  }
0x2ec: {  	v63 =	vld [tilespmem:s12+$0xC1B0];
	[tilespmem:s12+$0x180C0] =	vst v52;
	v60 =	vadd.f32 v51, v47  }
0x2ed: {  	[tilespmem:s12+$0x18140] =	vst v54;
	v10 =	vld [tilespmem:s4+$0x13080];
	v62 =	vadd.f32 v53, v47  }
0x2ee: {  	v31 =	vld [tilespmem:s12+$0xE0A0];
	v26 =	vadd.f32 v57, v55;
	[tilespmem:s12+$0x18120] =	vst v60  }
0x2ef: {  	v33 =	vld [tilespmem:s12+$0xE1A0];
	v28 =	vadd.f32 v59, v55;
	[tilespmem:s12+$0x181A0] =	vst v62  }
0x2f0: {  	v8 =	vld [tilespmem:s12+$0xE180];
	v4 =	vadd.f32 v61, v55;
	[tilespmem:s12+$0x18030] =	vst v26  }
0x2f1: {  	v17 =	vld [tilespmem:s4+$0x13090];
	v30 =	vadd.f32 v63, v55;
	[tilespmem:s12+$0x180B0] =	vst v28  }
0x2f2: {  	v49 =	vld [tilespmem:s4+$0x13050];
	[tilespmem:s12+$0x18130] =	vst v4;
	v36 =	vadd.f32 v36, v10  }
0x2f3: {  	v41 =	vld [tilespmem:s12+$0xE150];
	[tilespmem:s12+$0x181B0] =	vst v30;
	v38 =	vadd.f32 v38, v10  }
0x2f4: {  	v32 =	vld [tilespmem:s12+$0xE120];
	v40 =	vadd.f32 v40, v10;
	[tilespmem:s12+$0x1A000] =	vst v36  }
0x2f5: {  	v47 =	vld [tilespmem:s12+$0xC1C0];
	v42 =	vadd.f32 v8, v10;
	[tilespmem:s12+$0x1A080] =	vst v38  }
0x2f6: {  	v51 =	vld [tilespmem:s12+$0xC050];
	v44 =	vadd.f32 v44, v17;
	[tilespmem:s12+$0x1A100] =	vst v40  }
0x2f7: {  	v53 =	vld [tilespmem:s12+$0xC0D0];
	v46 =	vadd.f32 v19, v17;
	[tilespmem:s12+$0x1A180] =	vst v42  }
0x2f8: {  	v55 =	vld [tilespmem:s12+$0xC150];
	v48 =	vadd.f32 v24, v17;
	[tilespmem:s12+$0x1A010] =	vst v44  }
0x2f9: {  	v57 =	vld [tilespmem:s12+$0xC1D0];
	v1 =	vadd.f32 v25, v17;
	[tilespmem:s12+$0x1A090] =	vst v46  }
0x2fa: {  	v27 =	vld [tilespmem:s4+$0x130A0];
	[tilespmem:s12+$0x1A110] =	vst v48;
	v56 =	vadd.f32 v47, v39  }
0x2fb: {  	v37 =	vld [tilespmem:s12+$0xE0B0];
	v13 =	vadd.f32 v51, v49;
	[tilespmem:s12+$0x1A190] =	vst v1  }
0x2fc: {  	v58 =	vld [tilespmem:s12+$0xE130];
	v8 =	vadd.f32 v53, v49;
	[tilespmem:s12+$0x181C0] =	vst v56  }
0x2fd: {  	v59 =	vld [tilespmem:s12+$0xE1B0];
	v10 =	vadd.f32 v55, v49;
	[tilespmem:s12+$0x18050] =	vst v13  }
0x2fe: {  	v34 =	vld [tilespmem:s4+$0x130B0];
	v3 =	vadd.f32 v57, v49;
	[tilespmem:s12+$0x180D0] =	vst v8  }
0x2ff: {  	v61 =	vld [tilespmem:s12+$0xE040];
	[tilespmem:s12+$0x18150] =	vst v10;
	v6 =	vadd.f32 v29, v27  }
0x300: {  	v63 =	vld [tilespmem:s12+$0xE140];
	[tilespmem:s12+$0x181D0] =	vst v3;
	v16 =	vadd.f32 v31, v27  }
0x301: {  	v62 =	vld [tilespmem:s12+$0xE0C0];
	v4 =	vadd.f32 v32, v27;
	[tilespmem:s12+$0x1A020] =	vst v6  }
0x302: {  	v25 =	vld [tilespmem:s12+$0xC060];
	v0 =	vadd.f32 v33, v27;
	[tilespmem:s12+$0x1A0A0] =	vst v16  }
0x303: {  	v60 =	vld [tilespmem:s4+$0x130C0];
	v20 =	vadd.f32 v35, v34;
	[tilespmem:s12+$0x1A120] =	vst v4  }
0x304: {  	v17 =	vld [tilespmem:s12+$0xE1C0];
	v22 =	vadd.f32 v37, v34;
	[tilespmem:s12+$0x1A1A0] =	vst v0  }
0x305: {  	v19 =	vld [tilespmem:s12+$0xE050];
	v24 =	vadd.f32 v58, v34;
	[tilespmem:s12+$0x1A030] =	vst v20  }
0x306: {  	v26 =	vadd.f32 v59, v34;
	v27 =	vld [tilespmem:s12+$0xC0E0];
	[tilespmem:s12+$0x1A0B0] =	vst v22  }
0x307: {  	v29 =	vld [tilespmem:s12+$0xC160];
	v34 =	vadd.f32 v25, v23;
	[tilespmem:s12+$0x1A130] =	vst v24  }
0x308: {  	v31 =	vld [tilespmem:s12+$0xC1E0];
	[tilespmem:s12+$0x1A1B0] =	vst v26;
	v28 =	vadd.f32 v61, v60  }
0x309: {  	v33 =	vld [tilespmem:s4+$0x13070];
	[tilespmem:s12+$0x18060] =	vst v34;
	v30 =	vadd.f32 v62, v60  }
0x30a: {  	v35 =	vld [tilespmem:s12+$0xC070];
	v32 =	vadd.f32 v63, v60;
	[tilespmem:s12+$0x1A040] =	vst v28  }
0x30b: {  	v36 =	vld [tilespmem:s12+$0xC0F0];
	v2 =	vadd.f32 v27, v23;
	[tilespmem:s12+$0x1A0C0] =	vst v30  }
0x30c: {  	v38 =	vld [tilespmem:s12+$0xC170];
	v37 =	vadd.f32 v29, v23;
	[tilespmem:s12+$0x1A140] =	vst v32  }
0x30d: {  	v40 =	vld [tilespmem:s12+$0xC1F0];
	v39 =	vadd.f32 v31, v23;
	[tilespmem:s12+$0x180E0] =	vst v2  }
0x30e: {  	v18 =	vld [tilespmem:s4+$0x130D0];
	v1 =	vadd.f32 v17, v60;
	[tilespmem:s12+$0x18160] =	vst v37  }
0x30f: {  	v45 =	vld [tilespmem:s12+$0xE060];
	v43 =	vadd.f32 v35, v33;
	[tilespmem:s12+$0x181E0] =	vst v39  }
0x310: {  	v50 =	vld [tilespmem:s12+$0xE160];
	v4 =	vadd.f32 v36, v33;
	[tilespmem:s12+$0x1A1C0] =	vst v1  }
0x311: {  	v42 =	vld [tilespmem:s12+$0xE1D0];
	v46 =	vadd.f32 v38, v33;
	[tilespmem:s12+$0x18070] =	vst v43  }
0x312: {  	v47 =	vadd.f32 v40, v33;
	[tilespmem:s12+$0x180F0] =	vst v4;
	v44 =	vld [tilespmem:s4+$0x130E0]  }
0x313: {  	v48 =	vld [tilespmem:s12+$0xE0E0];
	v49 =	vadd.f32 v19, v18;
	[tilespmem:s12+$0x18170] =	vst v46  }
0x314: {  	v51 =	vld [tilespmem:s12+$0xE1E0];
	v9 =	vadd.f32 v21, v18;
	[tilespmem:s12+$0x181F0] =	vst v47  }
0x315: {  	v53 =	vld [tilespmem:s12+$0xE070];
	v0 =	vadd.f32 v41, v18;
	[tilespmem:s12+$0x1A050] =	vst v49  }
0x316: {  	[tilespmem:s12+$0x1A0D0] =	vst v9;
	v2 =	vadd.f32 v42, v18;
	v52 =	vld [tilespmem:s4+$0x130F0]  }
0x317: {  	v55 =	vld [tilespmem:s12+$0xE0F0];
	[tilespmem:s12+$0x1A150] =	vst v0;
	v54 =	vadd.f32 v45, v44  }
0x318: {  	v57 =	vld [tilespmem:s12+$0xE170];
	[tilespmem:s12+$0x1A1D0] =	vst v2;
	v56 =	vadd.f32 v48, v44  }
0x319: {  	v59 =	vld [tilespmem:s12+$0xE1F0];
	v58 =	vadd.f32 v50, v44;
	[tilespmem:s12+$0x1A060] =	vst v54  }
0x31a: {  	v1 =	vadd.f32 v51, v44;
	[tilespmem:s12+$0x1A0E0] =	vst v56  }
0x31b: {  	p1 =	slt.u32 s23, $0x70;
	v60 =	vadd.f32 v53, v52;
	[tilespmem:s12+$0x1A160] =	vst v58  }
.Ltmp5:
0x31c: {  	v61 =	vadd.f32 v55, v52;
	[tilespmem:s12+$0x1A1E0] =	vst v1;
	(pc) =	sbr.rel @p1 .LBB2_9-.Ltmp5, $4  }
0x31d: {  	v62 =	vadd.f32 v57, v52;
	[tilespmem:s12+$0x1A070] =	vst v60  }
0x31e: {  	v63 =	vadd.f32 v59, v52;
	[tilespmem:s12+$0x1A0F0] =	vst v61  }
0x31f: {  	s7 =	sadd.s32 $0x10, s23;
	[tilespmem:s12+$0x1A170] =	vst v62  }
0x320: {  	s23 =	smov.u32 s7;
	[tilespmem:s12+$0x1A1F0] =	vst v63  }
.Ltmp6:
0x321: {  	(pc) =	sbr.rel @p0 .LBB2_12-.Ltmp6, $3  }
0x322: {  	_ =	sdelay $0x1  }
0x323: {  	s4 =	sadd.s32 $0x1800, s17  }
0x324: {  	[hbm4b:s4+s5] =	stream.linear.scatter [tilespmem:s30], [sflag:$0x6], $0x4000, $0x38;
	[tilespmem:$0x1C000] =	vst v63  }
0x325: {  	s4 =	sadd.s32 s16, s22  }
.Ltmp7:
0x326: {  	s7 =	sshll.u32 s4, $0xA;
	s4 =	sshll.u32 s4, $0x8;
	(pc) =	sbr.rel .LBB2_2-.Ltmp7, $4  }
0x327: {  	s12 =	simm.s32 $0xC000;
	s7 =	sadd.s32 s1, s7;
	s4 =	sand.u32 $0x3FF800, s4  }
0x328: {  	[tilespmem:s12], [sflag:$0x4] =	stream.linear.gather [hbm4b:s7+s5], $0x4000, $0x38;
	[tilespmem:$0x1C000] =	vst v63  }
0x329: {  	s15 =	sadd.s32 $0x1, s15;
	s4 =	sadd.s32 s4, s14  }
0x32a: {  	[tilespmem:s3], [sflag:$0x4] =	stream.strided.gather [hbm4b:s4+s24], $0x1000, s25, s24, $0x38;
	[tilespmem:$0x1C000] =	vst v63  }
.LBB2_13:
0x32b: {  	_ =	sfence.sel $0x180000  }
0x32c: {  	[bflag:$0x0] =	sbarrier.arrive $0xFFFF  }
0x32d: {  	_ =	strace $0x90000047  }
0x32e: {  	s0 =	stileid.u32;
	[bflag:$0x2] =	sbarrier.arrive $0xFFFF  }
0x32f: {  	p0 =	sne.s32 s0, $0x0;
	s0 =	rddreg [dreg:$0x3]  }
0x330: {  	s0 =	sadd.s32 @!p0 $0x100000, s0  }
0x331: {  	[sflag:s0] =	ssyncadd.tile.s32 @!p0 $0x1;
	_ =	shalt  }
.Lfunc_end2:
_tile_overlayer_lowered:
.L_overlay_start_2:
0x332: {  	(tag) =	ssettag $0x2  }
0x333: {  	s0 =	rddreg [dreg:$0x0];
	s2 =	stileid.u32  }
0x334: {  	s1 =	rddreg [dreg:$0x1];
	p0 =	sne.s32 s2, $0x0  }
0x335: {  	s3 =	rddreg [dreg:$0x2];
	[bflag:$0x3] =	sbarrier.arrive $0xFFFF;
	s2 =	simm.s32 @!p0 $0x1C07  }
0x336: {  	[timem:s3], [sflag:s2] =	dma.local @!p0 [hbm:s0], s1  }
0x337: {  	s0 =	simm.s32 @!p0 $0x7  }
0x338: {  	_ =	swait.ge @!p0 [sflag:s0], s1  }
0x339: {  	s1 =	ssub.s32 @!p0 $0x0, s1;
	[sflag:s0] =	ssyncset.done @!p0 $0x0  }
0x33a: {  	[sflag:s0] =	ssyncadd.s32 @!p0 s1  }
0x33b: {  	[bflag:$0x3] =	sbarrier.arrive $0xFFFF  }
0x33c: {  	_ =	shalt  }

</sc_bundles>
